<compile_context>
chip_gen: v7x
topology: tpu7x:2x2x1
jax: 0.10.2.dev20260603
libtpu: 0.0.44.dev20260713+nightly
codegen_flags: <defaults>
</compile_context>

<pallas_src>
import functools

import jax
import jax.numpy as jnp
from jax import lax
from jax.experimental import pallas as pl
from jax.experimental.pallas import tpu as pltpu
from jax.experimental.pallas import tpu_sc as plsc

_BN_EPS = 1e-5
_NC = 2
_NS = 16
_NW = _NC * _NS
_CH = 128


def _segment_sum_sc(table, src3, dst3, npad, width, nch):
  rpt = npad // _NS
  ncopy = rpt // _CH
  mesh = plsc.VectorSubcoreMesh(core_axis_name="c", subcore_axis_name="s")

  @functools.partial(
      pl.kernel,
      out_type=jax.ShapeDtypeStruct((npad, 128), jnp.float32),
      mesh=mesh,
      compiler_params=pltpu.CompilerParams(use_tc_tiling_on_sc=False),
      scratch_types=[
          pltpu.VMEM((nch, _CH), jnp.int32),
          pltpu.VMEM((nch, _CH), jnp.int32),
          pltpu.VMEM((3, _CH, width), jnp.float32),
          pltpu.VMEM_SHARED((npad, width), jnp.float32),
          pltpu.VMEM_SHARED((npad, width), jnp.float32),
          pltpu.SemaphoreType.DMA,
          pltpu.SemaphoreType.DMA,
          pltpu.SemaphoreType.DMA,
      ],
  )
  def k(tab, src_h, dst_h, out, src_v, dst_v, rows_v, acc,
        tab_sh, sem0, sem1, sem2):
    cid = lax.axis_index("c")
    sid = lax.axis_index("s")
    wid = sid * _NC + cid

    pltpu.sync_copy(src_h.at[wid], src_v)
    pltpu.sync_copy(dst_h.at[wid], dst_v)

    n_rows = tab.shape[0]
    stage = -(-n_rows // _NS)
    first = jnp.minimum(sid * stage, n_rows - stage)
    pltpu.sync_copy(tab.at[pl.ds(first, stage), pl.ds(0, width)],
                    tab_sh.at[pl.ds(first, stage)])
    gsrc = tab_sh

    def zrow(i, carry):
      for j in range(width // 16):
        rows_v[2, i, pl.ds(j * 16, 16)] = jnp.zeros((16,), jnp.float32)
      return carry

    lax.fori_loop(0, _CH, zrow, 0)
    base = sid * rpt
    for t in range(ncopy):
      pltpu.sync_copy(rows_v.at[2], acc.at[pl.ds(base + t * _CH, _CH)])
    plsc.subcore_barrier()

    sems = (sem0, sem1, sem2)
    nb = nch - (nch % 3 if nch % 3 else 3)

    def gather(j, b):
      pltpu.async_copy(gsrc.at[src_v.at[j]], rows_v.at[b], sems[b])

    def wait_gather(j, b):
      pltpu.make_async_copy(gsrc.at[src_v.at[j]], rows_v.at[b], sems[b]).wait()

    def scatter(j, b):
      pltpu.sync_copy(rows_v.at[b], acc.at[dst_v.at[j]], add=True)

    gather(0, 0)
    gather(1, 1)

    @pl.loop(0, nb, step=3)
    def _(g):
      for i in range(3):
        j = g + i
        gather(j + 2, (i + 2) % 3)
        wait_gather(j, i)
        scatter(j, i)

    for j in range(nb, nch):
      b = j % 3
      if j + 2 < nch:
        gather(j + 2, (j + 2) % 3)
      wait_gather(j, b)
      scatter(j, b)

    plsc.subcore_barrier()
    pltpu.sync_copy(acc.at[pl.ds(base, rpt)],
                    out.at[pl.ds(base, rpt), pl.ds(cid * width, width)])

  return k(table, src3, dst3)


def _count_sc(dst3, npad, nch):
  rpt = npad // _NS
  cw = 16
  mesh = plsc.VectorSubcoreMesh(core_axis_name="c", subcore_axis_name="s")

  @functools.partial(
      pl.kernel,
      out_type=jax.ShapeDtypeStruct((npad, 128), jnp.float32),
      mesh=mesh,
      compiler_params=pltpu.CompilerParams(use_tc_tiling_on_sc=False),
      scratch_types=[
          pltpu.VMEM((nch, _CH), jnp.int32),
          pltpu.VMEM((_CH, cw), jnp.float32),
          pltpu.VMEM((_CH, cw), jnp.float32),
          pltpu.VMEM_SHARED((npad, cw), jnp.float32),
          pltpu.SemaphoreType.DMA,
      ],
  )
  def k(dst_h, out, dst_v, ones_v, zbuf, acc, sem):
    cid = lax.axis_index("c")
    sid = lax.axis_index("s")
    wid = sid * _NC + cid
    pltpu.sync_copy(dst_h.at[wid], dst_v)

    def fill(i, carry):
      zbuf[i, :] = jnp.zeros((16,), jnp.float32)
      ones_v[i, :] = jnp.ones((16,), jnp.float32)
      return carry

    lax.fori_loop(0, _CH, fill, 0)
    base = sid * rpt
    for t in range(rpt // _CH):
      pltpu.sync_copy(zbuf, acc.at[pl.ds(base + t * _CH, _CH)])
    plsc.subcore_barrier()

    def fire(j, carry):
      pltpu.async_copy(ones_v, acc.at[dst_v.at[j]], sem, add=True)
      return carry

    lax.fori_loop(0, nch, fire, 0)

    def drain(j, carry):
      pltpu.make_async_copy(ones_v, acc.at[dst_v.at[j]], sem).wait()
      return carry

    lax.fori_loop(0, nch, drain, 0)
    plsc.subcore_barrier()
    pltpu.sync_copy(acc.at[pl.ds(base, rpt)],
                    out.at[pl.ds(base, rpt), pl.ds(cid * cw, cw)])

  return k(dst3)


def _tc_pre(x, wl0, wr0):
  n, _ = x.shape
  h = wr0.shape[1]

  def body(x_ref, wl_ref, wr_ref, p_ref, r_ref):
    xb = x_ref[...]
    p_ref[:, :h] = jnp.dot(xb, wl_ref[...], preferred_element_type=jnp.float32)
    r_ref[...] = jnp.dot(xb, wr_ref[...], preferred_element_type=jnp.float32)

  return pl.pallas_call(
      body,
      out_shape=(
          jax.ShapeDtypeStruct((n, 128), jnp.float32),
          jax.ShapeDtypeStruct((n, h), jnp.float32),
      ),
  )(x, wl0, wr0)


def _tc_mid(parts, cnts, r0, b0, gamma0, beta0, wl1, wr1):
  n = r0.shape[0]
  h = r0.shape[1]
  o = wr1.shape[1]

  def body(p_ref, c_ref, r0_ref, b0_ref, g_ref, be_ref, wl_ref, wr_ref,
           q_ref, r1_ref, rc_ref):
    s = p_ref[:n, :h] + p_ref[:n, h:2 * h]
    cnt = c_ref[:n, :1] + c_ref[:n, 16:17]
    rc = 1.0 / jnp.maximum(cnt, 1.0)
    mean = s * rc
    g = g_ref[...] * (1.0 / jnp.sqrt(1.0 + _BN_EPS))
    hh = jnp.maximum(
        (mean + r0_ref[...] + b0_ref[...]) * g + be_ref[...], 0.0)
    q_ref[:, :o] = jnp.dot(hh, wl_ref[...], preferred_element_type=jnp.float32)
    r1_ref[...] = jnp.dot(hh, wr_ref[...], preferred_element_type=jnp.float32)
    rc_ref[...] = jnp.broadcast_to(rc, (n, o))

  return pl.pallas_call(
      body,
      out_shape=(
          jax.ShapeDtypeStruct((n, 128), jnp.float32),
          jax.ShapeDtypeStruct((n, o), jnp.float32),
          jax.ShapeDtypeStruct((n, o), jnp.float32),
      ),
  )(parts, cnts, r0, b0, gamma0, beta0, wl1, wr1)


def _tc_post(parts, rc, r1, b1):
  n, o = rc.shape

  def body(q_ref, rc_ref, r1_ref, b1_ref, out_ref):
    out_ref[...] = (q_ref[:n, :o] + q_ref[:n, o:2 * o]) * rc_ref[...] \
        + r1_ref[...] + b1_ref[...]

  return pl.pallas_call(
      body,
      out_shape=jax.ShapeDtypeStruct((n, o), jnp.float32),
  )(parts, rc, r1, b1)


@jax.jit
def kernel(x, edge_index, Wl0, Wr0, b0, gamma0, beta0, Wl1, Wr1, b1):
  n, d = x.shape
  e = edge_index.shape[1]
  h = Wl0.shape[1]
  o = Wl1.shape[1]
  nch = -(-(-(-e // (_NW * _CH))) // 8) * 8
  e_pad = _NW * _CH * nch
  npad = -(-(n + 1) // (_NS * _CH)) * (_NS * _CH)

  pad = e_pad - e
  src = jnp.concatenate([edge_index[0], jnp.zeros((pad,), jnp.int32)])
  dst = jnp.concatenate([edge_index[1], jnp.full((pad,), n, jnp.int32)])
  src3 = src.reshape(_NW, nch, _CH)
  dst3 = dst.reshape(_NW, nch, _CH)

  cnts = _count_sc(dst3, npad, nch)

  p0, r0 = _tc_pre(x, Wl0, Wr0)

  part0 = _segment_sum_sc(p0, src3, dst3, npad, h, nch)

  q_tab, r1, rc = _tc_mid(
      part0, cnts, r0,
      b0.reshape(1, h), gamma0.reshape(1, h), beta0.reshape(1, h), Wl1, Wr1)

  part1 = _segment_sum_sc(q_tab, src3, dst3, npad, o, nch)

  return _tc_post(part1, rc, r1, b1.reshape(1, o))

# --- scband reference (transcript-rebuilt; emitter-appended) ---
"""Pipeline reference for scband-yelp-gnn-13391708029328 (READ-ONLY COPY).

The authoritative reference and input builder live on the scoring server;
editing this copy changes nothing except your own understanding.
"""

import jax, jax.numpy as jnp
import numpy as np

N = 10000
E = 320000
D = 128
H = 64
O = 32
BN_EPS = 1e-5


def setup_inputs(seed: int = 0) -> dict:
    key = jax.random.key(seed)
    ks = jax.random.split(key, 12)
    x = jax.random.normal(ks[0], (N, D), dtype=jnp.float32)
    edge_index = jax.random.randint(ks[1], (2, E), 0, N, dtype=jnp.int32)
    # SAGEConv layer 0: in=D, out=H. out = mean_aggr(x_j) @ W_l + x @ W_r + b
    Wl0 = jax.random.normal(ks[2], (D, H), dtype=jnp.float32) * (1.0 / np.sqrt(D))
    Wr0 = jax.random.normal(ks[3], (D, H), dtype=jnp.float32) * (1.0 / np.sqrt(D))
    b0 = jnp.zeros((H,), dtype=jnp.float32)
    # BatchNorm1d(H) params (eval mode, running stats are fresh: mean=0, var=1)
    gamma0 = jnp.ones((H,), dtype=jnp.float32)
    beta0 = jnp.zeros((H,), dtype=jnp.float32)
    # SAGEConv layer 1: in=H, out=O
    Wl1 = jax.random.normal(ks[4], (H, O), dtype=jnp.float32) * (1.0 / np.sqrt(H))
    Wr1 = jax.random.normal(ks[5], (H, O), dtype=jnp.float32) * (1.0 / np.sqrt(H))
    b1 = jnp.zeros((O,), dtype=jnp.float32)
    return {"x": x, "edge_index": edge_index, "Wl0": Wl0, "Wr0": Wr0, "b0": b0,
            "gamma0": gamma0, "beta0": beta0, "Wl1": Wl1, "Wr1": Wr1, "b1": b1}


def _sage_conv(x, edge_index, Wl, Wr, b):
    # PyG SAGEConv with mean aggregation: messages flow src -> dst
    src = edge_index[0]
    dst = edge_index[1]
    msg = jnp.take(x, src, axis=0)                      # gather [E, d]
    agg_sum = jax.ops.segment_sum(msg, dst, num_segments=N)   # scatter-add
    cnt = jax.ops.segment_sum(jnp.ones((msg.shape[0],), dtype=x.dtype), dst, num_segments=N)
    mean = agg_sum / jnp.clip(cnt, 1.0, None)[:, None]
    return mean @ Wl + x @ Wr + b


def _batch_norm_eval(h, gamma, beta):
    running_mean = jnp.zeros((h.shape[-1],), dtype=h.dtype)
    running_var = jnp.ones((h.shape[-1],), dtype=h.dtype)
    return (h - running_mean) / jnp.sqrt(running_var + BN_EPS) * gamma + beta


def reference(x, edge_index, Wl0, Wr0, b0, gamma0, beta0, Wl1, Wr1, b1):
    # Layer 0: SAGEConv(D->H) -> BN -> ReLU -> (dropout is identity in eval)
    h = _sage_conv(x, edge_index, Wl0, Wr0, b0)
    h = _batch_norm_eval(h, gamma0, beta0)
    h = jax.nn.relu(h)
    # Layer 1: SAGEConv(H->O); residual skipped since dims differ (H=64 vs O=32); no BN at last layer
    out = _sage_conv(h, edge_index, Wl1, Wr1, b1)
    return out

if __name__ == "__main__":
    import jax
    _d = setup_inputs()
    print(jax.jit(kernel)(*tuple(_d.values())))

</pallas_src>

<mosaic_0001>
#map = affine_map<(d0, d1) -> (0, 0, 0)>
#map1 = affine_map<(d0, d1) -> (0, 0)>
module attributes {stable_mosaic.version = 14 : i64} {
  func.func @k(%arg0: i32, %arg1: i32, %arg2: memref<32x80x128xi32, #tpu.memory_space<hbm>>, %arg3: memref<10240x128xf32, #tpu.memory_space<hbm>>, %arg4: memref<80x128xi32, #tpu.memory_space<vmem>>, %arg5: memref<128x16xf32, #tpu.memory_space<vmem>>, %arg6: memref<128x16xf32, #tpu.memory_space<vmem>>, %arg7: memref<10240x16xf32, #tpu.memory_space<vmem_shared>>, %arg8: memref<!tpu.dma_semaphore, #tpu.memory_space<semaphore_mem>>) attributes {dimension_semantics = [#tpu.dimension_semantics<core_parallel>, #tpu.dimension_semantics<subcore_parallel>], iteration_bounds = array<i64: 2, 16>, scalar_prefetch = 0 : i64, scratch_operands = 5 : i64, tpu.core_type = #tpu.core_type<sc_vector_subcore>, window_params = [{transform_indices = #map}, {transform_indices = #map1}]} {
    %mul3A = arith.constant 2 : i32
    %mul3A_0 = arith.muli %arg1, %mul3A : i32
    %add3A = arith.addi %mul3A_0, %arg0 : i32
    "tpu.region"() ({
      %run_scoped3A = tpu.sem_alloc : memref<!tpu.dma_semaphore, #tpu.memory_space<semaphore_mem>>
      %dma_start3A = arith.constant 0 : i32
      %dma_start3A_33 = arith.constant 0 : i32
      %dma_start3A_34 = tpu.memref_slice %arg2[%add3A, %dma_start3A, %dma_start3A_33] : memref<32x80x128xi32, #tpu.memory_space<hbm>> -> memref<1x80x128xi32, #tpu.memory_space<hbm>>
      %dma_start3A_35 = tpu.memref_squeeze %dma_start3A_34 : memref<1x80x128xi32, #tpu.memory_space<hbm>> -> memref<80x128xi32, #tpu.memory_space<hbm>>
      %dma_start3A_36 = arith.constant 0 : i32
      %dma_start3A_37 = arith.constant 0 : i32
      %dma_start3A_38 = tpu.memref_slice %arg2[%add3A, %dma_start3A_36, %dma_start3A_37] : memref<32x80x128xi32, #tpu.memory_space<hbm>> -> memref<1x80x128xi32, #tpu.memory_space<hbm>>
      %dma_start3A_39 = tpu.memref_squeeze %dma_start3A_38 : memref<1x80x128xi32, #tpu.memory_space<hbm>> -> memref<80x128xi32, #tpu.memory_space<hbm>>
      tpu.enqueue_dma source(%dma_start3A_39 : memref<80x128xi32, #tpu.memory_space<hbm>>) target(%arg4 : memref<80x128xi32, #tpu.memory_space<vmem>>) target_semaphore(%run_scoped3A : memref<!tpu.dma_semaphore, #tpu.memory_space<semaphore_mem>>)
      %dma_wait3A = arith.constant 0 : i32
      %dma_wait3A_40 = arith.constant 0 : i32
      %dma_wait3A_41 = tpu.memref_slice %arg2[%add3A, %dma_wait3A, %dma_wait3A_40] : memref<32x80x128xi32, #tpu.memory_space<hbm>> -> memref<1x80x128xi32, #tpu.memory_space<hbm>>
      %dma_wait3A_42 = tpu.memref_squeeze %dma_wait3A_41 : memref<1x80x128xi32, #tpu.memory_space<hbm>> -> memref<80x128xi32, #tpu.memory_space<hbm>>
      %dma_wait3A_43 = arith.constant 0 : i32
      %dma_wait3A_44 = arith.constant 0 : i32
      %dma_wait3A_45 = tpu.memref_slice %arg2[%add3A, %dma_wait3A_43, %dma_wait3A_44] : memref<32x80x128xi32, #tpu.memory_space<hbm>> -> memref<1x80x128xi32, #tpu.memory_space<hbm>>
      %dma_wait3A_46 = tpu.memref_squeeze %dma_wait3A_45 : memref<1x80x128xi32, #tpu.memory_space<hbm>> -> memref<80x128xi32, #tpu.memory_space<hbm>>
      tpu.wait_dma2 semaphore(%run_scoped3A : memref<!tpu.dma_semaphore, #tpu.memory_space<semaphore_mem>>) src(%dma_wait3A_46 : memref<80x128xi32, #tpu.memory_space<hbm>>) dst(%arg4 : memref<80x128xi32, #tpu.memory_space<vmem>>)
      tpu.yield
    }) : () -> ()
    %scan3A = arith.constant 0 : i32
    %scan3A_1 = arith.constant 0 : i32
    %scan3A_2 = arith.constant 128 : i32
    %scan3A_3 = arith.addi %scan3A_1, %scan3A_2 : i32
    %scan3A_4 = arith.constant 1 : i32
    scf.for %scan3A_33 = %scan3A_1 to %scan3A_3 step %scan3A_4  : i32 {
      %broadcast_in_dim3A = arith.constant 0.000000e+00 : f32
      %broadcast_in_dim3A_34 = vector.broadcast %broadcast_in_dim3A : f32 to vector<16xf32>
      %swap3A = arith.index_cast %scan3A_33 : i32 to index
      %swap3A_35 = arith.constant 0 : index
      %swap3A_36 = tpu.vector_load %arg6[%swap3A, %swap3A_35] {strides = array<i32>} : memref<128x16xf32, #tpu.memory_space<vmem>>, vector<1x16xf32>,
      %swap3A_37 = vector.shape_cast %swap3A_36 : vector<1x16xf32> to vector<16xf32>
      %swap3A_38 = vector.shape_cast %broadcast_in_dim3A_34 : vector<16xf32> to vector<1x16xf32>
      tpu.vector_store %arg6[%swap3A, %swap3A_35], %swap3A_38 {strides = array<i32>} : memref<128x16xf32, #tpu.memory_space<vmem>>, vector<1x16xf32>,
      %broadcast_in_dim3A_39 = arith.constant 1.000000e+00 : f32
      %broadcast_in_dim3A_40 = vector.broadcast %broadcast_in_dim3A_39 : f32 to vector<16xf32>
      %swap3A_41 = arith.index_cast %scan3A_33 : i32 to index
      %swap3A_42 = arith.constant 0 : index
      %swap3A_43 = tpu.vector_load %arg5[%swap3A_41, %swap3A_42] {strides = array<i32>} : memref<128x16xf32, #tpu.memory_space<vmem>>, vector<1x16xf32>,
      %swap3A_44 = vector.shape_cast %swap3A_43 : vector<1x16xf32> to vector<16xf32>
      %swap3A_45 = vector.shape_cast %broadcast_in_dim3A_40 : vector<16xf32> to vector<1x16xf32>
      tpu.vector_store %arg5[%swap3A_41, %swap3A_42], %swap3A_45 {strides = array<i32>} : memref<128x16xf32, #tpu.memory_space<vmem>>, vector<1x16xf32>,
    }
    %scan3A_5 = arith.constant 128 : i32
    %mul3A_6 = arith.constant 640 : i32
    %mul3A_7 = arith.muli %arg1, %mul3A_6 : i32
    %add3A_8 = arith.constant 0 : i32
    %add3A_9 = arith.addi %mul3A_7, %add3A_8 : i32
    "tpu.region"() ({
      %run_scoped3A = tpu.sem_alloc : memref<!tpu.dma_semaphore, #tpu.memory_space<semaphore_mem>>
      %dma_start3A = arith.constant 0 : i32
      %dma_start3A_33 = tpu.memref_slice %arg7[%add3A_9, %dma_start3A] : memref<10240x16xf32, #tpu.memory_space<vmem_shared>> -> memref<128x16xf32, #tpu.memory_space<vmem_shared>>
      %dma_start3A_34 = arith.constant 0 : i32
      %dma_start3A_35 = tpu.memref_slice %arg7[%add3A_9, %dma_start3A_34] : memref<10240x16xf32, #tpu.memory_space<vmem_shared>> -> memref<128x16xf32, #tpu.memory_space<vmem_shared>>
      tpu.enqueue_dma source(%arg6 : memref<128x16xf32, #tpu.memory_space<vmem>>) target(%dma_start3A_35 : memref<128x16xf32, #tpu.memory_space<vmem_shared>>) target_semaphore(%run_scoped3A : memref<!tpu.dma_semaphore, #tpu.memory_space<semaphore_mem>>)
      %dma_wait3A = arith.constant 0 : i32
      %dma_wait3A_36 = tpu.memref_slice %arg7[%add3A_9, %dma_wait3A] : memref<10240x16xf32, #tpu.memory_space<vmem_shared>> -> memref<128x16xf32, #tpu.memory_space<vmem_shared>>
      %dma_wait3A_37 = arith.constant 0 : i32
      %dma_wait3A_38 = tpu.memref_slice %arg7[%add3A_9, %dma_wait3A_37] : memref<10240x16xf32, #tpu.memory_space<vmem_shared>> -> memref<128x16xf32, #tpu.memory_space<vmem_shared>>
      tpu.wait_dma2 semaphore(%run_scoped3A : memref<!tpu.dma_semaphore, #tpu.memory_space<semaphore_mem>>) src(%arg6 : memref<128x16xf32, #tpu.memory_space<vmem>>) dst(%dma_wait3A_38 : memref<128x16xf32, #tpu.memory_space<vmem_shared>>)
      tpu.yield
    }) : () -> ()
    %add3A_10 = arith.constant 128 : i32
    %add3A_11 = arith.addi %mul3A_7, %add3A_10 : i32
    "tpu.region"() ({
      %run_scoped3A = tpu.sem_alloc : memref<!tpu.dma_semaphore, #tpu.memory_space<semaphore_mem>>
      %dma_start3A = arith.constant 0 : i32
      %dma_start3A_33 = tpu.memref_slice %arg7[%add3A_11, %dma_start3A] : memref<10240x16xf32, #tpu.memory_space<vmem_shared>> -> memref<128x16xf32, #tpu.memory_space<vmem_shared>>
      %dma_start3A_34 = arith.constant 0 : i32
      %dma_start3A_35 = tpu.memref_slice %arg7[%add3A_11, %dma_start3A_34] : memref<10240x16xf32, #tpu.memory_space<vmem_shared>> -> memref<128x16xf32, #tpu.memory_space<vmem_shared>>
      tpu.enqueue_dma source(%arg6 : memref<128x16xf32, #tpu.memory_space<vmem>>) target(%dma_start3A_35 : memref<128x16xf32, #tpu.memory_space<vmem_shared>>) target_semaphore(%run_scoped3A : memref<!tpu.dma_semaphore, #tpu.memory_space<semaphore_mem>>)
      %dma_wait3A = arith.constant 0 : i32
      %dma_wait3A_36 = tpu.memref_slice %arg7[%add3A_11, %dma_wait3A] : memref<10240x16xf32, #tpu.memory_space<vmem_shared>> -> memref<128x16xf32, #tpu.memory_space<vmem_shared>>
      %dma_wait3A_37 = arith.constant 0 : i32
      %dma_wait3A_38 = tpu.memref_slice %arg7[%add3A_11, %dma_wait3A_37] : memref<10240x16xf32, #tpu.memory_space<vmem_shared>> -> memref<128x16xf32, #tpu.memory_space<vmem_shared>>
      tpu.wait_dma2 semaphore(%run_scoped3A : memref<!tpu.dma_semaphore, #tpu.memory_space<semaphore_mem>>) src(%arg6 : memref<128x16xf32, #tpu.memory_space<vmem>>) dst(%dma_wait3A_38 : memref<128x16xf32, #tpu.memory_space<vmem_shared>>)
      tpu.yield
    }) : () -> ()
    %add3A_12 = arith.constant 256 : i32
    %add3A_13 = arith.addi %mul3A_7, %add3A_12 : i32
    "tpu.region"() ({
      %run_scoped3A = tpu.sem_alloc : memref<!tpu.dma_semaphore, #tpu.memory_space<semaphore_mem>>
      %dma_start3A = arith.constant 0 : i32
      %dma_start3A_33 = tpu.memref_slice %arg7[%add3A_13, %dma_start3A] : memref<10240x16xf32, #tpu.memory_space<vmem_shared>> -> memref<128x16xf32, #tpu.memory_space<vmem_shared>>
      %dma_start3A_34 = arith.constant 0 : i32
      %dma_start3A_35 = tpu.memref_slice %arg7[%add3A_13, %dma_start3A_34] : memref<10240x16xf32, #tpu.memory_space<vmem_shared>> -> memref<128x16xf32, #tpu.memory_space<vmem_shared>>
      tpu.enqueue_dma source(%arg6 : memref<128x16xf32, #tpu.memory_space<vmem>>) target(%dma_start3A_35 : memref<128x16xf32, #tpu.memory_space<vmem_shared>>) target_semaphore(%run_scoped3A : memref<!tpu.dma_semaphore, #tpu.memory_space<semaphore_mem>>)
      %dma_wait3A = arith.constant 0 : i32
      %dma_wait3A_36 = tpu.memref_slice %arg7[%add3A_13, %dma_wait3A] : memref<10240x16xf32, #tpu.memory_space<vmem_shared>> -> memref<128x16xf32, #tpu.memory_space<vmem_shared>>
      %dma_wait3A_37 = arith.constant 0 : i32
      %dma_wait3A_38 = tpu.memref_slice %arg7[%add3A_13, %dma_wait3A_37] : memref<10240x16xf32, #tpu.memory_space<vmem_shared>> -> memref<128x16xf32, #tpu.memory_space<vmem_shared>>
      tpu.wait_dma2 semaphore(%run_scoped3A : memref<!tpu.dma_semaphore, #tpu.memory_space<semaphore_mem>>) src(%arg6 : memref<128x16xf32, #tpu.memory_space<vmem>>) dst(%dma_wait3A_38 : memref<128x16xf32, #tpu.memory_space<vmem_shared>>)
      tpu.yield
    }) : () -> ()
    %add3A_14 = arith.constant 384 : i32
    %add3A_15 = arith.addi %mul3A_7, %add3A_14 : i32
    "tpu.region"() ({
      %run_scoped3A = tpu.sem_alloc : memref<!tpu.dma_semaphore, #tpu.memory_space<semaphore_mem>>
      %dma_start3A = arith.constant 0 : i32
      %dma_start3A_33 = tpu.memref_slice %arg7[%add3A_15, %dma_start3A] : memref<10240x16xf32, #tpu.memory_space<vmem_shared>> -> memref<128x16xf32, #tpu.memory_space<vmem_shared>>
      %dma_start3A_34 = arith.constant 0 : i32
      %dma_start3A_35 = tpu.memref_slice %arg7[%add3A_15, %dma_start3A_34] : memref<10240x16xf32, #tpu.memory_space<vmem_shared>> -> memref<128x16xf32, #tpu.memory_space<vmem_shared>>
      tpu.enqueue_dma source(%arg6 : memref<128x16xf32, #tpu.memory_space<vmem>>) target(%dma_start3A_35 : memref<128x16xf32, #tpu.memory_space<vmem_shared>>) target_semaphore(%run_scoped3A : memref<!tpu.dma_semaphore, #tpu.memory_space<semaphore_mem>>)
      %dma_wait3A = arith.constant 0 : i32
      %dma_wait3A_36 = tpu.memref_slice %arg7[%add3A_15, %dma_wait3A] : memref<10240x16xf32, #tpu.memory_space<vmem_shared>> -> memref<128x16xf32, #tpu.memory_space<vmem_shared>>
      %dma_wait3A_37 = arith.constant 0 : i32
      %dma_wait3A_38 = tpu.memref_slice %arg7[%add3A_15, %dma_wait3A_37] : memref<10240x16xf32, #tpu.memory_space<vmem_shared>> -> memref<128x16xf32, #tpu.memory_space<vmem_shared>>
      tpu.wait_dma2 semaphore(%run_scoped3A : memref<!tpu.dma_semaphore, #tpu.memory_space<semaphore_mem>>) src(%arg6 : memref<128x16xf32, #tpu.memory_space<vmem>>) dst(%dma_wait3A_38 : memref<128x16xf32, #tpu.memory_space<vmem_shared>>)
      tpu.yield
    }) : () -> ()
    %add3A_16 = arith.constant 512 : i32
    %add3A_17 = arith.addi %mul3A_7, %add3A_16 : i32
    "tpu.region"() ({
      %run_scoped3A = tpu.sem_alloc : memref<!tpu.dma_semaphore, #tpu.memory_space<semaphore_mem>>
      %dma_start3A = arith.constant 0 : i32
      %dma_start3A_33 = tpu.memref_slice %arg7[%add3A_17, %dma_start3A] : memref<10240x16xf32, #tpu.memory_space<vmem_shared>> -> memref<128x16xf32, #tpu.memory_space<vmem_shared>>
      %dma_start3A_34 = arith.constant 0 : i32
      %dma_start3A_35 = tpu.memref_slice %arg7[%add3A_17, %dma_start3A_34] : memref<10240x16xf32, #tpu.memory_space<vmem_shared>> -> memref<128x16xf32, #tpu.memory_space<vmem_shared>>
      tpu.enqueue_dma source(%arg6 : memref<128x16xf32, #tpu.memory_space<vmem>>) target(%dma_start3A_35 : memref<128x16xf32, #tpu.memory_space<vmem_shared>>) target_semaphore(%run_scoped3A : memref<!tpu.dma_semaphore, #tpu.memory_space<semaphore_mem>>)
      %dma_wait3A = arith.constant 0 : i32
      %dma_wait3A_36 = tpu.memref_slice %arg7[%add3A_17, %dma_wait3A] : memref<10240x16xf32, #tpu.memory_space<vmem_shared>> -> memref<128x16xf32, #tpu.memory_space<vmem_shared>>
      %dma_wait3A_37 = arith.constant 0 : i32
      %dma_wait3A_38 = tpu.memref_slice %arg7[%add3A_17, %dma_wait3A_37] : memref<10240x16xf32, #tpu.memory_space<vmem_shared>> -> memref<128x16xf32, #tpu.memory_space<vmem_shared>>
      tpu.wait_dma2 semaphore(%run_scoped3A : memref<!tpu.dma_semaphore, #tpu.memory_space<semaphore_mem>>) src(%arg6 : memref<128x16xf32, #tpu.memory_space<vmem>>) dst(%dma_wait3A_38 : memref<128x16xf32, #tpu.memory_space<vmem_shared>>)
      tpu.yield
    }) : () -> ()
    %barrier3A = arith.constant 0 : index
    tpu.barrier barrier_id(%barrier3A)
    %scan3A_18 = arith.constant 0 : i32
    %scan3A_19 = arith.constant 0 : i32
    %scan3A_20 = arith.constant 80 : i32
    %scan3A_21 = arith.addi %scan3A_19, %scan3A_20 : i32
    %scan3A_22 = arith.constant 1 : i32
    scf.for %scan3A_33 = %scan3A_19 to %scan3A_21 step %scan3A_22  : i32 {
      %dma_start3A = arith.constant 0 : i32
      %dma_start3A_34 = tpu.memref_slice %arg4[%scan3A_33, %dma_start3A] : memref<80x128xi32, #tpu.memory_space<vmem>> -> memref<1x128xi32, #tpu.memory_space<vmem>>
      %dma_start3A_35 = tpu.memref_squeeze %dma_start3A_34 : memref<1x128xi32, #tpu.memory_space<vmem>> -> memref<128xi32, #tpu.memory_space<vmem>>
      %dma_start3A_36 = arith.constant 0 : i32
      %dma_start3A_37 = arith.constant 0 : i32
      %dma_start3A_38 = tpu.memref_slice %arg7[%dma_start3A_36, %dma_start3A_37] : memref<10240x16xf32, #tpu.memory_space<vmem_shared>> -> memref<10240x16xf32, #tpu.memory_space<vmem_shared>>
      tpu.enqueue_indirect_dma source(%arg5 : memref<128x16xf32, #tpu.memory_space<vmem>>) target(%dma_start3A_38 : memref<10240x16xf32, #tpu.memory_space<vmem_shared>>) offsets(%dma_start3A_35 : memref<128xi32, #tpu.memory_space<vmem>>) semaphore(%arg8 : memref<!tpu.dma_semaphore, #tpu.memory_space<semaphore_mem>>) {add = true}
    }
    %scan3A_23 = arith.constant 80 : i32
    %scan3A_24 = arith.constant 0 : i32
    %scan3A_25 = arith.constant 0 : i32
    %scan3A_26 = arith.constant 80 : i32
    %scan3A_27 = arith.addi %scan3A_25, %scan3A_26 : i32
    %scan3A_28 = arith.constant 1 : i32
    scf.for %scan3A_33 = %scan3A_25 to %scan3A_27 step %scan3A_28  : i32 {
      %dma_wait3A = arith.constant 0 : i32
      %dma_wait3A_34 = tpu.memref_slice %arg4[%scan3A_33, %dma_wait3A] : memref<80x128xi32, #tpu.memory_space<vmem>> -> memref<1x128xi32, #tpu.memory_space<vmem>>
      %dma_wait3A_35 = tpu.memref_squeeze %dma_wait3A_34 : memref<1x128xi32, #tpu.memory_space<vmem>> -> memref<128xi32, #tpu.memory_space<vmem>>
      %dma_wait3A_36 = arith.constant 0 : i32
      %dma_wait3A_37 = arith.constant 0 : i32
      %dma_wait3A_38 = tpu.memref_slice %arg7[%dma_wait3A_36, %dma_wait3A_37] : memref<10240x16xf32, #tpu.memory_space<vmem_shared>> -> memref<10240x16xf32, #tpu.memory_space<vmem_shared>>
      tpu.wait_indirect_dma semaphore(%arg8 : memref<!tpu.dma_semaphore, #tpu.memory_space<semaphore_mem>>) src(%arg5 : memref<128x16xf32, #tpu.memory_space<vmem>>) dst(%dma_wait3A_38 : memref<10240x16xf32, #tpu.memory_space<vmem_shared>>)
    }
    %scan3A_29 = arith.constant 80 : i32
    %barrier3A_30 = arith.constant 0 : index
    tpu.barrier barrier_id(%barrier3A_30)
    %mul3A_31 = arith.constant 16 : i32
    %mul3A_32 = arith.muli %arg0, %mul3A_31 : i32
    "tpu.region"() ({
      %run_scoped3A = tpu.sem_alloc : memref<!tpu.dma_semaphore, #tpu.memory_space<semaphore_mem>>
      %dma_start3A = tpu.memref_slice %arg3[%mul3A_7, %mul3A_32] : memref<10240x128xf32, #tpu.memory_space<hbm>> -> memref<640x16xf32, #tpu.memory_space<hbm>>
      %dma_start3A_33 = arith.constant 0 : i32
      %dma_start3A_34 = tpu.memref_slice %arg7[%mul3A_7, %dma_start3A_33] : memref<10240x16xf32, #tpu.memory_space<vmem_shared>> -> memref<640x16xf32, #tpu.memory_space<vmem_shared>>
      tpu.enqueue_dma source(%dma_start3A_34 : memref<640x16xf32, #tpu.memory_space<vmem_shared>>) target(%dma_start3A : memref<640x16xf32, #tpu.memory_space<hbm>>) target_semaphore(%run_scoped3A : memref<!tpu.dma_semaphore, #tpu.memory_space<semaphore_mem>>)
      %dma_wait3A = tpu.memref_slice %arg3[%mul3A_7, %mul3A_32] : memref<10240x128xf32, #tpu.memory_space<hbm>> -> memref<640x16xf32, #tpu.memory_space<hbm>>
      %dma_wait3A_35 = arith.constant 0 : i32
      %dma_wait3A_36 = tpu.memref_slice %arg7[%mul3A_7, %dma_wait3A_35] : memref<10240x16xf32, #tpu.memory_space<vmem_shared>> -> memref<640x16xf32, #tpu.memory_space<vmem_shared>>
      tpu.wait_dma2 semaphore(%run_scoped3A : memref<!tpu.dma_semaphore, #tpu.memory_space<semaphore_mem>>) src(%dma_wait3A_36 : memref<640x16xf32, #tpu.memory_space<vmem_shared>>) dst(%dma_wait3A : memref<640x16xf32, #tpu.memory_space<hbm>>)
      tpu.yield
    }) : () -> ()
    return
  }
}

#map = affine_map<(d0, d1) -> (0, 0)>
#map1 = affine_map<(d0, d1) -> (0, 0, 0)>
module attributes {stable_mosaic.version = 14 : i64} {
  func.func @k(%arg0: i32, %arg1: i32, %arg2: memref<10000x128xf32, #tpu.memory_space<hbm>>, %arg3: memref<32x80x128xi32, #tpu.memory_space<hbm>>, %arg4: memref<32x80x128xi32, #tpu.memory_space<hbm>>, %arg5: memref<10240x128xf32, #tpu.memory_space<hbm>>, %arg6: memref<80x128xi32, #tpu.memory_space<vmem>>, %arg7: memref<80x128xi32, #tpu.memory_space<vmem>>, %arg8: memref<3x128x32xf32, #tpu.memory_space<vmem>>, %arg9: memref<10240x32xf32, #tpu.memory_space<vmem_shared>>, %arg10: memref<10240x32xf32, #tpu.memory_space<vmem_shared>>, %arg11: memref<!tpu.dma_semaphore, #tpu.memory_space<semaphore_mem>>, %arg12: memref<!tpu.dma_semaphore, #tpu.memory_space<semaphore_mem>>, %arg13: memref<!tpu.dma_semaphore, #tpu.memory_space<semaphore_mem>>) attributes {dimension_semantics = [#tpu.dimension_semantics<core_parallel>, #tpu.dimension_semantics<subcore_parallel>], iteration_bounds = array<i64: 2, 16>, scalar_prefetch = 0 : i64, scratch_operands = 8 : i64, tpu.core_type = #tpu.core_type<sc_vector_subcore>, window_params = [{transform_indices = #map}, {transform_indices = #map1}, {transform_indices = #map1}, {transform_indices = #map}]} {
    %mul3A = arith.constant 2 : i32
    %mul3A_0 = arith.muli %arg1, %mul3A : i32
    %add3A = arith.addi %mul3A_0, %arg0 : i32
    "tpu.region"() ({
      %run_scoped3A_83 = tpu.sem_alloc : memref<!tpu.dma_semaphore, #tpu.memory_space<semaphore_mem>>
      %dma_start3A_84 = arith.constant 0 : i32
      %dma_start3A_85 = arith.constant 0 : i32
      %dma_start3A_86 = tpu.memref_slice %arg3[%add3A, %dma_start3A_84, %dma_start3A_85] : memref<32x80x128xi32, #tpu.memory_space<hbm>> -> memref<1x80x128xi32, #tpu.memory_space<hbm>>
      %dma_start3A_87 = tpu.memref_squeeze %dma_start3A_86 : memref<1x80x128xi32, #tpu.memory_space<hbm>> -> memref<80x128xi32, #tpu.memory_space<hbm>>
      %dma_start3A_88 = arith.constant 0 : i32
      %dma_start3A_89 = arith.constant 0 : i32
      %dma_start3A_90 = tpu.memref_slice %arg3[%add3A, %dma_start3A_88, %dma_start3A_89] : memref<32x80x128xi32, #tpu.memory_space<hbm>> -> memref<1x80x128xi32, #tpu.memory_space<hbm>>
      %dma_start3A_91 = tpu.memref_squeeze %dma_start3A_90 : memref<1x80x128xi32, #tpu.memory_space<hbm>> -> memref<80x128xi32, #tpu.memory_space<hbm>>
      tpu.enqueue_dma source(%dma_start3A_91 : memref<80x128xi32, #tpu.memory_space<hbm>>) target(%arg6 : memref<80x128xi32, #tpu.memory_space<vmem>>) target_semaphore(%run_scoped3A_83 : memref<!tpu.dma_semaphore, #tpu.memory_space<semaphore_mem>>)
      %dma_wait3A_92 = arith.constant 0 : i32
      %dma_wait3A_93 = arith.constant 0 : i32
      %dma_wait3A_94 = tpu.memref_slice %arg3[%add3A, %dma_wait3A_92, %dma_wait3A_93] : memref<32x80x128xi32, #tpu.memory_space<hbm>> -> memref<1x80x128xi32, #tpu.memory_space<hbm>>
      %dma_wait3A_95 = tpu.memref_squeeze %dma_wait3A_94 : memref<1x80x128xi32, #tpu.memory_space<hbm>> -> memref<80x128xi32, #tpu.memory_space<hbm>>
      %dma_wait3A_96 = arith.constant 0 : i32
      %dma_wait3A_97 = arith.constant 0 : i32
      %dma_wait3A_98 = tpu.memref_slice %arg3[%add3A, %dma_wait3A_96, %dma_wait3A_97] : memref<32x80x128xi32, #tpu.memory_space<hbm>> -> memref<1x80x128xi32, #tpu.memory_space<hbm>>
      %dma_wait3A_99 = tpu.memref_squeeze %dma_wait3A_98 : memref<1x80x128xi32, #tpu.memory_space<hbm>> -> memref<80x128xi32, #tpu.memory_space<hbm>>
      tpu.wait_dma2 semaphore(%run_scoped3A_83 : memref<!tpu.dma_semaphore, #tpu.memory_space<semaphore_mem>>) src(%dma_wait3A_99 : memref<80x128xi32, #tpu.memory_space<hbm>>) dst(%arg6 : memref<80x128xi32, #tpu.memory_space<vmem>>)
      tpu.yield
    }) : () -> ()
    "tpu.region"() ({
      %run_scoped3A_83 = tpu.sem_alloc : memref<!tpu.dma_semaphore, #tpu.memory_space<semaphore_mem>>
      %dma_start3A_84 = arith.constant 0 : i32
      %dma_start3A_85 = arith.constant 0 : i32
      %dma_start3A_86 = tpu.memref_slice %arg4[%add3A, %dma_start3A_84, %dma_start3A_85] : memref<32x80x128xi32, #tpu.memory_space<hbm>> -> memref<1x80x128xi32, #tpu.memory_space<hbm>>
      %dma_start3A_87 = tpu.memref_squeeze %dma_start3A_86 : memref<1x80x128xi32, #tpu.memory_space<hbm>> -> memref<80x128xi32, #tpu.memory_space<hbm>>
      %dma_start3A_88 = arith.constant 0 : i32
      %dma_start3A_89 = arith.constant 0 : i32
      %dma_start3A_90 = tpu.memref_slice %arg4[%add3A, %dma_start3A_88, %dma_start3A_89] : memref<32x80x128xi32, #tpu.memory_space<hbm>> -> memref<1x80x128xi32, #tpu.memory_space<hbm>>
      %dma_start3A_91 = tpu.memref_squeeze %dma_start3A_90 : memref<1x80x128xi32, #tpu.memory_space<hbm>> -> memref<80x128xi32, #tpu.memory_space<hbm>>
      tpu.enqueue_dma source(%dma_start3A_91 : memref<80x128xi32, #tpu.memory_space<hbm>>) target(%arg7 : memref<80x128xi32, #tpu.memory_space<vmem>>) target_semaphore(%run_scoped3A_83 : memref<!tpu.dma_semaphore, #tpu.memory_space<semaphore_mem>>)
      %dma_wait3A_92 = arith.constant 0 : i32
      %dma_wait3A_93 = arith.constant 0 : i32
      %dma_wait3A_94 = tpu.memref_slice %arg4[%add3A, %dma_wait3A_92, %dma_wait3A_93] : memref<32x80x128xi32, #tpu.memory_space<hbm>> -> memref<1x80x128xi32, #tpu.memory_space<hbm>>
      %dma_wait3A_95 = tpu.memref_squeeze %dma_wait3A_94 : memref<1x80x128xi32, #tpu.memory_space<hbm>> -> memref<80x128xi32, #tpu.memory_space<hbm>>
      %dma_wait3A_96 = arith.constant 0 : i32
      %dma_wait3A_97 = arith.constant 0 : i32
      %dma_wait3A_98 = tpu.memref_slice %arg4[%add3A, %dma_wait3A_96, %dma_wait3A_97] : memref<32x80x128xi32, #tpu.memory_space<hbm>> -> memref<1x80x128xi32, #tpu.memory_space<hbm>>
      %dma_wait3A_99 = tpu.memref_squeeze %dma_wait3A_98 : memref<1x80x128xi32, #tpu.memory_space<hbm>> -> memref<80x128xi32, #tpu.memory_space<hbm>>
      tpu.wait_dma2 semaphore(%run_scoped3A_83 : memref<!tpu.dma_semaphore, #tpu.memory_space<semaphore_mem>>) src(%dma_wait3A_99 : memref<80x128xi32, #tpu.memory_space<hbm>>) dst(%arg7 : memref<80x128xi32, #tpu.memory_space<vmem>>)
      tpu.yield
    }) : () -> ()
    %mul3A_1 = arith.constant 625 : i32
    %mul3A_2 = arith.muli %arg1, %mul3A_1 : i32
    %min3A = arith.constant 9375 : i32
    %min3A_3 = arith.minsi %mul3A_2, %min3A : i32
    "tpu.region"() ({
      %run_scoped3A_83 = tpu.sem_alloc : memref<!tpu.dma_semaphore, #tpu.memory_space<semaphore_mem>>
      %dma_start3A_84 = arith.constant 0 : i32
      %dma_start3A_85 = tpu.memref_slice %arg10[%min3A_3, %dma_start3A_84] : memref<10240x32xf32, #tpu.memory_space<vmem_shared>> -> memref<625x32xf32, #tpu.memory_space<vmem_shared>>
      %dma_start3A_86 = arith.constant 0 : i32
      %dma_start3A_87 = tpu.memref_slice %arg2[%min3A_3, %dma_start3A_86] : memref<10000x128xf32, #tpu.memory_space<hbm>> -> memref<625x32xf32, #tpu.memory_space<hbm>>
      tpu.enqueue_dma source(%dma_start3A_87 : memref<625x32xf32, #tpu.memory_space<hbm>>) target(%dma_start3A_85 : memref<625x32xf32, #tpu.memory_space<vmem_shared>>) target_semaphore(%run_scoped3A_83 : memref<!tpu.dma_semaphore, #tpu.memory_space<semaphore_mem>>)
      %dma_wait3A_88 = arith.constant 0 : i32
      %dma_wait3A_89 = tpu.memref_slice %arg10[%min3A_3, %dma_wait3A_88] : memref<10240x32xf32, #tpu.memory_space<vmem_shared>> -> memref<625x32xf32, #tpu.memory_space<vmem_shared>>
      %dma_wait3A_90 = arith.constant 0 : i32
      %dma_wait3A_91 = tpu.memref_slice %arg2[%min3A_3, %dma_wait3A_90] : memref<10000x128xf32, #tpu.memory_space<hbm>> -> memref<625x32xf32, #tpu.memory_space<hbm>>
      tpu.wait_dma2 semaphore(%run_scoped3A_83 : memref<!tpu.dma_semaphore, #tpu.memory_space<semaphore_mem>>) src(%dma_wait3A_91 : memref<625x32xf32, #tpu.memory_space<hbm>>) dst(%dma_wait3A_89 : memref<625x32xf32, #tpu.memory_space<vmem_shared>>)
      tpu.yield
    }) : () -> ()
    %scan3A = arith.constant 0 : i32
    %scan3A_4 = arith.constant 0 : i32
    %scan3A_5 = arith.constant 128 : i32
    %scan3A_6 = arith.addi %scan3A_4, %scan3A_5 : i32
    %scan3A_7 = arith.constant 1 : i32
    scf.for %scan3A_83 = %scan3A_4 to %scan3A_6 step %scan3A_7  : i32 {
      %broadcast_in_dim3A = arith.constant 0.000000e+00 : f32
      %broadcast_in_dim3A_84 = vector.broadcast %broadcast_in_dim3A : f32 to vector<16xf32>
      %swap3A = arith.constant 2 : i32
      %swap3A_85 = arith.index_cast %swap3A : i32 to index
      %swap3A_86 = arith.index_cast %scan3A_83 : i32 to index
      %swap3A_87 = arith.constant 0 : index
      %swap3A_88 = tpu.vector_load %arg8[%swap3A_85, %swap3A_86, %swap3A_87] {strides = array<i32>} : memref<3x128x32xf32, #tpu.memory_space<vmem>>, vector<1x1x16xf32>,
      %swap3A_89 = vector.shape_cast %swap3A_88 : vector<1x1x16xf32> to vector<16xf32>
      %swap3A_90 = vector.shape_cast %broadcast_in_dim3A_84 : vector<16xf32> to vector<1x1x16xf32>
      tpu.vector_store %arg8[%swap3A_85, %swap3A_86, %swap3A_87], %swap3A_90 {strides = array<i32>} : memref<3x128x32xf32, #tpu.memory_space<vmem>>, vector<1x1x16xf32>,
      %broadcast_in_dim3A_91 = arith.constant 0.000000e+00 : f32
      %broadcast_in_dim3A_92 = vector.broadcast %broadcast_in_dim3A_91 : f32 to vector<16xf32>
      %swap3A_93 = arith.constant 2 : i32
      %swap3A_94 = arith.index_cast %swap3A_93 : i32 to index
      %swap3A_95 = arith.index_cast %scan3A_83 : i32 to index
      %swap3A_96 = arith.constant 16 : index
      %swap3A_97 = tpu.vector_load %arg8[%swap3A_94, %swap3A_95, %swap3A_96] {strides = array<i32>} : memref<3x128x32xf32, #tpu.memory_space<vmem>>, vector<1x1x16xf32>,
      %swap3A_98 = vector.shape_cast %swap3A_97 : vector<1x1x16xf32> to vector<16xf32>
      %swap3A_99 = vector.shape_cast %broadcast_in_dim3A_92 : vector<16xf32> to vector<1x1x16xf32>
      tpu.vector_store %arg8[%swap3A_94, %swap3A_95, %swap3A_96], %swap3A_99 {strides = array<i32>} : memref<3x128x32xf32, #tpu.memory_space<vmem>>, vector<1x1x16xf32>,
    }
    %scan3A_8 = arith.constant 128 : i32
    %mul3A_9 = arith.constant 640 : i32
    %mul3A_10 = arith.muli %arg1, %mul3A_9 : i32
    %add3A_11 = arith.constant 0 : i32
    %add3A_12 = arith.addi %mul3A_10, %add3A_11 : i32
    %run_scoped3A = arith.constant 2 : i32
    "tpu.region"() ({
      %run_scoped3A_83 = tpu.sem_alloc : memref<!tpu.dma_semaphore, #tpu.memory_space<semaphore_mem>>
      %dma_start3A_84 = arith.constant 0 : i32
      %dma_start3A_85 = arith.constant 0 : i32
      %dma_start3A_86 = tpu.memref_slice %arg8[%run_scoped3A, %dma_start3A_84, %dma_start3A_85] : memref<3x128x32xf32, #tpu.memory_space<vmem>> -> memref<1x128x32xf32, #tpu.memory_space<vmem>>
      %dma_start3A_87 = tpu.memref_squeeze %dma_start3A_86 : memref<1x128x32xf32, #tpu.memory_space<vmem>> -> memref<128x32xf32, #tpu.memory_space<vmem>>
      %dma_start3A_88 = arith.constant 0 : i32
      %dma_start3A_89 = tpu.memref_slice %arg9[%add3A_12, %dma_start3A_88] : memref<10240x32xf32, #tpu.memory_space<vmem_shared>> -> memref<128x32xf32, #tpu.memory_space<vmem_shared>>
      %dma_start3A_90 = arith.constant 0 : i32
      %dma_start3A_91 = tpu.memref_slice %arg9[%add3A_12, %dma_start3A_90] : memref<10240x32xf32, #tpu.memory_space<vmem_shared>> -> memref<128x32xf32, #tpu.memory_space<vmem_shared>>
      %dma_start3A_92 = arith.constant 0 : i32
      %dma_start3A_93 = arith.constant 0 : i32
      %dma_start3A_94 = tpu.memref_slice %arg8[%run_scoped3A, %dma_start3A_92, %dma_start3A_93] : memref<3x128x32xf32, #tpu.memory_space<vmem>> -> memref<1x128x32xf32, #tpu.memory_space<vmem>>
      %dma_start3A_95 = tpu.memref_squeeze %dma_start3A_94 : memref<1x128x32xf32, #tpu.memory_space<vmem>> -> memref<128x32xf32, #tpu.memory_space<vmem>>
      tpu.enqueue_dma source(%dma_start3A_95 : memref<128x32xf32, #tpu.memory_space<vmem>>) target(%dma_start3A_91 : memref<128x32xf32, #tpu.memory_space<vmem_shared>>) target_semaphore(%run_scoped3A_83 : memref<!tpu.dma_semaphore, #tpu.memory_space<semaphore_mem>>)
      %dma_wait3A_96 = arith.constant 0 : i32
      %dma_wait3A_97 = arith.constant 0 : i32
      %dma_wait3A_98 = tpu.memref_slice %arg8[%run_scoped3A, %dma_wait3A_96, %dma_wait3A_97] : memref<3x128x32xf32, #tpu.memory_space<vmem>> -> memref<1x128x32xf32, #tpu.memory_space<vmem>>
      %dma_wait3A_99 = tpu.memref_squeeze %dma_wait3A_98 : memref<1x128x32xf32, #tpu.memory_space<vmem>> -> memref<128x32xf32, #tpu.memory_space<vmem>>
      %dma_wait3A_100 = arith.constant 0 : i32
      %dma_wait3A_101 = tpu.memref_slice %arg9[%add3A_12, %dma_wait3A_100] : memref<10240x32xf32, #tpu.memory_space<vmem_shared>> -> memref<128x32xf32, #tpu.memory_space<vmem_shared>>
      %dma_wait3A_102 = arith.constant 0 : i32
      %dma_wait3A_103 = tpu.memref_slice %arg9[%add3A_12, %dma_wait3A_102] : memref<10240x32xf32, #tpu.memory_space<vmem_shared>> -> memref<128x32xf32, #tpu.memory_space<vmem_shared>>
      %dma_wait3A_104 = arith.constant 0 : i32
      %dma_wait3A_105 = arith.constant 0 : i32
      %dma_wait3A_106 = tpu.memref_slice %arg8[%run_scoped3A, %dma_wait3A_104, %dma_wait3A_105] : memref<3x128x32xf32, #tpu.memory_space<vmem>> -> memref<1x128x32xf32, #tpu.memory_space<vmem>>
      %dma_wait3A_107 = tpu.memref_squeeze %dma_wait3A_106 : memref<1x128x32xf32, #tpu.memory_space<vmem>> -> memref<128x32xf32, #tpu.memory_space<vmem>>
      tpu.wait_dma2 semaphore(%run_scoped3A_83 : memref<!tpu.dma_semaphore, #tpu.memory_space<semaphore_mem>>) src(%dma_wait3A_107 : memref<128x32xf32, #tpu.memory_space<vmem>>) dst(%dma_wait3A_103 : memref<128x32xf32, #tpu.memory_space<vmem_shared>>)
      tpu.yield
    }) : () -> ()
    %add3A_13 = arith.constant 128 : i32
    %add3A_14 = arith.addi %mul3A_10, %add3A_13 : i32
    %run_scoped3A_15 = arith.constant 2 : i32
    "tpu.region"() ({
      %run_scoped3A_83 = tpu.sem_alloc : memref<!tpu.dma_semaphore, #tpu.memory_space<semaphore_mem>>
      %dma_start3A_84 = arith.constant 0 : i32
      %dma_start3A_85 = arith.constant 0 : i32
      %dma_start3A_86 = tpu.memref_slice %arg8[%run_scoped3A_15, %dma_start3A_84, %dma_start3A_85] : memref<3x128x32xf32, #tpu.memory_space<vmem>> -> memref<1x128x32xf32, #tpu.memory_space<vmem>>
      %dma_start3A_87 = tpu.memref_squeeze %dma_start3A_86 : memref<1x128x32xf32, #tpu.memory_space<vmem>> -> memref<128x32xf32, #tpu.memory_space<vmem>>
      %dma_start3A_88 = arith.constant 0 : i32
      %dma_start3A_89 = tpu.memref_slice %arg9[%add3A_14, %dma_start3A_88] : memref<10240x32xf32, #tpu.memory_space<vmem_shared>> -> memref<128x32xf32, #tpu.memory_space<vmem_shared>>
      %dma_start3A_90 = arith.constant 0 : i32
      %dma_start3A_91 = tpu.memref_slice %arg9[%add3A_14, %dma_start3A_90] : memref<10240x32xf32, #tpu.memory_space<vmem_shared>> -> memref<128x32xf32, #tpu.memory_space<vmem_shared>>
      %dma_start3A_92 = arith.constant 0 : i32
      %dma_start3A_93 = arith.constant 0 : i32
      %dma_start3A_94 = tpu.memref_slice %arg8[%run_scoped3A_15, %dma_start3A_92, %dma_start3A_93] : memref<3x128x32xf32, #tpu.memory_space<vmem>> -> memref<1x128x32xf32, #tpu.memory_space<vmem>>
      %dma_start3A_95 = tpu.memref_squeeze %dma_start3A_94 : memref<1x128x32xf32, #tpu.memory_space<vmem>> -> memref<128x32xf32, #tpu.memory_space<vmem>>
      tpu.enqueue_dma source(%dma_start3A_95 : memref<128x32xf32, #tpu.memory_space<vmem>>) target(%dma_start3A_91 : memref<128x32xf32, #tpu.memory_space<vmem_shared>>) target_semaphore(%run_scoped3A_83 : memref<!tpu.dma_semaphore, #tpu.memory_space<semaphore_mem>>)
      %dma_wait3A_96 = arith.constant 0 : i32
      %dma_wait3A_97 = arith.constant 0 : i32
      %dma_wait3A_98 = tpu.memref_slice %arg8[%run_scoped3A_15, %dma_wait3A_96, %dma_wait3A_97] : memref<3x128x32xf32, #tpu.memory_space<vmem>> -> memref<1x128x32xf32, #tpu.memory_space<vmem>>
      %dma_wait3A_99 = tpu.memref_squeeze %dma_wait3A_98 : memref<1x128x32xf32, #tpu.memory_space<vmem>> -> memref<128x32xf32, #tpu.memory_space<vmem>>
      %dma_wait3A_100 = arith.constant 0 : i32
      %dma_wait3A_101 = tpu.memref_slice %arg9[%add3A_14, %dma_wait3A_100] : memref<10240x32xf32, #tpu.memory_space<vmem_shared>> -> memref<128x32xf32, #tpu.memory_space<vmem_shared>>
      %dma_wait3A_102 = arith.constant 0 : i32
      %dma_wait3A_103 = tpu.memref_slice %arg9[%add3A_14, %dma_wait3A_102] : memref<10240x32xf32, #tpu.memory_space<vmem_shared>> -> memref<128x32xf32, #tpu.memory_space<vmem_shared>>
      %dma_wait3A_104 = arith.constant 0 : i32
      %dma_wait3A_105 = arith.constant 0 : i32
      %dma_wait3A_106 = tpu.memref_slice %arg8[%run_scoped3A_15, %dma_wait3A_104, %dma_wait3A_105] : memref<3x128x32xf32, #tpu.memory_space<vmem>> -> memref<1x128x32xf32, #tpu.memory_space<vmem>>
      %dma_wait3A_107 = tpu.memref_squeeze %dma_wait3A_106 : memref<1x128x32xf32, #tpu.memory_space<vmem>> -> memref<128x32xf32, #tpu.memory_space<vmem>>
      tpu.wait_dma2 semaphore(%run_scoped3A_83 : memref<!tpu.dma_semaphore, #tpu.memory_space<semaphore_mem>>) src(%dma_wait3A_107 : memref<128x32xf32, #tpu.memory_space<vmem>>) dst(%dma_wait3A_103 : memref<128x32xf32, #tpu.memory_space<vmem_shared>>)
      tpu.yield
    }) : () -> ()
    %add3A_16 = arith.constant 256 : i32
    %add3A_17 = arith.addi %mul3A_10, %add3A_16 : i32
    %run_scoped3A_18 = arith.constant 2 : i32
    "tpu.region"() ({
      %run_scoped3A_83 = tpu.sem_alloc : memref<!tpu.dma_semaphore, #tpu.memory_space<semaphore_mem>>
      %dma_start3A_84 = arith.constant 0 : i32
      %dma_start3A_85 = arith.constant 0 : i32
      %dma_start3A_86 = tpu.memref_slice %arg8[%run_scoped3A_18, %dma_start3A_84, %dma_start3A_85] : memref<3x128x32xf32, #tpu.memory_space<vmem>> -> memref<1x128x32xf32, #tpu.memory_space<vmem>>
      %dma_start3A_87 = tpu.memref_squeeze %dma_start3A_86 : memref<1x128x32xf32, #tpu.memory_space<vmem>> -> memref<128x32xf32, #tpu.memory_space<vmem>>
      %dma_start3A_88 = arith.constant 0 : i32
      %dma_start3A_89 = tpu.memref_slice %arg9[%add3A_17, %dma_start3A_88] : memref<10240x32xf32, #tpu.memory_space<vmem_shared>> -> memref<128x32xf32, #tpu.memory_space<vmem_shared>>
      %dma_start3A_90 = arith.constant 0 : i32
      %dma_start3A_91 = tpu.memref_slice %arg9[%add3A_17, %dma_start3A_90] : memref<10240x32xf32, #tpu.memory_space<vmem_shared>> -> memref<128x32xf32, #tpu.memory_space<vmem_shared>>
      %dma_start3A_92 = arith.constant 0 : i32
      %dma_start3A_93 = arith.constant 0 : i32
      %dma_start3A_94 = tpu.memref_slice %arg8[%run_scoped3A_18, %dma_start3A_92, %dma_start3A_93] : memref<3x128x32xf32, #tpu.memory_space<vmem>> -> memref<1x128x32xf32, #tpu.memory_space<vmem>>
      %dma_start3A_95 = tpu.memref_squeeze %dma_start3A_94 : memref<1x128x32xf32, #tpu.memory_space<vmem>> -> memref<128x32xf32, #tpu.memory_space<vmem>>
      tpu.enqueue_dma source(%dma_start3A_95 : memref<128x32xf32, #tpu.memory_space<vmem>>) target(%dma_start3A_91 : memref<128x32xf32, #tpu.memory_space<vmem_shared>>) target_semaphore(%run_scoped3A_83 : memref<!tpu.dma_semaphore, #tpu.memory_space<semaphore_mem>>)
      %dma_wait3A_96 = arith.constant 0 : i32
      %dma_wait3A_97 = arith.constant 0 : i32
      %dma_wait3A_98 = tpu.memref_slice %arg8[%run_scoped3A_18, %dma_wait3A_96, %dma_wait3A_97] : memref<3x128x32xf32, #tpu.memory_space<vmem>> -> memref<1x128x32xf32, #tpu.memory_space<vmem>>
      %dma_wait3A_99 = tpu.memref_squeeze %dma_wait3A_98 : memref<1x128x32xf32, #tpu.memory_space<vmem>> -> memref<128x32xf32, #tpu.memory_space<vmem>>
      %dma_wait3A_100 = arith.constant 0 : i32
      %dma_wait3A_101 = tpu.memref_slice %arg9[%add3A_17, %dma_wait3A_100] : memref<10240x32xf32, #tpu.memory_space<vmem_shared>> -> memref<128x32xf32, #tpu.memory_space<vmem_shared>>
      %dma_wait3A_102 = arith.constant 0 : i32
      %dma_wait3A_103 = tpu.memref_slice %arg9[%add3A_17, %dma_wait3A_102] : memref<10240x32xf32, #tpu.memory_space<vmem_shared>> -> memref<128x32xf32, #tpu.memory_space<vmem_shared>>
      %dma_wait3A_104 = arith.constant 0 : i32
      %dma_wait3A_105 = arith.constant 0 : i32
      %dma_wait3A_106 = tpu.memref_slice %arg8[%run_scoped3A_18, %dma_wait3A_104, %dma_wait3A_105] : memref<3x128x32xf32, #tpu.memory_space<vmem>> -> memref<1x128x32xf32, #tpu.memory_space<vmem>>
      %dma_wait3A_107 = tpu.memref_squeeze %dma_wait3A_106 : memref<1x128x32xf32, #tpu.memory_space<vmem>> -> memref<128x32xf32, #tpu.memory_space<vmem>>
      tpu.wait_dma2 semaphore(%run_scoped3A_83 : memref<!tpu.dma_semaphore, #tpu.memory_space<semaphore_mem>>) src(%dma_wait3A_107 : memref<128x32xf32, #tpu.memory_space<vmem>>) dst(%dma_wait3A_103 : memref<128x32xf32, #tpu.memory_space<vmem_shared>>)
      tpu.yield
    }) : () -> ()
    %add3A_19 = arith.constant 384 : i32
    %add3A_20 = arith.addi %mul3A_10, %add3A_19 : i32
    %run_scoped3A_21 = arith.constant 2 : i32
    "tpu.region"() ({
      %run_scoped3A_83 = tpu.sem_alloc : memref<!tpu.dma_semaphore, #tpu.memory_space<semaphore_mem>>
      %dma_start3A_84 = arith.constant 0 : i32
      %dma_start3A_85 = arith.constant 0 : i32
      %dma_start3A_86 = tpu.memref_slice %arg8[%run_scoped3A_21, %dma_start3A_84, %dma_start3A_85] : memref<3x128x32xf32, #tpu.memory_space<vmem>> -> memref<1x128x32xf32, #tpu.memory_space<vmem>>
      %dma_start3A_87 = tpu.memref_squeeze %dma_start3A_86 : memref<1x128x32xf32, #tpu.memory_space<vmem>> -> memref<128x32xf32, #tpu.memory_space<vmem>>
      %dma_start3A_88 = arith.constant 0 : i32
      %dma_start3A_89 = tpu.memref_slice %arg9[%add3A_20, %dma_start3A_88] : memref<10240x32xf32, #tpu.memory_space<vmem_shared>> -> memref<128x32xf32, #tpu.memory_space<vmem_shared>>
      %dma_start3A_90 = arith.constant 0 : i32
      %dma_start3A_91 = tpu.memref_slice %arg9[%add3A_20, %dma_start3A_90] : memref<10240x32xf32, #tpu.memory_space<vmem_shared>> -> memref<128x32xf32, #tpu.memory_space<vmem_shared>>
      %dma_start3A_92 = arith.constant 0 : i32
      %dma_start3A_93 = arith.constant 0 : i32
      %dma_start3A_94 = tpu.memref_slice %arg8[%run_scoped3A_21, %dma_start3A_92, %dma_start3A_93] : memref<3x128x32xf32, #tpu.memory_space<vmem>> -> memref<1x128x32xf32, #tpu.memory_space<vmem>>
      %dma_start3A_95 = tpu.memref_squeeze %dma_start3A_94 : memref<1x128x32xf32, #tpu.memory_space<vmem>> -> memref<128x32xf32, #tpu.memory_space<vmem>>
      tpu.enqueue_dma source(%dma_start3A_95 : memref<128x32xf32, #tpu.memory_space<vmem>>) target(%dma_start3A_91 : memref<128x32xf32, #tpu.memory_space<vmem_shared>>) target_semaphore(%run_scoped3A_83 : memref<!tpu.dma_semaphore, #tpu.memory_space<semaphore_mem>>)
      %dma_wait3A_96 = arith.constant 0 : i32
      %dma_wait3A_97 = arith.constant 0 : i32
      %dma_wait3A_98 = tpu.memref_slice %arg8[%run_scoped3A_21, %dma_wait3A_96, %dma_wait3A_97] : memref<3x128x32xf32, #tpu.memory_space<vmem>> -> memref<1x128x32xf32, #tpu.memory_space<vmem>>
      %dma_wait3A_99 = tpu.memref_squeeze %dma_wait3A_98 : memref<1x128x32xf32, #tpu.memory_space<vmem>> -> memref<128x32xf32, #tpu.memory_space<vmem>>
      %dma_wait3A_100 = arith.constant 0 : i32
      %dma_wait3A_101 = tpu.memref_slice %arg9[%add3A_20, %dma_wait3A_100] : memref<10240x32xf32, #tpu.memory_space<vmem_shared>> -> memref<128x32xf32, #tpu.memory_space<vmem_shared>>
      %dma_wait3A_102 = arith.constant 0 : i32
      %dma_wait3A_103 = tpu.memref_slice %arg9[%add3A_20, %dma_wait3A_102] : memref<10240x32xf32, #tpu.memory_space<vmem_shared>> -> memref<128x32xf32, #tpu.memory_space<vmem_shared>>
      %dma_wait3A_104 = arith.constant 0 : i32
      %dma_wait3A_105 = arith.constant 0 : i32
      %dma_wait3A_106 = tpu.memref_slice %arg8[%run_scoped3A_21, %dma_wait3A_104, %dma_wait3A_105] : memref<3x128x32xf32, #tpu.memory_space<vmem>> -> memref<1x128x32xf32, #tpu.memory_space<vmem>>
      %dma_wait3A_107 = tpu.memref_squeeze %dma_wait3A_106 : memref<1x128x32xf32, #tpu.memory_space<vmem>> -> memref<128x32xf32, #tpu.memory_space<vmem>>
      tpu.wait_dma2 semaphore(%run_scoped3A_83 : memref<!tpu.dma_semaphore, #tpu.memory_space<semaphore_mem>>) src(%dma_wait3A_107 : memref<128x32xf32, #tpu.memory_space<vmem>>) dst(%dma_wait3A_103 : memref<128x32xf32, #tpu.memory_space<vmem_shared>>)
      tpu.yield
    }) : () -> ()
    %add3A_22 = arith.constant 512 : i32
    %add3A_23 = arith.addi %mul3A_10, %add3A_22 : i32
    %run_scoped3A_24 = arith.constant 2 : i32
    "tpu.region"() ({
      %run_scoped3A_83 = tpu.sem_alloc : memref<!tpu.dma_semaphore, #tpu.memory_space<semaphore_mem>>
      %dma_start3A_84 = arith.constant 0 : i32
      %dma_start3A_85 = arith.constant 0 : i32
      %dma_start3A_86 = tpu.memref_slice %arg8[%run_scoped3A_24, %dma_start3A_84, %dma_start3A_85] : memref<3x128x32xf32, #tpu.memory_space<vmem>> -> memref<1x128x32xf32, #tpu.memory_space<vmem>>
      %dma_start3A_87 = tpu.memref_squeeze %dma_start3A_86 : memref<1x128x32xf32, #tpu.memory_space<vmem>> -> memref<128x32xf32, #tpu.memory_space<vmem>>
      %dma_start3A_88 = arith.constant 0 : i32
      %dma_start3A_89 = tpu.memref_slice %arg9[%add3A_23, %dma_start3A_88] : memref<10240x32xf32, #tpu.memory_space<vmem_shared>> -> memref<128x32xf32, #tpu.memory_space<vmem_shared>>
      %dma_start3A_90 = arith.constant 0 : i32
      %dma_start3A_91 = tpu.memref_slice %arg9[%add3A_23, %dma_start3A_90] : memref<10240x32xf32, #tpu.memory_space<vmem_shared>> -> memref<128x32xf32, #tpu.memory_space<vmem_shared>>
      %dma_start3A_92 = arith.constant 0 : i32
      %dma_start3A_93 = arith.constant 0 : i32
      %dma_start3A_94 = tpu.memref_slice %arg8[%run_scoped3A_24, %dma_start3A_92, %dma_start3A_93] : memref<3x128x32xf32, #tpu.memory_space<vmem>> -> memref<1x128x32xf32, #tpu.memory_space<vmem>>
      %dma_start3A_95 = tpu.memref_squeeze %dma_start3A_94 : memref<1x128x32xf32, #tpu.memory_space<vmem>> -> memref<128x32xf32, #tpu.memory_space<vmem>>
      tpu.enqueue_dma source(%dma_start3A_95 : memref<128x32xf32, #tpu.memory_space<vmem>>) target(%dma_start3A_91 : memref<128x32xf32, #tpu.memory_space<vmem_shared>>) target_semaphore(%run_scoped3A_83 : memref<!tpu.dma_semaphore, #tpu.memory_space<semaphore_mem>>)
      %dma_wait3A_96 = arith.constant 0 : i32
      %dma_wait3A_97 = arith.constant 0 : i32
      %dma_wait3A_98 = tpu.memref_slice %arg8[%run_scoped3A_24, %dma_wait3A_96, %dma_wait3A_97] : memref<3x128x32xf32, #tpu.memory_space<vmem>> -> memref<1x128x32xf32, #tpu.memory_space<vmem>>
      %dma_wait3A_99 = tpu.memref_squeeze %dma_wait3A_98 : memref<1x128x32xf32, #tpu.memory_space<vmem>> -> memref<128x32xf32, #tpu.memory_space<vmem>>
      %dma_wait3A_100 = arith.constant 0 : i32
      %dma_wait3A_101 = tpu.memref_slice %arg9[%add3A_23, %dma_wait3A_100] : memref<10240x32xf32, #tpu.memory_space<vmem_shared>> -> memref<128x32xf32, #tpu.memory_space<vmem_shared>>
      %dma_wait3A_102 = arith.constant 0 : i32
      %dma_wait3A_103 = tpu.memref_slice %arg9[%add3A_23, %dma_wait3A_102] : memref<10240x32xf32, #tpu.memory_space<vmem_shared>> -> memref<128x32xf32, #tpu.memory_space<vmem_shared>>
      %dma_wait3A_104 = arith.constant 0 : i32
      %dma_wait3A_105 = arith.constant 0 : i32
      %dma_wait3A_106 = tpu.memref_slice %arg8[%run_scoped3A_24, %dma_wait3A_104, %dma_wait3A_105] : memref<3x128x32xf32, #tpu.memory_space<vmem>> -> memref<1x128x32xf32, #tpu.memory_space<vmem>>
      %dma_wait3A_107 = tpu.memref_squeeze %dma_wait3A_106 : memref<1x128x32xf32, #tpu.memory_space<vmem>> -> memref<128x32xf32, #tpu.memory_space<vmem>>
      tpu.wait_dma2 semaphore(%run_scoped3A_83 : memref<!tpu.dma_semaphore, #tpu.memory_space<semaphore_mem>>) src(%dma_wait3A_107 : memref<128x32xf32, #tpu.memory_space<vmem>>) dst(%dma_wait3A_103 : memref<128x32xf32, #tpu.memory_space<vmem_shared>>)
      tpu.yield
    }) : () -> ()
    %barrier3A = arith.constant 0 : index
    tpu.barrier barrier_id(%barrier3A)
    %dma_start3A = arith.constant 0 : i32
    %dma_start3A_25 = arith.constant 0 : i32
    %dma_start3A_26 = arith.constant 0 : i32
    %dma_start3A_27 = arith.constant 0 : i32
    %dma_start3A_28 = tpu.memref_slice %arg8[%dma_start3A_25, %dma_start3A_26, %dma_start3A_27] : memref<3x128x32xf32, #tpu.memory_space<vmem>> -> memref<1x128x32xf32, #tpu.memory_space<vmem>>
    %dma_start3A_29 = tpu.memref_squeeze %dma_start3A_28 : memref<1x128x32xf32, #tpu.memory_space<vmem>> -> memref<128x32xf32, #tpu.memory_space<vmem>>
    %dma_start3A_30 = arith.constant 0 : i32
    %dma_start3A_31 = tpu.memref_slice %arg6[%dma_start3A, %dma_start3A_30] : memref<80x128xi32, #tpu.memory_space<vmem>> -> memref<1x128xi32, #tpu.memory_space<vmem>>
    %dma_start3A_32 = tpu.memref_squeeze %dma_start3A_31 : memref<1x128xi32, #tpu.memory_space<vmem>> -> memref<128xi32, #tpu.memory_space<vmem>>
    %dma_start3A_33 = arith.constant 0 : i32
    %dma_start3A_34 = arith.constant 0 : i32
    %dma_start3A_35 = tpu.memref_slice %arg10[%dma_start3A_33, %dma_start3A_34] : memref<10240x32xf32, #tpu.memory_space<vmem_shared>> -> memref<10240x32xf32, #tpu.memory_space<vmem_shared>>
    tpu.enqueue_indirect_dma source(%dma_start3A_35 : memref<10240x32xf32, #tpu.memory_space<vmem_shared>>) target(%dma_start3A_29 : memref<128x32xf32, #tpu.memory_space<vmem>>) offsets(%dma_start3A_32 : memref<128xi32, #tpu.memory_space<vmem>>) semaphore(%arg11 : memref<!tpu.dma_semaphore, #tpu.memory_space<semaphore_mem>>)
    %dma_start3A_36 = arith.constant 1 : i32
    %dma_start3A_37 = arith.constant 1 : i32
    %dma_start3A_38 = arith.constant 0 : i32
    %dma_start3A_39 = arith.constant 0 : i32
    %dma_start3A_40 = tpu.memref_slice %arg8[%dma_start3A_37, %dma_start3A_38, %dma_start3A_39] : memref<3x128x32xf32, #tpu.memory_space<vmem>> -> memref<1x128x32xf32, #tpu.memory_space<vmem>>
    %dma_start3A_41 = tpu.memref_squeeze %dma_start3A_40 : memref<1x128x32xf32, #tpu.memory_space<vmem>> -> memref<128x32xf32, #tpu.memory_space<vmem>>
    %dma_start3A_42 = arith.constant 0 : i32
    %dma_start3A_43 = tpu.memref_slice %arg6[%dma_start3A_36, %dma_start3A_42] : memref<80x128xi32, #tpu.memory_space<vmem>> -> memref<1x128xi32, #tpu.memory_space<vmem>>
    %dma_start3A_44 = tpu.memref_squeeze %dma_start3A_43 : memref<1x128xi32, #tpu.memory_space<vmem>> -> memref<128xi32, #tpu.memory_space<vmem>>
    %dma_start3A_45 = arith.constant 0 : i32
    %dma_start3A_46 = arith.constant 0 : i32
    %dma_start3A_47 = tpu.memref_slice %arg10[%dma_start3A_45, %dma_start3A_46] : memref<10240x32xf32, #tpu.memory_space<vmem_shared>> -> memref<10240x32xf32, #tpu.memory_space<vmem_shared>>
    tpu.enqueue_indirect_dma source(%dma_start3A_47 : memref<10240x32xf32, #tpu.memory_space<vmem_shared>>) target(%dma_start3A_41 : memref<128x32xf32, #tpu.memory_space<vmem>>) offsets(%dma_start3A_44 : memref<128xi32, #tpu.memory_space<vmem>>) semaphore(%arg12 : memref<!tpu.dma_semaphore, #tpu.memory_space<semaphore_mem>>)
    %scan3A_48 = arith.constant 0 : i32
    %scan3A_49 = arith.constant 26 : i32
    %scan3A_50 = arith.addi %scan3A_48, %scan3A_49 : i32
    %scan3A_51 = arith.constant 1 : i32
    scf.for %scan3A_83 = %scan3A_48 to %scan3A_50 step %scan3A_51  : i32 {
      %mul3A_84 = arith.constant 3 : i32
      %mul3A_85 = arith.muli %scan3A_83, %mul3A_84 : i32
      %add3A_86 = arith.constant 0 : i32
      %add3A_87 = arith.addi %add3A_86, %mul3A_85 : i32
      %add3A_88 = arith.constant 0 : i32
      %add3A_89 = arith.addi %add3A_87, %add3A_88 : i32
      %add3A_90 = arith.constant 2 : i32
      %add3A_91 = arith.addi %add3A_89, %add3A_90 : i32
      %dma_start3A_92 = arith.constant 2 : i32
      %dma_start3A_93 = arith.constant 0 : i32
      %dma_start3A_94 = arith.constant 0 : i32
      %dma_start3A_95 = tpu.memref_slice %arg8[%dma_start3A_92, %dma_start3A_93, %dma_start3A_94] : memref<3x128x32xf32, #tpu.memory_space<vmem>> -> memref<1x128x32xf32, #tpu.memory_space<vmem>>
      %dma_start3A_96 = tpu.memref_squeeze %dma_start3A_95 : memref<1x128x32xf32, #tpu.memory_space<vmem>> -> memref<128x32xf32, #tpu.memory_space<vmem>>
      %dma_start3A_97 = arith.constant 0 : i32
      %dma_start3A_98 = tpu.memref_slice %arg6[%add3A_91, %dma_start3A_97] : memref<80x128xi32, #tpu.memory_space<vmem>> -> memref<1x128xi32, #tpu.memory_space<vmem>>
      %dma_start3A_99 = tpu.memref_squeeze %dma_start3A_98 : memref<1x128xi32, #tpu.memory_space<vmem>> -> memref<128xi32, #tpu.memory_space<vmem>>
      %dma_start3A_100 = arith.constant 0 : i32
      %dma_start3A_101 = arith.constant 0 : i32
      %dma_start3A_102 = tpu.memref_slice %arg10[%dma_start3A_100, %dma_start3A_101] : memref<10240x32xf32, #tpu.memory_space<vmem_shared>> -> memref<10240x32xf32, #tpu.memory_space<vmem_shared>>
      tpu.enqueue_indirect_dma source(%dma_start3A_102 : memref<10240x32xf32, #tpu.memory_space<vmem_shared>>) target(%dma_start3A_96 : memref<128x32xf32, #tpu.memory_space<vmem>>) offsets(%dma_start3A_99 : memref<128xi32, #tpu.memory_space<vmem>>) semaphore(%arg13 : memref<!tpu.dma_semaphore, #tpu.memory_space<semaphore_mem>>)
      %dma_wait3A_103 = arith.constant 0 : i32
      %dma_wait3A_104 = arith.constant 0 : i32
      %dma_wait3A_105 = arith.constant 0 : i32
      %dma_wait3A_106 = tpu.memref_slice %arg8[%dma_wait3A_103, %dma_wait3A_104, %dma_wait3A_105] : memref<3x128x32xf32, #tpu.memory_space<vmem>> -> memref<1x128x32xf32, #tpu.memory_space<vmem>>
      %dma_wait3A_107 = tpu.memref_squeeze %dma_wait3A_106 : memref<1x128x32xf32, #tpu.memory_space<vmem>> -> memref<128x32xf32, #tpu.memory_space<vmem>>
      %dma_wait3A_108 = arith.constant 0 : i32
      %dma_wait3A_109 = tpu.memref_slice %arg6[%add3A_89, %dma_wait3A_108] : memref<80x128xi32, #tpu.memory_space<vmem>> -> memref<1x128xi32, #tpu.memory_space<vmem>>
      %dma_wait3A_110 = tpu.memref_squeeze %dma_wait3A_109 : memref<1x128xi32, #tpu.memory_space<vmem>> -> memref<128xi32, #tpu.memory_space<vmem>>
      %dma_wait3A_111 = arith.constant 0 : i32
      %dma_wait3A_112 = arith.constant 0 : i32
      %dma_wait3A_113 = tpu.memref_slice %arg10[%dma_wait3A_111, %dma_wait3A_112] : memref<10240x32xf32, #tpu.memory_space<vmem_shared>> -> memref<10240x32xf32, #tpu.memory_space<vmem_shared>>
      tpu.wait_indirect_dma semaphore(%arg11 : memref<!tpu.dma_semaphore, #tpu.memory_space<semaphore_mem>>) src(%dma_wait3A_113 : memref<10240x32xf32, #tpu.memory_space<vmem_shared>>) dst(%dma_wait3A_107 : memref<128x32xf32, #tpu.memory_space<vmem>>)
      %run_scoped3A_114 = arith.constant 0 : i32
      "tpu.region"() ({
        %run_scoped3A_169 = tpu.sem_alloc : memref<!tpu.dma_semaphore, #tpu.memory_space<semaphore_mem>>
        %dma_start3A_170 = arith.constant 0 : i32
        %dma_start3A_171 = arith.constant 0 : i32
        %dma_start3A_172 = tpu.memref_slice %arg8[%run_scoped3A_114, %dma_start3A_170, %dma_start3A_171] : memref<3x128x32xf32, #tpu.memory_space<vmem>> -> memref<1x128x32xf32, #tpu.memory_space<vmem>>
        %dma_start3A_173 = tpu.memref_squeeze %dma_start3A_172 : memref<1x128x32xf32, #tpu.memory_space<vmem>> -> memref<128x32xf32, #tpu.memory_space<vmem>>
        %dma_start3A_174 = arith.constant 0 : i32
        %dma_start3A_175 = tpu.memref_slice %arg7[%add3A_89, %dma_start3A_174] : memref<80x128xi32, #tpu.memory_space<vmem>> -> memref<1x128xi32, #tpu.memory_space<vmem>>
        %dma_start3A_176 = tpu.memref_squeeze %dma_start3A_175 : memref<1x128xi32, #tpu.memory_space<vmem>> -> memref<128xi32, #tpu.memory_space<vmem>>
        %dma_start3A_177 = arith.constant 0 : i32
        %dma_start3A_178 = arith.constant 0 : i32
        %dma_start3A_179 = tpu.memref_slice %arg9[%dma_start3A_177, %dma_start3A_178] : memref<10240x32xf32, #tpu.memory_space<vmem_shared>> -> memref<10240x32xf32, #tpu.memory_space<vmem_shared>>
        tpu.enqueue_indirect_dma source(%dma_start3A_173 : memref<128x32xf32, #tpu.memory_space<vmem>>) target(%dma_start3A_179 : memref<10240x32xf32, #tpu.memory_space<vmem_shared>>) offsets(%dma_start3A_176 : memref<128xi32, #tpu.memory_space<vmem>>) semaphore(%run_scoped3A_169 : memref<!tpu.dma_semaphore, #tpu.memory_space<semaphore_mem>>) {add = true}
        %dma_wait3A_180 = arith.constant 0 : i32
        %dma_wait3A_181 = arith.constant 0 : i32
        %dma_wait3A_182 = tpu.memref_slice %arg8[%run_scoped3A_114, %dma_wait3A_180, %dma_wait3A_181] : memref<3x128x32xf32, #tpu.memory_space<vmem>> -> memref<1x128x32xf32, #tpu.memory_space<vmem>>
        %dma_wait3A_183 = tpu.memref_squeeze %dma_wait3A_182 : memref<1x128x32xf32, #tpu.memory_space<vmem>> -> memref<128x32xf32, #tpu.memory_space<vmem>>
        %dma_wait3A_184 = arith.constant 0 : i32
        %dma_wait3A_185 = tpu.memref_slice %arg7[%add3A_89, %dma_wait3A_184] : memref<80x128xi32, #tpu.memory_space<vmem>> -> memref<1x128xi32, #tpu.memory_space<vmem>>
        %dma_wait3A_186 = tpu.memref_squeeze %dma_wait3A_185 : memref<1x128xi32, #tpu.memory_space<vmem>> -> memref<128xi32, #tpu.memory_space<vmem>>
        %dma_wait3A_187 = arith.constant 0 : i32
        %dma_wait3A_188 = arith.constant 0 : i32
        %dma_wait3A_189 = tpu.memref_slice %arg9[%dma_wait3A_187, %dma_wait3A_188] : memref<10240x32xf32, #tpu.memory_space<vmem_shared>> -> memref<10240x32xf32, #tpu.memory_space<vmem_shared>>
        tpu.wait_indirect_dma semaphore(%run_scoped3A_169 : memref<!tpu.dma_semaphore, #tpu.memory_space<semaphore_mem>>) src(%dma_wait3A_183 : memref<128x32xf32, #tpu.memory_space<vmem>>) dst(%dma_wait3A_189 : memref<10240x32xf32, #tpu.memory_space<vmem_shared>>)
        tpu.yield
      }) : () -> ()
      %add3A_115 = arith.constant 1 : i32
      %add3A_116 = arith.addi %add3A_87, %add3A_115 : i32
      %add3A_117 = arith.constant 2 : i32
      %add3A_118 = arith.addi %add3A_116, %add3A_117 : i32
      %dma_start3A_119 = arith.constant 0 : i32
      %dma_start3A_120 = arith.constant 0 : i32
      %dma_start3A_121 = arith.constant 0 : i32
      %dma_start3A_122 = tpu.memref_slice %arg8[%dma_start3A_119, %dma_start3A_120, %dma_start3A_121] : memref<3x128x32xf32, #tpu.memory_space<vmem>> -> memref<1x128x32xf32, #tpu.memory_space<vmem>>
      %dma_start3A_123 = tpu.memref_squeeze %dma_start3A_122 : memref<1x128x32xf32, #tpu.memory_space<vmem>> -> memref<128x32xf32, #tpu.memory_space<vmem>>
      %dma_start3A_124 = arith.constant 0 : i32
      %dma_start3A_125 = tpu.memref_slice %arg6[%add3A_118, %dma_start3A_124] : memref<80x128xi32, #tpu.memory_space<vmem>> -> memref<1x128xi32, #tpu.memory_space<vmem>>
      %dma_start3A_126 = tpu.memref_squeeze %dma_start3A_125 : memref<1x128xi32, #tpu.memory_space<vmem>> -> memref<128xi32, #tpu.memory_space<vmem>>
      %dma_start3A_127 = arith.constant 0 : i32
      %dma_start3A_128 = arith.constant 0 : i32
      %dma_start3A_129 = tpu.memref_slice %arg10[%dma_start3A_127, %dma_start3A_128] : memref<10240x32xf32, #tpu.memory_space<vmem_shared>> -> memref<10240x32xf32, #tpu.memory_space<vmem_shared>>
      tpu.enqueue_indirect_dma source(%dma_start3A_129 : memref<10240x32xf32, #tpu.memory_space<vmem_shared>>) target(%dma_start3A_123 : memref<128x32xf32, #tpu.memory_space<vmem>>) offsets(%dma_start3A_126 : memref<128xi32, #tpu.memory_space<vmem>>) semaphore(%arg11 : memref<!tpu.dma_semaphore, #tpu.memory_space<semaphore_mem>>)
      %dma_wait3A_130 = arith.constant 1 : i32
      %dma_wait3A_131 = arith.constant 0 : i32
      %dma_wait3A_132 = arith.constant 0 : i32
      %dma_wait3A_133 = tpu.memref_slice %arg8[%dma_wait3A_130, %dma_wait3A_131, %dma_wait3A_132] : memref<3x128x32xf32, #tpu.memory_space<vmem>> -> memref<1x128x32xf32, #tpu.memory_space<vmem>>
      %dma_wait3A_134 = tpu.memref_squeeze %dma_wait3A_133 : memref<1x128x32xf32, #tpu.memory_space<vmem>> -> memref<128x32xf32, #tpu.memory_space<vmem>>
      %dma_wait3A_135 = arith.constant 0 : i32
      %dma_wait3A_136 = tpu.memref_slice %arg6[%add3A_116, %dma_wait3A_135] : memref<80x128xi32, #tpu.memory_space<vmem>> -> memref<1x128xi32, #tpu.memory_space<vmem>>
      %dma_wait3A_137 = tpu.memref_squeeze %dma_wait3A_136 : memref<1x128xi32, #tpu.memory_space<vmem>> -> memref<128xi32, #tpu.memory_space<vmem>>
      %dma_wait3A_138 = arith.constant 0 : i32
      %dma_wait3A_139 = arith.constant 0 : i32
      %dma_wait3A_140 = tpu.memref_slice %arg10[%dma_wait3A_138, %dma_wait3A_139] : memref<10240x32xf32, #tpu.memory_space<vmem_shared>> -> memref<10240x32xf32, #tpu.memory_space<vmem_shared>>
      tpu.wait_indirect_dma semaphore(%arg12 : memref<!tpu.dma_semaphore, #tpu.memory_space<semaphore_mem>>) src(%dma_wait3A_140 : memref<10240x32xf32, #tpu.memory_space<vmem_shared>>) dst(%dma_wait3A_134 : memref<128x32xf32, #tpu.memory_space<vmem>>)
      %run_scoped3A_141 = arith.constant 1 : i32
      "tpu.region"() ({
        %run_scoped3A_169 = tpu.sem_alloc : memref<!tpu.dma_semaphore, #tpu.memory_space<semaphore_mem>>
        %dma_start3A_170 = arith.constant 0 : i32
        %dma_start3A_171 = arith.constant 0 : i32
        %dma_start3A_172 = tpu.memref_slice %arg8[%run_scoped3A_141, %dma_start3A_170, %dma_start3A_171] : memref<3x128x32xf32, #tpu.memory_space<vmem>> -> memref<1x128x32xf32, #tpu.memory_space<vmem>>
        %dma_start3A_173 = tpu.memref_squeeze %dma_start3A_172 : memref<1x128x32xf32, #tpu.memory_space<vmem>> -> memref<128x32xf32, #tpu.memory_space<vmem>>
        %dma_start3A_174 = arith.constant 0 : i32
        %dma_start3A_175 = tpu.memref_slice %arg7[%add3A_116, %dma_start3A_174] : memref<80x128xi32, #tpu.memory_space<vmem>> -> memref<1x128xi32, #tpu.memory_space<vmem>>
        %dma_start3A_176 = tpu.memref_squeeze %dma_start3A_175 : memref<1x128xi32, #tpu.memory_space<vmem>> -> memref<128xi32, #tpu.memory_space<vmem>>
        %dma_start3A_177 = arith.constant 0 : i32
        %dma_start3A_178 = arith.constant 0 : i32
        %dma_start3A_179 = tpu.memref_slice %arg9[%dma_start3A_177, %dma_start3A_178] : memref<10240x32xf32, #tpu.memory_space<vmem_shared>> -> memref<10240x32xf32, #tpu.memory_space<vmem_shared>>
        tpu.enqueue_indirect_dma source(%dma_start3A_173 : memref<128x32xf32, #tpu.memory_space<vmem>>) target(%dma_start3A_179 : memref<10240x32xf32, #tpu.memory_space<vmem_shared>>) offsets(%dma_start3A_176 : memref<128xi32, #tpu.memory_space<vmem>>) semaphore(%run_scoped3A_169 : memref<!tpu.dma_semaphore, #tpu.memory_space<semaphore_mem>>) {add = true}
        %dma_wait3A_180 = arith.constant 0 : i32
        %dma_wait3A_181 = arith.constant 0 : i32
        %dma_wait3A_182 = tpu.memref_slice %arg8[%run_scoped3A_141, %dma_wait3A_180, %dma_wait3A_181] : memref<3x128x32xf32, #tpu.memory_space<vmem>> -> memref<1x128x32xf32, #tpu.memory_space<vmem>>
        %dma_wait3A_183 = tpu.memref_squeeze %dma_wait3A_182 : memref<1x128x32xf32, #tpu.memory_space<vmem>> -> memref<128x32xf32, #tpu.memory_space<vmem>>
        %dma_wait3A_184 = arith.constant 0 : i32
        %dma_wait3A_185 = tpu.memref_slice %arg7[%add3A_116, %dma_wait3A_184] : memref<80x128xi32, #tpu.memory_space<vmem>> -> memref<1x128xi32, #tpu.memory_space<vmem>>
        %dma_wait3A_186 = tpu.memref_squeeze %dma_wait3A_185 : memref<1x128xi32, #tpu.memory_space<vmem>> -> memref<128xi32, #tpu.memory_space<vmem>>
        %dma_wait3A_187 = arith.constant 0 : i32
        %dma_wait3A_188 = arith.constant 0 : i32
        %dma_wait3A_189 = tpu.memref_slice %arg9[%dma_wait3A_187, %dma_wait3A_188] : memref<10240x32xf32, #tpu.memory_space<vmem_shared>> -> memref<10240x32xf32, #tpu.memory_space<vmem_shared>>
        tpu.wait_indirect_dma semaphore(%run_scoped3A_169 : memref<!tpu.dma_semaphore, #tpu.memory_space<semaphore_mem>>) src(%dma_wait3A_183 : memref<128x32xf32, #tpu.memory_space<vmem>>) dst(%dma_wait3A_189 : memref<10240x32xf32, #tpu.memory_space<vmem_shared>>)
        tpu.yield
      }) : () -> ()
      %add3A_142 = arith.constant 2 : i32
      %add3A_143 = arith.addi %add3A_87, %add3A_142 : i32
      %add3A_144 = arith.constant 2 : i32
      %add3A_145 = arith.addi %add3A_143, %add3A_144 : i32
      %dma_start3A_146 = arith.constant 1 : i32
      %dma_start3A_147 = arith.constant 0 : i32
      %dma_start3A_148 = arith.constant 0 : i32
      %dma_start3A_149 = tpu.memref_slice %arg8[%dma_start3A_146, %dma_start3A_147, %dma_start3A_148] : memref<3x128x32xf32, #tpu.memory_space<vmem>> -> memref<1x128x32xf32, #tpu.memory_space<vmem>>
      %dma_start3A_150 = tpu.memref_squeeze %dma_start3A_149 : memref<1x128x32xf32, #tpu.memory_space<vmem>> -> memref<128x32xf32, #tpu.memory_space<vmem>>
      %dma_start3A_151 = arith.constant 0 : i32
      %dma_start3A_152 = tpu.memref_slice %arg6[%add3A_145, %dma_start3A_151] : memref<80x128xi32, #tpu.memory_space<vmem>> -> memref<1x128xi32, #tpu.memory_space<vmem>>
      %dma_start3A_153 = tpu.memref_squeeze %dma_start3A_152 : memref<1x128xi32, #tpu.memory_space<vmem>> -> memref<128xi32, #tpu.memory_space<vmem>>
      %dma_start3A_154 = arith.constant 0 : i32
      %dma_start3A_155 = arith.constant 0 : i32
      %dma_start3A_156 = tpu.memref_slice %arg10[%dma_start3A_154, %dma_start3A_155] : memref<10240x32xf32, #tpu.memory_space<vmem_shared>> -> memref<10240x32xf32, #tpu.memory_space<vmem_shared>>
      tpu.enqueue_indirect_dma source(%dma_start3A_156 : memref<10240x32xf32, #tpu.memory_space<vmem_shared>>) target(%dma_start3A_150 : memref<128x32xf32, #tpu.memory_space<vmem>>) offsets(%dma_start3A_153 : memref<128xi32, #tpu.memory_space<vmem>>) semaphore(%arg12 : memref<!tpu.dma_semaphore, #tpu.memory_space<semaphore_mem>>)
      %dma_wait3A_157 = arith.constant 2 : i32
      %dma_wait3A_158 = arith.constant 0 : i32
      %dma_wait3A_159 = arith.constant 0 : i32
      %dma_wait3A_160 = tpu.memref_slice %arg8[%dma_wait3A_157, %dma_wait3A_158, %dma_wait3A_159] : memref<3x128x32xf32, #tpu.memory_space<vmem>> -> memref<1x128x32xf32, #tpu.memory_space<vmem>>
      %dma_wait3A_161 = tpu.memref_squeeze %dma_wait3A_160 : memref<1x128x32xf32, #tpu.memory_space<vmem>> -> memref<128x32xf32, #tpu.memory_space<vmem>>
      %dma_wait3A_162 = arith.constant 0 : i32
      %dma_wait3A_163 = tpu.memref_slice %arg6[%add3A_143, %dma_wait3A_162] : memref<80x128xi32, #tpu.memory_space<vmem>> -> memref<1x128xi32, #tpu.memory_space<vmem>>
      %dma_wait3A_164 = tpu.memref_squeeze %dma_wait3A_163 : memref<1x128xi32, #tpu.memory_space<vmem>> -> memref<128xi32, #tpu.memory_space<vmem>>
      %dma_wait3A_165 = arith.constant 0 : i32
      %dma_wait3A_166 = arith.constant 0 : i32
      %dma_wait3A_167 = tpu.memref_slice %arg10[%dma_wait3A_165, %dma_wait3A_166] : memref<10240x32xf32, #tpu.memory_space<vmem_shared>> -> memref<10240x32xf32, #tpu.memory_space<vmem_shared>>
      tpu.wait_indirect_dma semaphore(%arg13 : memref<!tpu.dma_semaphore, #tpu.memory_space<semaphore_mem>>) src(%dma_wait3A_167 : memref<10240x32xf32, #tpu.memory_space<vmem_shared>>) dst(%dma_wait3A_161 : memref<128x32xf32, #tpu.memory_space<vmem>>)
      %run_scoped3A_168 = arith.constant 2 : i32
      "tpu.region"() ({
        %run_scoped3A_169 = tpu.sem_alloc : memref<!tpu.dma_semaphore, #tpu.memory_space<semaphore_mem>>
        %dma_start3A_170 = arith.constant 0 : i32
        %dma_start3A_171 = arith.constant 0 : i32
        %dma_start3A_172 = tpu.memref_slice %arg8[%run_scoped3A_168, %dma_start3A_170, %dma_start3A_171] : memref<3x128x32xf32, #tpu.memory_space<vmem>> -> memref<1x128x32xf32, #tpu.memory_space<vmem>>
        %dma_start3A_173 = tpu.memref_squeeze %dma_start3A_172 : memref<1x128x32xf32, #tpu.memory_space<vmem>> -> memref<128x32xf32, #tpu.memory_space<vmem>>
        %dma_start3A_174 = arith.constant 0 : i32
        %dma_start3A_175 = tpu.memref_slice %arg7[%add3A_143, %dma_start3A_174] : memref<80x128xi32, #tpu.memory_space<vmem>> -> memref<1x128xi32, #tpu.memory_space<vmem>>
        %dma_start3A_176 = tpu.memref_squeeze %dma_start3A_175 : memref<1x128xi32, #tpu.memory_space<vmem>> -> memref<128xi32, #tpu.memory_space<vmem>>
        %dma_start3A_177 = arith.constant 0 : i32
        %dma_start3A_178 = arith.constant 0 : i32
        %dma_start3A_179 = tpu.memref_slice %arg9[%dma_start3A_177, %dma_start3A_178] : memref<10240x32xf32, #tpu.memory_space<vmem_shared>> -> memref<10240x32xf32, #tpu.memory_space<vmem_shared>>
        tpu.enqueue_indirect_dma source(%dma_start3A_173 : memref<128x32xf32, #tpu.memory_space<vmem>>) target(%dma_start3A_179 : memref<10240x32xf32, #tpu.memory_space<vmem_shared>>) offsets(%dma_start3A_176 : memref<128xi32, #tpu.memory_space<vmem>>) semaphore(%run_scoped3A_169 : memref<!tpu.dma_semaphore, #tpu.memory_space<semaphore_mem>>) {add = true}
        %dma_wait3A_180 = arith.constant 0 : i32
        %dma_wait3A_181 = arith.constant 0 : i32
        %dma_wait3A_182 = tpu.memref_slice %arg8[%run_scoped3A_168, %dma_wait3A_180, %dma_wait3A_181] : memref<3x128x32xf32, #tpu.memory_space<vmem>> -> memref<1x128x32xf32, #tpu.memory_space<vmem>>
        %dma_wait3A_183 = tpu.memref_squeeze %dma_wait3A_182 : memref<1x128x32xf32, #tpu.memory_space<vmem>> -> memref<128x32xf32, #tpu.memory_space<vmem>>
        %dma_wait3A_184 = arith.constant 0 : i32
        %dma_wait3A_185 = tpu.memref_slice %arg7[%add3A_143, %dma_wait3A_184] : memref<80x128xi32, #tpu.memory_space<vmem>> -> memref<1x128xi32, #tpu.memory_space<vmem>>
        %dma_wait3A_186 = tpu.memref_squeeze %dma_wait3A_185 : memref<1x128xi32, #tpu.memory_space<vmem>> -> memref<128xi32, #tpu.memory_space<vmem>>
        %dma_wait3A_187 = arith.constant 0 : i32
        %dma_wait3A_188 = arith.constant 0 : i32
        %dma_wait3A_189 = tpu.memref_slice %arg9[%dma_wait3A_187, %dma_wait3A_188] : memref<10240x32xf32, #tpu.memory_space<vmem_shared>> -> memref<10240x32xf32, #tpu.memory_space<vmem_shared>>
        tpu.wait_indirect_dma semaphore(%run_scoped3A_169 : memref<!tpu.dma_semaphore, #tpu.memory_space<semaphore_mem>>) src(%dma_wait3A_183 : memref<128x32xf32, #tpu.memory_space<vmem>>) dst(%dma_wait3A_189 : memref<10240x32xf32, #tpu.memory_space<vmem_shared>>)
        tpu.yield
      }) : () -> ()
    }
    %scan3A_52 = arith.constant 26 : i32
    %dma_wait3A = arith.constant 78 : i32
    %dma_wait3A_53 = arith.constant 0 : i32
    %dma_wait3A_54 = arith.constant 0 : i32
    %dma_wait3A_55 = arith.constant 0 : i32
    %dma_wait3A_56 = tpu.memref_slice %arg8[%dma_wait3A_53, %dma_wait3A_54, %dma_wait3A_55] : memref<3x128x32xf32, #tpu.memory_space<vmem>> -> memref<1x128x32xf32, #tpu.memory_space<vmem>>
    %dma_wait3A_57 = tpu.memref_squeeze %dma_wait3A_56 : memref<1x128x32xf32, #tpu.memory_space<vmem>> -> memref<128x32xf32, #tpu.memory_space<vmem>>
    %dma_wait3A_58 = arith.constant 0 : i32
    %dma_wait3A_59 = tpu.memref_slice %arg6[%dma_wait3A, %dma_wait3A_58] : memref<80x128xi32, #tpu.memory_space<vmem>> -> memref<1x128xi32, #tpu.memory_space<vmem>>
    %dma_wait3A_60 = tpu.memref_squeeze %dma_wait3A_59 : memref<1x128xi32, #tpu.memory_space<vmem>> -> memref<128xi32, #tpu.memory_space<vmem>>
    %dma_wait3A_61 = arith.constant 0 : i32
    %dma_wait3A_62 = arith.constant 0 : i32
    %dma_wait3A_63 = tpu.memref_slice %arg10[%dma_wait3A_61, %dma_wait3A_62] : memref<10240x32xf32, #tpu.memory_space<vmem_shared>> -> memref<10240x32xf32, #tpu.memory_space<vmem_shared>>
    tpu.wait_indirect_dma semaphore(%arg11 : memref<!tpu.dma_semaphore, #tpu.memory_space<semaphore_mem>>) src(%dma_wait3A_63 : memref<10240x32xf32, #tpu.memory_space<vmem_shared>>) dst(%dma_wait3A_57 : memref<128x32xf32, #tpu.memory_space<vmem>>)
    %run_scoped3A_64 = arith.constant 0 : i32
    %run_scoped3A_65 = arith.constant 78 : i32
    "tpu.region"() ({
      %run_scoped3A_83 = tpu.sem_alloc : memref<!tpu.dma_semaphore, #tpu.memory_space<semaphore_mem>>
      %dma_start3A_84 = arith.constant 0 : i32
      %dma_start3A_85 = arith.constant 0 : i32
      %dma_start3A_86 = tpu.memref_slice %arg8[%run_scoped3A_64, %dma_start3A_84, %dma_start3A_85] : memref<3x128x32xf32, #tpu.memory_space<vmem>> -> memref<1x128x32xf32, #tpu.memory_space<vmem>>
      %dma_start3A_87 = tpu.memref_squeeze %dma_start3A_86 : memref<1x128x32xf32, #tpu.memory_space<vmem>> -> memref<128x32xf32, #tpu.memory_space<vmem>>
      %dma_start3A_88 = arith.constant 0 : i32
      %dma_start3A_89 = tpu.memref_slice %arg7[%run_scoped3A_65, %dma_start3A_88] : memref<80x128xi32, #tpu.memory_space<vmem>> -> memref<1x128xi32, #tpu.memory_space<vmem>>
      %dma_start3A_90 = tpu.memref_squeeze %dma_start3A_89 : memref<1x128xi32, #tpu.memory_space<vmem>> -> memref<128xi32, #tpu.memory_space<vmem>>
      %dma_start3A_91 = arith.constant 0 : i32
      %dma_start3A_92 = arith.constant 0 : i32
      %dma_start3A_93 = tpu.memref_slice %arg9[%dma_start3A_91, %dma_start3A_92] : memref<10240x32xf32, #tpu.memory_space<vmem_shared>> -> memref<10240x32xf32, #tpu.memory_space<vmem_shared>>
      tpu.enqueue_indirect_dma source(%dma_start3A_87 : memref<128x32xf32, #tpu.memory_space<vmem>>) target(%dma_start3A_93 : memref<10240x32xf32, #tpu.memory_space<vmem_shared>>) offsets(%dma_start3A_90 : memref<128xi32, #tpu.memory_space<vmem>>) semaphore(%run_scoped3A_83 : memref<!tpu.dma_semaphore, #tpu.memory_space<semaphore_mem>>) {add = true}
      %dma_wait3A_94 = arith.constant 0 : i32
      %dma_wait3A_95 = arith.constant 0 : i32
      %dma_wait3A_96 = tpu.memref_slice %arg8[%run_scoped3A_64, %dma_wait3A_94, %dma_wait3A_95] : memref<3x128x32xf32, #tpu.memory_space<vmem>> -> memref<1x128x32xf32, #tpu.memory_space<vmem>>
      %dma_wait3A_97 = tpu.memref_squeeze %dma_wait3A_96 : memref<1x128x32xf32, #tpu.memory_space<vmem>> -> memref<128x32xf32, #tpu.memory_space<vmem>>
      %dma_wait3A_98 = arith.constant 0 : i32
      %dma_wait3A_99 = tpu.memref_slice %arg7[%run_scoped3A_65, %dma_wait3A_98] : memref<80x128xi32, #tpu.memory_space<vmem>> -> memref<1x128xi32, #tpu.memory_space<vmem>>
      %dma_wait3A_100 = tpu.memref_squeeze %dma_wait3A_99 : memref<1x128xi32, #tpu.memory_space<vmem>> -> memref<128xi32, #tpu.memory_space<vmem>>
      %dma_wait3A_101 = arith.constant 0 : i32
      %dma_wait3A_102 = arith.constant 0 : i32
      %dma_wait3A_103 = tpu.memref_slice %arg9[%dma_wait3A_101, %dma_wait3A_102] : memref<10240x32xf32, #tpu.memory_space<vmem_shared>> -> memref<10240x32xf32, #tpu.memory_space<vmem_shared>>
      tpu.wait_indirect_dma semaphore(%run_scoped3A_83 : memref<!tpu.dma_semaphore, #tpu.memory_space<semaphore_mem>>) src(%dma_wait3A_97 : memref<128x32xf32, #tpu.memory_space<vmem>>) dst(%dma_wait3A_103 : memref<10240x32xf32, #tpu.memory_space<vmem_shared>>)
      tpu.yield
    }) : () -> ()
    %dma_wait3A_66 = arith.constant 79 : i32
    %dma_wait3A_67 = arith.constant 1 : i32
    %dma_wait3A_68 = arith.constant 0 : i32
    %dma_wait3A_69 = arith.constant 0 : i32
    %dma_wait3A_70 = tpu.memref_slice %arg8[%dma_wait3A_67, %dma_wait3A_68, %dma_wait3A_69] : memref<3x128x32xf32, #tpu.memory_space<vmem>> -> memref<1x128x32xf32, #tpu.memory_space<vmem>>
    %dma_wait3A_71 = tpu.memref_squeeze %dma_wait3A_70 : memref<1x128x32xf32, #tpu.memory_space<vmem>> -> memref<128x32xf32, #tpu.memory_space<vmem>>
    %dma_wait3A_72 = arith.constant 0 : i32
    %dma_wait3A_73 = tpu.memref_slice %arg6[%dma_wait3A_66, %dma_wait3A_72] : memref<80x128xi32, #tpu.memory_space<vmem>> -> memref<1x128xi32, #tpu.memory_space<vmem>>
    %dma_wait3A_74 = tpu.memref_squeeze %dma_wait3A_73 : memref<1x128xi32, #tpu.memory_space<vmem>> -> memref<128xi32, #tpu.memory_space<vmem>>
    %dma_wait3A_75 = arith.constant 0 : i32
    %dma_wait3A_76 = arith.constant 0 : i32
    %dma_wait3A_77 = tpu.memref_slice %arg10[%dma_wait3A_75, %dma_wait3A_76] : memref<10240x32xf32, #tpu.memory_space<vmem_shared>> -> memref<10240x32xf32, #tpu.memory_space<vmem_shared>>
    tpu.wait_indirect_dma semaphore(%arg12 : memref<!tpu.dma_semaphore, #tpu.memory_space<semaphore_mem>>) src(%dma_wait3A_77 : memref<10240x32xf32, #tpu.memory_space<vmem_shared>>) dst(%dma_wait3A_71 : memref<128x32xf32, #tpu.memory_space<vmem>>)
    %run_scoped3A_78 = arith.constant 1 : i32
    %run_scoped3A_79 = arith.constant 79 : i32
    "tpu.region"() ({
      %run_scoped3A_83 = tpu.sem_alloc : memref<!tpu.dma_semaphore, #tpu.memory_space<semaphore_mem>>
      %dma_start3A_84 = arith.constant 0 : i32
      %dma_start3A_85 = arith.constant 0 : i32
      %dma_start3A_86 = tpu.memref_slice %arg8[%run_scoped3A_78, %dma_start3A_84, %dma_start3A_85] : memref<3x128x32xf32, #tpu.memory_space<vmem>> -> memref<1x128x32xf32, #tpu.memory_space<vmem>>
      %dma_start3A_87 = tpu.memref_squeeze %dma_start3A_86 : memref<1x128x32xf32, #tpu.memory_space<vmem>> -> memref<128x32xf32, #tpu.memory_space<vmem>>
      %dma_start3A_88 = arith.constant 0 : i32
      %dma_start3A_89 = tpu.memref_slice %arg7[%run_scoped3A_79, %dma_start3A_88] : memref<80x128xi32, #tpu.memory_space<vmem>> -> memref<1x128xi32, #tpu.memory_space<vmem>>
      %dma_start3A_90 = tpu.memref_squeeze %dma_start3A_89 : memref<1x128xi32, #tpu.memory_space<vmem>> -> memref<128xi32, #tpu.memory_space<vmem>>
      %dma_start3A_91 = arith.constant 0 : i32
      %dma_start3A_92 = arith.constant 0 : i32
      %dma_start3A_93 = tpu.memref_slice %arg9[%dma_start3A_91, %dma_start3A_92] : memref<10240x32xf32, #tpu.memory_space<vmem_shared>> -> memref<10240x32xf32, #tpu.memory_space<vmem_shared>>
      tpu.enqueue_indirect_dma source(%dma_start3A_87 : memref<128x32xf32, #tpu.memory_space<vmem>>) target(%dma_start3A_93 : memref<10240x32xf32, #tpu.memory_space<vmem_shared>>) offsets(%dma_start3A_90 : memref<128xi32, #tpu.memory_space<vmem>>) semaphore(%run_scoped3A_83 : memref<!tpu.dma_semaphore, #tpu.memory_space<semaphore_mem>>) {add = true}
      %dma_wait3A_94 = arith.constant 0 : i32
      %dma_wait3A_95 = arith.constant 0 : i32
      %dma_wait3A_96 = tpu.memref_slice %arg8[%run_scoped3A_78, %dma_wait3A_94, %dma_wait3A_95] : memref<3x128x32xf32, #tpu.memory_space<vmem>> -> memref<1x128x32xf32, #tpu.memory_space<vmem>>
      %dma_wait3A_97 = tpu.memref_squeeze %dma_wait3A_96 : memref<1x128x32xf32, #tpu.memory_space<vmem>> -> memref<128x32xf32, #tpu.memory_space<vmem>>
      %dma_wait3A_98 = arith.constant 0 : i32
      %dma_wait3A_99 = tpu.memref_slice %arg7[%run_scoped3A_79, %dma_wait3A_98] : memref<80x128xi32, #tpu.memory_space<vmem>> -> memref<1x128xi32, #tpu.memory_space<vmem>>
      %dma_wait3A_100 = tpu.memref_squeeze %dma_wait3A_99 : memref<1x128xi32, #tpu.memory_space<vmem>> -> memref<128xi32, #tpu.memory_space<vmem>>
      %dma_wait3A_101 = arith.constant 0 : i32
      %dma_wait3A_102 = arith.constant 0 : i32
      %dma_wait3A_103 = tpu.memref_slice %arg9[%dma_wait3A_101, %dma_wait3A_102] : memref<10240x32xf32, #tpu.memory_space<vmem_shared>> -> memref<10240x32xf32, #tpu.memory_space<vmem_shared>>
      tpu.wait_indirect_dma semaphore(%run_scoped3A_83 : memref<!tpu.dma_semaphore, #tpu.memory_space<semaphore_mem>>) src(%dma_wait3A_97 : memref<128x32xf32, #tpu.memory_space<vmem>>) dst(%dma_wait3A_103 : memref<10240x32xf32, #tpu.memory_space<vmem_shared>>)
      tpu.yield
    }) : () -> ()
    %barrier3A_80 = arith.constant 0 : index
    tpu.barrier barrier_id(%barrier3A_80)
    %mul3A_81 = arith.constant 32 : i32
    %mul3A_82 = arith.muli %arg0, %mul3A_81 : i32
    "tpu.region"() ({
      %run_scoped3A_83 = tpu.sem_alloc : memref<!tpu.dma_semaphore, #tpu.memory_space<semaphore_mem>>
      %dma_start3A_84 = tpu.memref_slice %arg5[%mul3A_10, %mul3A_82] : memref<10240x128xf32, #tpu.memory_space<hbm>> -> memref<640x32xf32, #tpu.memory_space<hbm>>
      %dma_start3A_85 = arith.constant 0 : i32
      %dma_start3A_86 = tpu.memref_slice %arg9[%mul3A_10, %dma_start3A_85] : memref<10240x32xf32, #tpu.memory_space<vmem_shared>> -> memref<640x32xf32, #tpu.memory_space<vmem_shared>>
      tpu.enqueue_dma source(%dma_start3A_86 : memref<640x32xf32, #tpu.memory_space<vmem_shared>>) target(%dma_start3A_84 : memref<640x32xf32, #tpu.memory_space<hbm>>) target_semaphore(%run_scoped3A_83 : memref<!tpu.dma_semaphore, #tpu.memory_space<semaphore_mem>>)
      %dma_wait3A_87 = tpu.memref_slice %arg5[%mul3A_10, %mul3A_82] : memref<10240x128xf32, #tpu.memory_space<hbm>> -> memref<640x32xf32, #tpu.memory_space<hbm>>
      %dma_wait3A_88 = arith.constant 0 : i32
      %dma_wait3A_89 = tpu.memref_slice %arg9[%mul3A_10, %dma_wait3A_88] : memref<10240x32xf32, #tpu.memory_space<vmem_shared>> -> memref<640x32xf32, #tpu.memory_space<vmem_shared>>
      tpu.wait_dma2 semaphore(%run_scoped3A_83 : memref<!tpu.dma_semaphore, #tpu.memory_space<semaphore_mem>>) src(%dma_wait3A_89 : memref<640x32xf32, #tpu.memory_space<vmem_shared>>) dst(%dma_wait3A_87 : memref<640x32xf32, #tpu.memory_space<hbm>>)
      tpu.yield
    }) : () -> ()
    return
  }
}

#map = affine_map<(d0, d1) -> (0, 0)>
#map1 = affine_map<(d0, d1) -> (0, 0, 0)>
module attributes {stable_mosaic.version = 14 : i64} {
  func.func @k(%arg0: i32, %arg1: i32, %arg2: memref<10000x128xf32, #tpu.memory_space<hbm>>, %arg3: memref<32x80x128xi32, #tpu.memory_space<hbm>>, %arg4: memref<32x80x128xi32, #tpu.memory_space<hbm>>, %arg5: memref<10240x128xf32, #tpu.memory_space<hbm>>, %arg6: memref<80x128xi32, #tpu.memory_space<vmem>>, %arg7: memref<80x128xi32, #tpu.memory_space<vmem>>, %arg8: memref<3x128x64xf32, #tpu.memory_space<vmem>>, %arg9: memref<10240x64xf32, #tpu.memory_space<vmem_shared>>, %arg10: memref<10240x64xf32, #tpu.memory_space<vmem_shared>>, %arg11: memref<!tpu.dma_semaphore, #tpu.memory_space<semaphore_mem>>, %arg12: memref<!tpu.dma_semaphore, #tpu.memory_space<semaphore_mem>>, %arg13: memref<!tpu.dma_semaphore, #tpu.memory_space<semaphore_mem>>) attributes {dimension_semantics = [#tpu.dimension_semantics<core_parallel>, #tpu.dimension_semantics<subcore_parallel>], iteration_bounds = array<i64: 2, 16>, scalar_prefetch = 0 : i64, scratch_operands = 8 : i64, tpu.core_type = #tpu.core_type<sc_vector_subcore>, window_params = [{transform_indices = #map}, {transform_indices = #map1}, {transform_indices = #map1}, {transform_indices = #map}]} {
    %mul3A = arith.constant 2 : i32
    %mul3A_0 = arith.muli %arg1, %mul3A : i32
    %add3A = arith.addi %mul3A_0, %arg0 : i32
    "tpu.region"() ({
      %run_scoped3A_83 = tpu.sem_alloc : memref<!tpu.dma_semaphore, #tpu.memory_space<semaphore_mem>>
      %dma_start3A_84 = arith.constant 0 : i32
      %dma_start3A_85 = arith.constant 0 : i32
      %dma_start3A_86 = tpu.memref_slice %arg3[%add3A, %dma_start3A_84, %dma_start3A_85] : memref<32x80x128xi32, #tpu.memory_space<hbm>> -> memref<1x80x128xi32, #tpu.memory_space<hbm>>
      %dma_start3A_87 = tpu.memref_squeeze %dma_start3A_86 : memref<1x80x128xi32, #tpu.memory_space<hbm>> -> memref<80x128xi32, #tpu.memory_space<hbm>>
      %dma_start3A_88 = arith.constant 0 : i32
      %dma_start3A_89 = arith.constant 0 : i32
      %dma_start3A_90 = tpu.memref_slice %arg3[%add3A, %dma_start3A_88, %dma_start3A_89] : memref<32x80x128xi32, #tpu.memory_space<hbm>> -> memref<1x80x128xi32, #tpu.memory_space<hbm>>
      %dma_start3A_91 = tpu.memref_squeeze %dma_start3A_90 : memref<1x80x128xi32, #tpu.memory_space<hbm>> -> memref<80x128xi32, #tpu.memory_space<hbm>>
      tpu.enqueue_dma source(%dma_start3A_91 : memref<80x128xi32, #tpu.memory_space<hbm>>) target(%arg6 : memref<80x128xi32, #tpu.memory_space<vmem>>) target_semaphore(%run_scoped3A_83 : memref<!tpu.dma_semaphore, #tpu.memory_space<semaphore_mem>>)
      %dma_wait3A_92 = arith.constant 0 : i32
      %dma_wait3A_93 = arith.constant 0 : i32
      %dma_wait3A_94 = tpu.memref_slice %arg3[%add3A, %dma_wait3A_92, %dma_wait3A_93] : memref<32x80x128xi32, #tpu.memory_space<hbm>> -> memref<1x80x128xi32, #tpu.memory_space<hbm>>
      %dma_wait3A_95 = tpu.memref_squeeze %dma_wait3A_94 : memref<1x80x128xi32, #tpu.memory_space<hbm>> -> memref<80x128xi32, #tpu.memory_space<hbm>>
      %dma_wait3A_96 = arith.constant 0 : i32
      %dma_wait3A_97 = arith.constant 0 : i32
      %dma_wait3A_98 = tpu.memref_slice %arg3[%add3A, %dma_wait3A_96, %dma_wait3A_97] : memref<32x80x128xi32, #tpu.memory_space<hbm>> -> memref<1x80x128xi32, #tpu.memory_space<hbm>>
      %dma_wait3A_99 = tpu.memref_squeeze %dma_wait3A_98 : memref<1x80x128xi32, #tpu.memory_space<hbm>> -> memref<80x128xi32, #tpu.memory_space<hbm>>
      tpu.wait_dma2 semaphore(%run_scoped3A_83 : memref<!tpu.dma_semaphore, #tpu.memory_space<semaphore_mem>>) src(%dma_wait3A_99 : memref<80x128xi32, #tpu.memory_space<hbm>>) dst(%arg6 : memref<80x128xi32, #tpu.memory_space<vmem>>)
      tpu.yield
    }) : () -> ()
    "tpu.region"() ({
      %run_scoped3A_83 = tpu.sem_alloc : memref<!tpu.dma_semaphore, #tpu.memory_space<semaphore_mem>>
      %dma_start3A_84 = arith.constant 0 : i32
      %dma_start3A_85 = arith.constant 0 : i32
      %dma_start3A_86 = tpu.memref_slice %arg4[%add3A, %dma_start3A_84, %dma_start3A_85] : memref<32x80x128xi32, #tpu.memory_space<hbm>> -> memref<1x80x128xi32, #tpu.memory_space<hbm>>
      %dma_start3A_87 = tpu.memref_squeeze %dma_start3A_86 : memref<1x80x128xi32, #tpu.memory_space<hbm>> -> memref<80x128xi32, #tpu.memory_space<hbm>>
      %dma_start3A_88 = arith.constant 0 : i32
      %dma_start3A_89 = arith.constant 0 : i32
      %dma_start3A_90 = tpu.memref_slice %arg4[%add3A, %dma_start3A_88, %dma_start3A_89] : memref<32x80x128xi32, #tpu.memory_space<hbm>> -> memref<1x80x128xi32, #tpu.memory_space<hbm>>
      %dma_start3A_91 = tpu.memref_squeeze %dma_start3A_90 : memref<1x80x128xi32, #tpu.memory_space<hbm>> -> memref<80x128xi32, #tpu.memory_space<hbm>>
      tpu.enqueue_dma source(%dma_start3A_91 : memref<80x128xi32, #tpu.memory_space<hbm>>) target(%arg7 : memref<80x128xi32, #tpu.memory_space<vmem>>) target_semaphore(%run_scoped3A_83 : memref<!tpu.dma_semaphore, #tpu.memory_space<semaphore_mem>>)
      %dma_wait3A_92 = arith.constant 0 : i32
      %dma_wait3A_93 = arith.constant 0 : i32
      %dma_wait3A_94 = tpu.memref_slice %arg4[%add3A, %dma_wait3A_92, %dma_wait3A_93] : memref<32x80x128xi32, #tpu.memory_space<hbm>> -> memref<1x80x128xi32, #tpu.memory_space<hbm>>
      %dma_wait3A_95 = tpu.memref_squeeze %dma_wait3A_94 : memref<1x80x128xi32, #tpu.memory_space<hbm>> -> memref<80x128xi32, #tpu.memory_space<hbm>>
      %dma_wait3A_96 = arith.constant 0 : i32
      %dma_wait3A_97 = arith.constant 0 : i32
      %dma_wait3A_98 = tpu.memref_slice %arg4[%add3A, %dma_wait3A_96, %dma_wait3A_97] : memref<32x80x128xi32, #tpu.memory_space<hbm>> -> memref<1x80x128xi32, #tpu.memory_space<hbm>>
      %dma_wait3A_99 = tpu.memref_squeeze %dma_wait3A_98 : memref<1x80x128xi32, #tpu.memory_space<hbm>> -> memref<80x128xi32, #tpu.memory_space<hbm>>
      tpu.wait_dma2 semaphore(%run_scoped3A_83 : memref<!tpu.dma_semaphore, #tpu.memory_space<semaphore_mem>>) src(%dma_wait3A_99 : memref<80x128xi32, #tpu.memory_space<hbm>>) dst(%arg7 : memref<80x128xi32, #tpu.memory_space<vmem>>)
      tpu.yield
    }) : () -> ()
    %mul3A_1 = arith.constant 625 : i32
    %mul3A_2 = arith.muli %arg1, %mul3A_1 : i32
    %min3A = arith.constant 9375 : i32
    %min3A_3 = arith.minsi %mul3A_2, %min3A : i32
    "tpu.region"() ({
      %run_scoped3A_83 = tpu.sem_alloc : memref<!tpu.dma_semaphore, #tpu.memory_space<semaphore_mem>>
      %dma_start3A_84 = arith.constant 0 : i32
      %dma_start3A_85 = tpu.memref_slice %arg10[%min3A_3, %dma_start3A_84] : memref<10240x64xf32, #tpu.memory_space<vmem_shared>> -> memref<625x64xf32, #tpu.memory_space<vmem_shared>>
      %dma_start3A_86 = arith.constant 0 : i32
      %dma_start3A_87 = tpu.memref_slice %arg2[%min3A_3, %dma_start3A_86] : memref<10000x128xf32, #tpu.memory_space<hbm>> -> memref<625x64xf32, #tpu.memory_space<hbm>>
      tpu.enqueue_dma source(%dma_start3A_87 : memref<625x64xf32, #tpu.memory_space<hbm>>) target(%dma_start3A_85 : memref<625x64xf32, #tpu.memory_space<vmem_shared>>) target_semaphore(%run_scoped3A_83 : memref<!tpu.dma_semaphore, #tpu.memory_space<semaphore_mem>>)
      %dma_wait3A_88 = arith.constant 0 : i32
      %dma_wait3A_89 = tpu.memref_slice %arg10[%min3A_3, %dma_wait3A_88] : memref<10240x64xf32, #tpu.memory_space<vmem_shared>> -> memref<625x64xf32, #tpu.memory_space<vmem_shared>>
      %dma_wait3A_90 = arith.constant 0 : i32
      %dma_wait3A_91 = tpu.memref_slice %arg2[%min3A_3, %dma_wait3A_90] : memref<10000x128xf32, #tpu.memory_space<hbm>> -> memref<625x64xf32, #tpu.memory_space<hbm>>
      tpu.wait_dma2 semaphore(%run_scoped3A_83 : memref<!tpu.dma_semaphore, #tpu.memory_space<semaphore_mem>>) src(%dma_wait3A_91 : memref<625x64xf32, #tpu.memory_space<hbm>>) dst(%dma_wait3A_89 : memref<625x64xf32, #tpu.memory_space<vmem_shared>>)
      tpu.yield
    }) : () -> ()
    %scan3A = arith.constant 0 : i32
    %scan3A_4 = arith.constant 0 : i32
    %scan3A_5 = arith.constant 128 : i32
    %scan3A_6 = arith.addi %scan3A_4, %scan3A_5 : i32
    %scan3A_7 = arith.constant 1 : i32
    scf.for %scan3A_83 = %scan3A_4 to %scan3A_6 step %scan3A_7  : i32 {
      %broadcast_in_dim3A = arith.constant 0.000000e+00 : f32
      %broadcast_in_dim3A_84 = vector.broadcast %broadcast_in_dim3A : f32 to vector<16xf32>
      %swap3A = arith.constant 2 : i32
      %swap3A_85 = arith.index_cast %swap3A : i32 to index
      %swap3A_86 = arith.index_cast %scan3A_83 : i32 to index
      %swap3A_87 = arith.constant 0 : index
      %swap3A_88 = tpu.vector_load %arg8[%swap3A_85, %swap3A_86, %swap3A_87] {strides = array<i32>} : memref<3x128x64xf32, #tpu.memory_space<vmem>>, vector<1x1x16xf32>,
      %swap3A_89 = vector.shape_cast %swap3A_88 : vector<1x1x16xf32> to vector<16xf32>
      %swap3A_90 = vector.shape_cast %broadcast_in_dim3A_84 : vector<16xf32> to vector<1x1x16xf32>
      tpu.vector_store %arg8[%swap3A_85, %swap3A_86, %swap3A_87], %swap3A_90 {strides = array<i32>} : memref<3x128x64xf32, #tpu.memory_space<vmem>>, vector<1x1x16xf32>,
      %broadcast_in_dim3A_91 = arith.constant 0.000000e+00 : f32
      %broadcast_in_dim3A_92 = vector.broadcast %broadcast_in_dim3A_91 : f32 to vector<16xf32>
      %swap3A_93 = arith.constant 2 : i32
      %swap3A_94 = arith.index_cast %swap3A_93 : i32 to index
      %swap3A_95 = arith.index_cast %scan3A_83 : i32 to index
      %swap3A_96 = arith.constant 16 : index
      %swap3A_97 = tpu.vector_load %arg8[%swap3A_94, %swap3A_95, %swap3A_96] {strides = array<i32>} : memref<3x128x64xf32, #tpu.memory_space<vmem>>, vector<1x1x16xf32>,
      %swap3A_98 = vector.shape_cast %swap3A_97 : vector<1x1x16xf32> to vector<16xf32>
      %swap3A_99 = vector.shape_cast %broadcast_in_dim3A_92 : vector<16xf32> to vector<1x1x16xf32>
      tpu.vector_store %arg8[%swap3A_94, %swap3A_95, %swap3A_96], %swap3A_99 {strides = array<i32>} : memref<3x128x64xf32, #tpu.memory_space<vmem>>, vector<1x1x16xf32>,
      %broadcast_in_dim3A_100 = arith.constant 0.000000e+00 : f32
      %broadcast_in_dim3A_101 = vector.broadcast %broadcast_in_dim3A_100 : f32 to vector<16xf32>
      %swap3A_102 = arith.constant 2 : i32
      %swap3A_103 = arith.index_cast %swap3A_102 : i32 to index
      %swap3A_104 = arith.index_cast %scan3A_83 : i32 to index
      %swap3A_105 = arith.constant 32 : index
      %swap3A_106 = tpu.vector_load %arg8[%swap3A_103, %swap3A_104, %swap3A_105] {strides = array<i32>} : memref<3x128x64xf32, #tpu.memory_space<vmem>>, vector<1x1x16xf32>,
      %swap3A_107 = vector.shape_cast %swap3A_106 : vector<1x1x16xf32> to vector<16xf32>
      %swap3A_108 = vector.shape_cast %broadcast_in_dim3A_101 : vector<16xf32> to vector<1x1x16xf32>
      tpu.vector_store %arg8[%swap3A_103, %swap3A_104, %swap3A_105], %swap3A_108 {strides = array<i32>} : memref<3x128x64xf32, #tpu.memory_space<vmem>>, vector<1x1x16xf32>,
      %broadcast_in_dim3A_109 = arith.constant 0.000000e+00 : f32
      %broadcast_in_dim3A_110 = vector.broadcast %broadcast_in_dim3A_109 : f32 to vector<16xf32>
      %swap3A_111 = arith.constant 2 : i32
      %swap3A_112 = arith.index_cast %swap3A_111 : i32 to index
      %swap3A_113 = arith.index_cast %scan3A_83 : i32 to index
      %swap3A_114 = arith.constant 48 : index
      %swap3A_115 = tpu.vector_load %arg8[%swap3A_112, %swap3A_113, %swap3A_114] {strides = array<i32>} : memref<3x128x64xf32, #tpu.memory_space<vmem>>, vector<1x1x16xf32>,
      %swap3A_116 = vector.shape_cast %swap3A_115 : vector<1x1x16xf32> to vector<16xf32>
      %swap3A_117 = vector.shape_cast %broadcast_in_dim3A_110 : vector<16xf32> to vector<1x1x16xf32>
      tpu.vector_store %arg8[%swap3A_112, %swap3A_113, %swap3A_114], %swap3A_117 {strides = array<i32>} : memref<3x128x64xf32, #tpu.memory_space<vmem>>, vector<1x1x16xf32>,
    }
    %scan3A_8 = arith.constant 128 : i32
    %mul3A_9 = arith.constant 640 : i32
    %mul3A_10 = arith.muli %arg1, %mul3A_9 : i32
    %add3A_11 = arith.constant 0 : i32
    %add3A_12 = arith.addi %mul3A_10, %add3A_11 : i32
    %run_scoped3A = arith.constant 2 : i32
    "tpu.region"() ({
      %run_scoped3A_83 = tpu.sem_alloc : memref<!tpu.dma_semaphore, #tpu.memory_space<semaphore_mem>>
      %dma_start3A_84 = arith.constant 0 : i32
      %dma_start3A_85 = arith.constant 0 : i32
      %dma_start3A_86 = tpu.memref_slice %arg8[%run_scoped3A, %dma_start3A_84, %dma_start3A_85] : memref<3x128x64xf32, #tpu.memory_space<vmem>> -> memref<1x128x64xf32, #tpu.memory_space<vmem>>
      %dma_start3A_87 = tpu.memref_squeeze %dma_start3A_86 : memref<1x128x64xf32, #tpu.memory_space<vmem>> -> memref<128x64xf32, #tpu.memory_space<vmem>>
      %dma_start3A_88 = arith.constant 0 : i32
      %dma_start3A_89 = tpu.memref_slice %arg9[%add3A_12, %dma_start3A_88] : memref<10240x64xf32, #tpu.memory_space<vmem_shared>> -> memref<128x64xf32, #tpu.memory_space<vmem_shared>>
      %dma_start3A_90 = arith.constant 0 : i32
      %dma_start3A_91 = tpu.memref_slice %arg9[%add3A_12, %dma_start3A_90] : memref<10240x64xf32, #tpu.memory_space<vmem_shared>> -> memref<128x64xf32, #tpu.memory_space<vmem_shared>>
      %dma_start3A_92 = arith.constant 0 : i32
      %dma_start3A_93 = arith.constant 0 : i32
      %dma_start3A_94 = tpu.memref_slice %arg8[%run_scoped3A, %dma_start3A_92, %dma_start3A_93] : memref<3x128x64xf32, #tpu.memory_space<vmem>> -> memref<1x128x64xf32, #tpu.memory_space<vmem>>
      %dma_start3A_95 = tpu.memref_squeeze %dma_start3A_94 : memref<1x128x64xf32, #tpu.memory_space<vmem>> -> memref<128x64xf32, #tpu.memory_space<vmem>>
      tpu.enqueue_dma source(%dma_start3A_95 : memref<128x64xf32, #tpu.memory_space<vmem>>) target(%dma_start3A_91 : memref<128x64xf32, #tpu.memory_space<vmem_shared>>) target_semaphore(%run_scoped3A_83 : memref<!tpu.dma_semaphore, #tpu.memory_space<semaphore_mem>>)
      %dma_wait3A_96 = arith.constant 0 : i32
      %dma_wait3A_97 = arith.constant 0 : i32
      %dma_wait3A_98 = tpu.memref_slice %arg8[%run_scoped3A, %dma_wait3A_96, %dma_wait3A_97] : memref<3x128x64xf32, #tpu.memory_space<vmem>> -> memref<1x128x64xf32, #tpu.memory_space<vmem>>
      %dma_wait3A_99 = tpu.memref_squeeze %dma_wait3A_98 : memref<1x128x64xf32, #tpu.memory_space<vmem>> -> memref<128x64xf32, #tpu.memory_space<vmem>>
      %dma_wait3A_100 = arith.constant 0 : i32
      %dma_wait3A_101 = tpu.memref_slice %arg9[%add3A_12, %dma_wait3A_100] : memref<10240x64xf32, #tpu.memory_space<vmem_shared>> -> memref<128x64xf32, #tpu.memory_space<vmem_shared>>
      %dma_wait3A_102 = arith.constant 0 : i32
      %dma_wait3A_103 = tpu.memref_slice %arg9[%add3A_12, %dma_wait3A_102] : memref<10240x64xf32, #tpu.memory_space<vmem_shared>> -> memref<128x64xf32, #tpu.memory_space<vmem_shared>>
      %dma_wait3A_104 = arith.constant 0 : i32
      %dma_wait3A_105 = arith.constant 0 : i32
      %dma_wait3A_106 = tpu.memref_slice %arg8[%run_scoped3A, %dma_wait3A_104, %dma_wait3A_105] : memref<3x128x64xf32, #tpu.memory_space<vmem>> -> memref<1x128x64xf32, #tpu.memory_space<vmem>>
      %dma_wait3A_107 = tpu.memref_squeeze %dma_wait3A_106 : memref<1x128x64xf32, #tpu.memory_space<vmem>> -> memref<128x64xf32, #tpu.memory_space<vmem>>
      tpu.wait_dma2 semaphore(%run_scoped3A_83 : memref<!tpu.dma_semaphore, #tpu.memory_space<semaphore_mem>>) src(%dma_wait3A_107 : memref<128x64xf32, #tpu.memory_space<vmem>>) dst(%dma_wait3A_103 : memref<128x64xf32, #tpu.memory_space<vmem_shared>>)
      tpu.yield
    }) : () -> ()
    %add3A_13 = arith.constant 128 : i32
    %add3A_14 = arith.addi %mul3A_10, %add3A_13 : i32
    %run_scoped3A_15 = arith.constant 2 : i32
    "tpu.region"() ({
      %run_scoped3A_83 = tpu.sem_alloc : memref<!tpu.dma_semaphore, #tpu.memory_space<semaphore_mem>>
      %dma_start3A_84 = arith.constant 0 : i32
      %dma_start3A_85 = arith.constant 0 : i32
      %dma_start3A_86 = tpu.memref_slice %arg8[%run_scoped3A_15, %dma_start3A_84, %dma_start3A_85] : memref<3x128x64xf32, #tpu.memory_space<vmem>> -> memref<1x128x64xf32, #tpu.memory_space<vmem>>
      %dma_start3A_87 = tpu.memref_squeeze %dma_start3A_86 : memref<1x128x64xf32, #tpu.memory_space<vmem>> -> memref<128x64xf32, #tpu.memory_space<vmem>>
      %dma_start3A_88 = arith.constant 0 : i32
      %dma_start3A_89 = tpu.memref_slice %arg9[%add3A_14, %dma_start3A_88] : memref<10240x64xf32, #tpu.memory_space<vmem_shared>> -> memref<128x64xf32, #tpu.memory_space<vmem_shared>>
      %dma_start3A_90 = arith.constant 0 : i32
      %dma_start3A_91 = tpu.memref_slice %arg9[%add3A_14, %dma_start3A_90] : memref<10240x64xf32, #tpu.memory_space<vmem_shared>> -> memref<128x64xf32, #tpu.memory_space<vmem_shared>>
      %dma_start3A_92 = arith.constant 0 : i32
      %dma_start3A_93 = arith.constant 0 : i32
      %dma_start3A_94 = tpu.memref_slice %arg8[%run_scoped3A_15, %dma_start3A_92, %dma_start3A_93] : memref<3x128x64xf32, #tpu.memory_space<vmem>> -> memref<1x128x64xf32, #tpu.memory_space<vmem>>
      %dma_start3A_95 = tpu.memref_squeeze %dma_start3A_94 : memref<1x128x64xf32, #tpu.memory_space<vmem>> -> memref<128x64xf32, #tpu.memory_space<vmem>>
      tpu.enqueue_dma source(%dma_start3A_95 : memref<128x64xf32, #tpu.memory_space<vmem>>) target(%dma_start3A_91 : memref<128x64xf32, #tpu.memory_space<vmem_shared>>) target_semaphore(%run_scoped3A_83 : memref<!tpu.dma_semaphore, #tpu.memory_space<semaphore_mem>>)
      %dma_wait3A_96 = arith.constant 0 : i32
      %dma_wait3A_97 = arith.constant 0 : i32
      %dma_wait3A_98 = tpu.memref_slice %arg8[%run_scoped3A_15, %dma_wait3A_96, %dma_wait3A_97] : memref<3x128x64xf32, #tpu.memory_space<vmem>> -> memref<1x128x64xf32, #tpu.memory_space<vmem>>
      %dma_wait3A_99 = tpu.memref_squeeze %dma_wait3A_98 : memref<1x128x64xf32, #tpu.memory_space<vmem>> -> memref<128x64xf32, #tpu.memory_space<vmem>>
      %dma_wait3A_100 = arith.constant 0 : i32
      %dma_wait3A_101 = tpu.memref_slice %arg9[%add3A_14, %dma_wait3A_100] : memref<10240x64xf32, #tpu.memory_space<vmem_shared>> -> memref<128x64xf32, #tpu.memory_space<vmem_shared>>
      %dma_wait3A_102 = arith.constant 0 : i32
      %dma_wait3A_103 = tpu.memref_slice %arg9[%add3A_14, %dma_wait3A_102] : memref<10240x64xf32, #tpu.memory_space<vmem_shared>> -> memref<128x64xf32, #tpu.memory_space<vmem_shared>>
      %dma_wait3A_104 = arith.constant 0 : i32
      %dma_wait3A_105 = arith.constant 0 : i32
      %dma_wait3A_106 = tpu.memref_slice %arg8[%run_scoped3A_15, %dma_wait3A_104, %dma_wait3A_105] : memref<3x128x64xf32, #tpu.memory_space<vmem>> -> memref<1x128x64xf32, #tpu.memory_space<vmem>>
      %dma_wait3A_107 = tpu.memref_squeeze %dma_wait3A_106 : memref<1x128x64xf32, #tpu.memory_space<vmem>> -> memref<128x64xf32, #tpu.memory_space<vmem>>
      tpu.wait_dma2 semaphore(%run_scoped3A_83 : memref<!tpu.dma_semaphore, #tpu.memory_space<semaphore_mem>>) src(%dma_wait3A_107 : memref<128x64xf32, #tpu.memory_space<vmem>>) dst(%dma_wait3A_103 : memref<128x64xf32, #tpu.memory_space<vmem_shared>>)
      tpu.yield
    }) : () -> ()
    %add3A_16 = arith.constant 256 : i32
    %add3A_17 = arith.addi %mul3A_10, %add3A_16 : i32
    %run_scoped3A_18 = arith.constant 2 : i32
    "tpu.region"() ({
      %run_scoped3A_83 = tpu.sem_alloc : memref<!tpu.dma_semaphore, #tpu.memory_space<semaphore_mem>>
      %dma_start3A_84 = arith.constant 0 : i32
      %dma_start3A_85 = arith.constant 0 : i32
      %dma_start3A_86 = tpu.memref_slice %arg8[%run_scoped3A_18, %dma_start3A_84, %dma_start3A_85] : memref<3x128x64xf32, #tpu.memory_space<vmem>> -> memref<1x128x64xf32, #tpu.memory_space<vmem>>
      %dma_start3A_87 = tpu.memref_squeeze %dma_start3A_86 : memref<1x128x64xf32, #tpu.memory_space<vmem>> -> memref<128x64xf32, #tpu.memory_space<vmem>>
      %dma_start3A_88 = arith.constant 0 : i32
      %dma_start3A_89 = tpu.memref_slice %arg9[%add3A_17, %dma_start3A_88] : memref<10240x64xf32, #tpu.memory_space<vmem_shared>> -> memref<128x64xf32, #tpu.memory_space<vmem_shared>>
      %dma_start3A_90 = arith.constant 0 : i32
      %dma_start3A_91 = tpu.memref_slice %arg9[%add3A_17, %dma_start3A_90] : memref<10240x64xf32, #tpu.memory_space<vmem_shared>> -> memref<128x64xf32, #tpu.memory_space<vmem_shared>>
      %dma_start3A_92 = arith.constant 0 : i32
      %dma_start3A_93 = arith.constant 0 : i32
      %dma_start3A_94 = tpu.memref_slice %arg8[%run_scoped3A_18, %dma_start3A_92, %dma_start3A_93] : memref<3x128x64xf32, #tpu.memory_space<vmem>> -> memref<1x128x64xf32, #tpu.memory_space<vmem>>
      %dma_start3A_95 = tpu.memref_squeeze %dma_start3A_94 : memref<1x128x64xf32, #tpu.memory_space<vmem>> -> memref<128x64xf32, #tpu.memory_space<vmem>>
      tpu.enqueue_dma source(%dma_start3A_95 : memref<128x64xf32, #tpu.memory_space<vmem>>) target(%dma_start3A_91 : memref<128x64xf32, #tpu.memory_space<vmem_shared>>) target_semaphore(%run_scoped3A_83 : memref<!tpu.dma_semaphore, #tpu.memory_space<semaphore_mem>>)
      %dma_wait3A_96 = arith.constant 0 : i32
      %dma_wait3A_97 = arith.constant 0 : i32
      %dma_wait3A_98 = tpu.memref_slice %arg8[%run_scoped3A_18, %dma_wait3A_96, %dma_wait3A_97] : memref<3x128x64xf32, #tpu.memory_space<vmem>> -> memref<1x128x64xf32, #tpu.memory_space<vmem>>
      %dma_wait3A_99 = tpu.memref_squeeze %dma_wait3A_98 : memref<1x128x64xf32, #tpu.memory_space<vmem>> -> memref<128x64xf32, #tpu.memory_space<vmem>>
      %dma_wait3A_100 = arith.constant 0 : i32
      %dma_wait3A_101 = tpu.memref_slice %arg9[%add3A_17, %dma_wait3A_100] : memref<10240x64xf32, #tpu.memory_space<vmem_shared>> -> memref<128x64xf32, #tpu.memory_space<vmem_shared>>
      %dma_wait3A_102 = arith.constant 0 : i32
      %dma_wait3A_103 = tpu.memref_slice %arg9[%add3A_17, %dma_wait3A_102] : memref<10240x64xf32, #tpu.memory_space<vmem_shared>> -> memref<128x64xf32, #tpu.memory_space<vmem_shared>>
      %dma_wait3A_104 = arith.constant 0 : i32
      %dma_wait3A_105 = arith.constant 0 : i32
      %dma_wait3A_106 = tpu.memref_slice %arg8[%run_scoped3A_18, %dma_wait3A_104, %dma_wait3A_105] : memref<3x128x64xf32, #tpu.memory_space<vmem>> -> memref<1x128x64xf32, #tpu.memory_space<vmem>>
      %dma_wait3A_107 = tpu.memref_squeeze %dma_wait3A_106 : memref<1x128x64xf32, #tpu.memory_space<vmem>> -> memref<128x64xf32, #tpu.memory_space<vmem>>
      tpu.wait_dma2 semaphore(%run_scoped3A_83 : memref<!tpu.dma_semaphore, #tpu.memory_space<semaphore_mem>>) src(%dma_wait3A_107 : memref<128x64xf32, #tpu.memory_space<vmem>>) dst(%dma_wait3A_103 : memref<128x64xf32, #tpu.memory_space<vmem_shared>>)
      tpu.yield
    }) : () -> ()
    %add3A_19 = arith.constant 384 : i32
    %add3A_20 = arith.addi %mul3A_10, %add3A_19 : i32
    %run_scoped3A_21 = arith.constant 2 : i32
    "tpu.region"() ({
      %run_scoped3A_83 = tpu.sem_alloc : memref<!tpu.dma_semaphore, #tpu.memory_space<semaphore_mem>>
      %dma_start3A_84 = arith.constant 0 : i32
      %dma_start3A_85 = arith.constant 0 : i32
      %dma_start3A_86 = tpu.memref_slice %arg8[%run_scoped3A_21, %dma_start3A_84, %dma_start3A_85] : memref<3x128x64xf32, #tpu.memory_space<vmem>> -> memref<1x128x64xf32, #tpu.memory_space<vmem>>
      %dma_start3A_87 = tpu.memref_squeeze %dma_start3A_86 : memref<1x128x64xf32, #tpu.memory_space<vmem>> -> memref<128x64xf32, #tpu.memory_space<vmem>>
      %dma_start3A_88 = arith.constant 0 : i32
      %dma_start3A_89 = tpu.memref_slice %arg9[%add3A_20, %dma_start3A_88] : memref<10240x64xf32, #tpu.memory_space<vmem_shared>> -> memref<128x64xf32, #tpu.memory_space<vmem_shared>>
      %dma_start3A_90 = arith.constant 0 : i32
      %dma_start3A_91 = tpu.memref_slice %arg9[%add3A_20, %dma_start3A_90] : memref<10240x64xf32, #tpu.memory_space<vmem_shared>> -> memref<128x64xf32, #tpu.memory_space<vmem_shared>>
      %dma_start3A_92 = arith.constant 0 : i32
      %dma_start3A_93 = arith.constant 0 : i32
      %dma_start3A_94 = tpu.memref_slice %arg8[%run_scoped3A_21, %dma_start3A_92, %dma_start3A_93] : memref<3x128x64xf32, #tpu.memory_space<vmem>> -> memref<1x128x64xf32, #tpu.memory_space<vmem>>
      %dma_start3A_95 = tpu.memref_squeeze %dma_start3A_94 : memref<1x128x64xf32, #tpu.memory_space<vmem>> -> memref<128x64xf32, #tpu.memory_space<vmem>>
      tpu.enqueue_dma source(%dma_start3A_95 : memref<128x64xf32, #tpu.memory_space<vmem>>) target(%dma_start3A_91 : memref<128x64xf32, #tpu.memory_space<vmem_shared>>) target_semaphore(%run_scoped3A_83 : memref<!tpu.dma_semaphore, #tpu.memory_space<semaphore_mem>>)
      %dma_wait3A_96 = arith.constant 0 : i32
      %dma_wait3A_97 = arith.constant 0 : i32
      %dma_wait3A_98 = tpu.memref_slice %arg8[%run_scoped3A_21, %dma_wait3A_96, %dma_wait3A_97] : memref<3x128x64xf32, #tpu.memory_space<vmem>> -> memref<1x128x64xf32, #tpu.memory_space<vmem>>
      %dma_wait3A_99 = tpu.memref_squeeze %dma_wait3A_98 : memref<1x128x64xf32, #tpu.memory_space<vmem>> -> memref<128x64xf32, #tpu.memory_space<vmem>>
      %dma_wait3A_100 = arith.constant 0 : i32
      %dma_wait3A_101 = tpu.memref_slice %arg9[%add3A_20, %dma_wait3A_100] : memref<10240x64xf32, #tpu.memory_space<vmem_shared>> -> memref<128x64xf32, #tpu.memory_space<vmem_shared>>
      %dma_wait3A_102 = arith.constant 0 : i32
      %dma_wait3A_103 = tpu.memref_slice %arg9[%add3A_20, %dma_wait3A_102] : memref<10240x64xf32, #tpu.memory_space<vmem_shared>> -> memref<128x64xf32, #tpu.memory_space<vmem_shared>>
      %dma_wait3A_104 = arith.constant 0 : i32
      %dma_wait3A_105 = arith.constant 0 : i32
      %dma_wait3A_106 = tpu.memref_slice %arg8[%run_scoped3A_21, %dma_wait3A_104, %dma_wait3A_105] : memref<3x128x64xf32, #tpu.memory_space<vmem>> -> memref<1x128x64xf32, #tpu.memory_space<vmem>>
      %dma_wait3A_107 = tpu.memref_squeeze %dma_wait3A_106 : memref<1x128x64xf32, #tpu.memory_space<vmem>> -> memref<128x64xf32, #tpu.memory_space<vmem>>
      tpu.wait_dma2 semaphore(%run_scoped3A_83 : memref<!tpu.dma_semaphore, #tpu.memory_space<semaphore_mem>>) src(%dma_wait3A_107 : memref<128x64xf32, #tpu.memory_space<vmem>>) dst(%dma_wait3A_103 : memref<128x64xf32, #tpu.memory_space<vmem_shared>>)
      tpu.yield
    }) : () -> ()
    %add3A_22 = arith.constant 512 : i32
    %add3A_23 = arith.addi %mul3A_10, %add3A_22 : i32
    %run_scoped3A_24 = arith.constant 2 : i32
    "tpu.region"() ({
      %run_scoped3A_83 = tpu.sem_alloc : memref<!tpu.dma_semaphore, #tpu.memory_space<semaphore_mem>>
      %dma_start3A_84 = arith.constant 0 : i32
      %dma_start3A_85 = arith.constant 0 : i32
      %dma_start3A_86 = tpu.memref_slice %arg8[%run_scoped3A_24, %dma_start3A_84, %dma_start3A_85] : memref<3x128x64xf32, #tpu.memory_space<vmem>> -> memref<1x128x64xf32, #tpu.memory_space<vmem>>
      %dma_start3A_87 = tpu.memref_squeeze %dma_start3A_86 : memref<1x128x64xf32, #tpu.memory_space<vmem>> -> memref<128x64xf32, #tpu.memory_space<vmem>>
      %dma_start3A_88 = arith.constant 0 : i32
      %dma_start3A_89 = tpu.memref_slice %arg9[%add3A_23, %dma_start3A_88] : memref<10240x64xf32, #tpu.memory_space<vmem_shared>> -> memref<128x64xf32, #tpu.memory_space<vmem_shared>>
      %dma_start3A_90 = arith.constant 0 : i32
      %dma_start3A_91 = tpu.memref_slice %arg9[%add3A_23, %dma_start3A_90] : memref<10240x64xf32, #tpu.memory_space<vmem_shared>> -> memref<128x64xf32, #tpu.memory_space<vmem_shared>>
      %dma_start3A_92 = arith.constant 0 : i32
      %dma_start3A_93 = arith.constant 0 : i32
      %dma_start3A_94 = tpu.memref_slice %arg8[%run_scoped3A_24, %dma_start3A_92, %dma_start3A_93] : memref<3x128x64xf32, #tpu.memory_space<vmem>> -> memref<1x128x64xf32, #tpu.memory_space<vmem>>
      %dma_start3A_95 = tpu.memref_squeeze %dma_start3A_94 : memref<1x128x64xf32, #tpu.memory_space<vmem>> -> memref<128x64xf32, #tpu.memory_space<vmem>>
      tpu.enqueue_dma source(%dma_start3A_95 : memref<128x64xf32, #tpu.memory_space<vmem>>) target(%dma_start3A_91 : memref<128x64xf32, #tpu.memory_space<vmem_shared>>) target_semaphore(%run_scoped3A_83 : memref<!tpu.dma_semaphore, #tpu.memory_space<semaphore_mem>>)
      %dma_wait3A_96 = arith.constant 0 : i32
      %dma_wait3A_97 = arith.constant 0 : i32
      %dma_wait3A_98 = tpu.memref_slice %arg8[%run_scoped3A_24, %dma_wait3A_96, %dma_wait3A_97] : memref<3x128x64xf32, #tpu.memory_space<vmem>> -> memref<1x128x64xf32, #tpu.memory_space<vmem>>
      %dma_wait3A_99 = tpu.memref_squeeze %dma_wait3A_98 : memref<1x128x64xf32, #tpu.memory_space<vmem>> -> memref<128x64xf32, #tpu.memory_space<vmem>>
      %dma_wait3A_100 = arith.constant 0 : i32
      %dma_wait3A_101 = tpu.memref_slice %arg9[%add3A_23, %dma_wait3A_100] : memref<10240x64xf32, #tpu.memory_space<vmem_shared>> -> memref<128x64xf32, #tpu.memory_space<vmem_shared>>
      %dma_wait3A_102 = arith.constant 0 : i32
      %dma_wait3A_103 = tpu.memref_slice %arg9[%add3A_23, %dma_wait3A_102] : memref<10240x64xf32, #tpu.memory_space<vmem_shared>> -> memref<128x64xf32, #tpu.memory_space<vmem_shared>>
      %dma_wait3A_104 = arith.constant 0 : i32
      %dma_wait3A_105 = arith.constant 0 : i32
      %dma_wait3A_106 = tpu.memref_slice %arg8[%run_scoped3A_24, %dma_wait3A_104, %dma_wait3A_105] : memref<3x128x64xf32, #tpu.memory_space<vmem>> -> memref<1x128x64xf32, #tpu.memory_space<vmem>>
      %dma_wait3A_107 = tpu.memref_squeeze %dma_wait3A_106 : memref<1x128x64xf32, #tpu.memory_space<vmem>> -> memref<128x64xf32, #tpu.memory_space<vmem>>
      tpu.wait_dma2 semaphore(%run_scoped3A_83 : memref<!tpu.dma_semaphore, #tpu.memory_space<semaphore_mem>>) src(%dma_wait3A_107 : memref<128x64xf32, #tpu.memory_space<vmem>>) dst(%dma_wait3A_103 : memref<128x64xf32, #tpu.memory_space<vmem_shared>>)
      tpu.yield
    }) : () -> ()
    %barrier3A = arith.constant 0 : index
    tpu.barrier barrier_id(%barrier3A)
    %dma_start3A = arith.constant 0 : i32
    %dma_start3A_25 = arith.constant 0 : i32
    %dma_start3A_26 = arith.constant 0 : i32
    %dma_start3A_27 = arith.constant 0 : i32
    %dma_start3A_28 = tpu.memref_slice %arg8[%dma_start3A_25, %dma_start3A_26, %dma_start3A_27] : memref<3x128x64xf32, #tpu.memory_space<vmem>> -> memref<1x128x64xf32, #tpu.memory_space<vmem>>
    %dma_start3A_29 = tpu.memref_squeeze %dma_start3A_28 : memref<1x128x64xf32, #tpu.memory_space<vmem>> -> memref<128x64xf32, #tpu.memory_space<vmem>>
    %dma_start3A_30 = arith.constant 0 : i32
    %dma_start3A_31 = tpu.memref_slice %arg6[%dma_start3A, %dma_start3A_30] : memref<80x128xi32, #tpu.memory_space<vmem>> -> memref<1x128xi32, #tpu.memory_space<vmem>>
    %dma_start3A_32 = tpu.memref_squeeze %dma_start3A_31 : memref<1x128xi32, #tpu.memory_space<vmem>> -> memref<128xi32, #tpu.memory_space<vmem>>
    %dma_start3A_33 = arith.constant 0 : i32
    %dma_start3A_34 = arith.constant 0 : i32
    %dma_start3A_35 = tpu.memref_slice %arg10[%dma_start3A_33, %dma_start3A_34] : memref<10240x64xf32, #tpu.memory_space<vmem_shared>> -> memref<10240x64xf32, #tpu.memory_space<vmem_shared>>
    tpu.enqueue_indirect_dma source(%dma_start3A_35 : memref<10240x64xf32, #tpu.memory_space<vmem_shared>>) target(%dma_start3A_29 : memref<128x64xf32, #tpu.memory_space<vmem>>) offsets(%dma_start3A_32 : memref<128xi32, #tpu.memory_space<vmem>>) semaphore(%arg11 : memref<!tpu.dma_semaphore, #tpu.memory_space<semaphore_mem>>)
    %dma_start3A_36 = arith.constant 1 : i32
    %dma_start3A_37 = arith.constant 1 : i32
    %dma_start3A_38 = arith.constant 0 : i32
    %dma_start3A_39 = arith.constant 0 : i32
    %dma_start3A_40 = tpu.memref_slice %arg8[%dma_start3A_37, %dma_start3A_38, %dma_start3A_39] : memref<3x128x64xf32, #tpu.memory_space<vmem>> -> memref<1x128x64xf32, #tpu.memory_space<vmem>>
    %dma_start3A_41 = tpu.memref_squeeze %dma_start3A_40 : memref<1x128x64xf32, #tpu.memory_space<vmem>> -> memref<128x64xf32, #tpu.memory_space<vmem>>
    %dma_start3A_42 = arith.constant 0 : i32
    %dma_start3A_43 = tpu.memref_slice %arg6[%dma_start3A_36, %dma_start3A_42] : memref<80x128xi32, #tpu.memory_space<vmem>> -> memref<1x128xi32, #tpu.memory_space<vmem>>
    %dma_start3A_44 = tpu.memref_squeeze %dma_start3A_43 : memref<1x128xi32, #tpu.memory_space<vmem>> -> memref<128xi32, #tpu.memory_space<vmem>>
    %dma_start3A_45 = arith.constant 0 : i32
    %dma_start3A_46 = arith.constant 0 : i32
    %dma_start3A_47 = tpu.memref_slice %arg10[%dma_start3A_45, %dma_start3A_46] : memref<10240x64xf32, #tpu.memory_space<vmem_shared>> -> memref<10240x64xf32, #tpu.memory_space<vmem_shared>>
    tpu.enqueue_indirect_dma source(%dma_start3A_47 : memref<10240x64xf32, #tpu.memory_space<vmem_shared>>) target(%dma_start3A_41 : memref<128x64xf32, #tpu.memory_space<vmem>>) offsets(%dma_start3A_44 : memref<128xi32, #tpu.memory_space<vmem>>) semaphore(%arg12 : memref<!tpu.dma_semaphore, #tpu.memory_space<semaphore_mem>>)
    %scan3A_48 = arith.constant 0 : i32
    %scan3A_49 = arith.constant 26 : i32
    %scan3A_50 = arith.addi %scan3A_48, %scan3A_49 : i32
    %scan3A_51 = arith.constant 1 : i32
    scf.for %scan3A_83 = %scan3A_48 to %scan3A_50 step %scan3A_51  : i32 {
      %mul3A_84 = arith.constant 3 : i32
      %mul3A_85 = arith.muli %scan3A_83, %mul3A_84 : i32
      %add3A_86 = arith.constant 0 : i32
      %add3A_87 = arith.addi %add3A_86, %mul3A_85 : i32
      %add3A_88 = arith.constant 0 : i32
      %add3A_89 = arith.addi %add3A_87, %add3A_88 : i32
      %add3A_90 = arith.constant 2 : i32
      %add3A_91 = arith.addi %add3A_89, %add3A_90 : i32
      %dma_start3A_92 = arith.constant 2 : i32
      %dma_start3A_93 = arith.constant 0 : i32
      %dma_start3A_94 = arith.constant 0 : i32
      %dma_start3A_95 = tpu.memref_slice %arg8[%dma_start3A_92, %dma_start3A_93, %dma_start3A_94] : memref<3x128x64xf32, #tpu.memory_space<vmem>> -> memref<1x128x64xf32, #tpu.memory_space<vmem>>
      %dma_start3A_96 = tpu.memref_squeeze %dma_start3A_95 : memref<1x128x64xf32, #tpu.memory_space<vmem>> -> memref<128x64xf32, #tpu.memory_space<vmem>>
      %dma_start3A_97 = arith.constant 0 : i32
      %dma_start3A_98 = tpu.memref_slice %arg6[%add3A_91, %dma_start3A_97] : memref<80x128xi32, #tpu.memory_space<vmem>> -> memref<1x128xi32, #tpu.memory_space<vmem>>
      %dma_start3A_99 = tpu.memref_squeeze %dma_start3A_98 : memref<1x128xi32, #tpu.memory_space<vmem>> -> memref<128xi32, #tpu.memory_space<vmem>>
      %dma_start3A_100 = arith.constant 0 : i32
      %dma_start3A_101 = arith.constant 0 : i32
      %dma_start3A_102 = tpu.memref_slice %arg10[%dma_start3A_100, %dma_start3A_101] : memref<10240x64xf32, #tpu.memory_space<vmem_shared>> -> memref<10240x64xf32, #tpu.memory_space<vmem_shared>>
      tpu.enqueue_indirect_dma source(%dma_start3A_102 : memref<10240x64xf32, #tpu.memory_space<vmem_shared>>) target(%dma_start3A_96 : memref<128x64xf32, #tpu.memory_space<vmem>>) offsets(%dma_start3A_99 : memref<128xi32, #tpu.memory_space<vmem>>) semaphore(%arg13 : memref<!tpu.dma_semaphore, #tpu.memory_space<semaphore_mem>>)
      %dma_wait3A_103 = arith.constant 0 : i32
      %dma_wait3A_104 = arith.constant 0 : i32
      %dma_wait3A_105 = arith.constant 0 : i32
      %dma_wait3A_106 = tpu.memref_slice %arg8[%dma_wait3A_103, %dma_wait3A_104, %dma_wait3A_105] : memref<3x128x64xf32, #tpu.memory_space<vmem>> -> memref<1x128x64xf32, #tpu.memory_space<vmem>>
      %dma_wait3A_107 = tpu.memref_squeeze %dma_wait3A_106 : memref<1x128x64xf32, #tpu.memory_space<vmem>> -> memref<128x64xf32, #tpu.memory_space<vmem>>
      %dma_wait3A_108 = arith.constant 0 : i32
      %dma_wait3A_109 = tpu.memref_slice %arg6[%add3A_89, %dma_wait3A_108] : memref<80x128xi32, #tpu.memory_space<vmem>> -> memref<1x128xi32, #tpu.memory_space<vmem>>
      %dma_wait3A_110 = tpu.memref_squeeze %dma_wait3A_109 : memref<1x128xi32, #tpu.memory_space<vmem>> -> memref<128xi32, #tpu.memory_space<vmem>>
      %dma_wait3A_111 = arith.constant 0 : i32
      %dma_wait3A_112 = arith.constant 0 : i32
      %dma_wait3A_113 = tpu.memref_slice %arg10[%dma_wait3A_111, %dma_wait3A_112] : memref<10240x64xf32, #tpu.memory_space<vmem_shared>> -> memref<10240x64xf32, #tpu.memory_space<vmem_shared>>
      tpu.wait_indirect_dma semaphore(%arg11 : memref<!tpu.dma_semaphore, #tpu.memory_space<semaphore_mem>>) src(%dma_wait3A_113 : memref<10240x64xf32, #tpu.memory_space<vmem_shared>>) dst(%dma_wait3A_107 : memref<128x64xf32, #tpu.memory_space<vmem>>)
      %run_scoped3A_114 = arith.constant 0 : i32
      "tpu.region"() ({
        %run_scoped3A_169 = tpu.sem_alloc : memref<!tpu.dma_semaphore, #tpu.memory_space<semaphore_mem>>
        %dma_start3A_170 = arith.constant 0 : i32
        %dma_start3A_171 = arith.constant 0 : i32
        %dma_start3A_172 = tpu.memref_slice %arg8[%run_scoped3A_114, %dma_start3A_170, %dma_start3A_171] : memref<3x128x64xf32, #tpu.memory_space<vmem>> -> memref<1x128x64xf32, #tpu.memory_space<vmem>>
        %dma_start3A_173 = tpu.memref_squeeze %dma_start3A_172 : memref<1x128x64xf32, #tpu.memory_space<vmem>> -> memref<128x64xf32, #tpu.memory_space<vmem>>
        %dma_start3A_174 = arith.constant 0 : i32
        %dma_start3A_175 = tpu.memref_slice %arg7[%add3A_89, %dma_start3A_174] : memref<80x128xi32, #tpu.memory_space<vmem>> -> memref<1x128xi32, #tpu.memory_space<vmem>>
        %dma_start3A_176 = tpu.memref_squeeze %dma_start3A_175 : memref<1x128xi32, #tpu.memory_space<vmem>> -> memref<128xi32, #tpu.memory_space<vmem>>
        %dma_start3A_177 = arith.constant 0 : i32
        %dma_start3A_178 = arith.constant 0 : i32
        %dma_start3A_179 = tpu.memref_slice %arg9[%dma_start3A_177, %dma_start3A_178] : memref<10240x64xf32, #tpu.memory_space<vmem_shared>> -> memref<10240x64xf32, #tpu.memory_space<vmem_shared>>
        tpu.enqueue_indirect_dma source(%dma_start3A_173 : memref<128x64xf32, #tpu.memory_space<vmem>>) target(%dma_start3A_179 : memref<10240x64xf32, #tpu.memory_space<vmem_shared>>) offsets(%dma_start3A_176 : memref<128xi32, #tpu.memory_space<vmem>>) semaphore(%run_scoped3A_169 : memref<!tpu.dma_semaphore, #tpu.memory_space<semaphore_mem>>) {add = true}
        %dma_wait3A_180 = arith.constant 0 : i32
        %dma_wait3A_181 = arith.constant 0 : i32
        %dma_wait3A_182 = tpu.memref_slice %arg8[%run_scoped3A_114, %dma_wait3A_180, %dma_wait3A_181] : memref<3x128x64xf32, #tpu.memory_space<vmem>> -> memref<1x128x64xf32, #tpu.memory_space<vmem>>
        %dma_wait3A_183 = tpu.memref_squeeze %dma_wait3A_182 : memref<1x128x64xf32, #tpu.memory_space<vmem>> -> memref<128x64xf32, #tpu.memory_space<vmem>>
        %dma_wait3A_184 = arith.constant 0 : i32
        %dma_wait3A_185 = tpu.memref_slice %arg7[%add3A_89, %dma_wait3A_184] : memref<80x128xi32, #tpu.memory_space<vmem>> -> memref<1x128xi32, #tpu.memory_space<vmem>>
        %dma_wait3A_186 = tpu.memref_squeeze %dma_wait3A_185 : memref<1x128xi32, #tpu.memory_space<vmem>> -> memref<128xi32, #tpu.memory_space<vmem>>
        %dma_wait3A_187 = arith.constant 0 : i32
        %dma_wait3A_188 = arith.constant 0 : i32
        %dma_wait3A_189 = tpu.memref_slice %arg9[%dma_wait3A_187, %dma_wait3A_188] : memref<10240x64xf32, #tpu.memory_space<vmem_shared>> -> memref<10240x64xf32, #tpu.memory_space<vmem_shared>>
        tpu.wait_indirect_dma semaphore(%run_scoped3A_169 : memref<!tpu.dma_semaphore, #tpu.memory_space<semaphore_mem>>) src(%dma_wait3A_183 : memref<128x64xf32, #tpu.memory_space<vmem>>) dst(%dma_wait3A_189 : memref<10240x64xf32, #tpu.memory_space<vmem_shared>>)
        tpu.yield
      }) : () -> ()
      %add3A_115 = arith.constant 1 : i32
      %add3A_116 = arith.addi %add3A_87, %add3A_115 : i32
      %add3A_117 = arith.constant 2 : i32
      %add3A_118 = arith.addi %add3A_116, %add3A_117 : i32
      %dma_start3A_119 = arith.constant 0 : i32
      %dma_start3A_120 = arith.constant 0 : i32
      %dma_start3A_121 = arith.constant 0 : i32
      %dma_start3A_122 = tpu.memref_slice %arg8[%dma_start3A_119, %dma_start3A_120, %dma_start3A_121] : memref<3x128x64xf32, #tpu.memory_space<vmem>> -> memref<1x128x64xf32, #tpu.memory_space<vmem>>
      %dma_start3A_123 = tpu.memref_squeeze %dma_start3A_122 : memref<1x128x64xf32, #tpu.memory_space<vmem>> -> memref<128x64xf32, #tpu.memory_space<vmem>>
      %dma_start3A_124 = arith.constant 0 : i32
      %dma_start3A_125 = tpu.memref_slice %arg6[%add3A_118, %dma_start3A_124] : memref<80x128xi32, #tpu.memory_space<vmem>> -> memref<1x128xi32, #tpu.memory_space<vmem>>
      %dma_start3A_126 = tpu.memref_squeeze %dma_start3A_125 : memref<1x128xi32, #tpu.memory_space<vmem>> -> memref<128xi32, #tpu.memory_space<vmem>>
      %dma_start3A_127 = arith.constant 0 : i32
      %dma_start3A_128 = arith.constant 0 : i32
      %dma_start3A_129 = tpu.memref_slice %arg10[%dma_start3A_127, %dma_start3A_128] : memref<10240x64xf32, #tpu.memory_space<vmem_shared>> -> memref<10240x64xf32, #tpu.memory_space<vmem_shared>>
      tpu.enqueue_indirect_dma source(%dma_start3A_129 : memref<10240x64xf32, #tpu.memory_space<vmem_shared>>) target(%dma_start3A_123 : memref<128x64xf32, #tpu.memory_space<vmem>>) offsets(%dma_start3A_126 : memref<128xi32, #tpu.memory_space<vmem>>) semaphore(%arg11 : memref<!tpu.dma_semaphore, #tpu.memory_space<semaphore_mem>>)
      %dma_wait3A_130 = arith.constant 1 : i32
      %dma_wait3A_131 = arith.constant 0 : i32
      %dma_wait3A_132 = arith.constant 0 : i32
      %dma_wait3A_133 = tpu.memref_slice %arg8[%dma_wait3A_130, %dma_wait3A_131, %dma_wait3A_132] : memref<3x128x64xf32, #tpu.memory_space<vmem>> -> memref<1x128x64xf32, #tpu.memory_space<vmem>>
      %dma_wait3A_134 = tpu.memref_squeeze %dma_wait3A_133 : memref<1x128x64xf32, #tpu.memory_space<vmem>> -> memref<128x64xf32, #tpu.memory_space<vmem>>
      %dma_wait3A_135 = arith.constant 0 : i32
      %dma_wait3A_136 = tpu.memref_slice %arg6[%add3A_116, %dma_wait3A_135] : memref<80x128xi32, #tpu.memory_space<vmem>> -> memref<1x128xi32, #tpu.memory_space<vmem>>
      %dma_wait3A_137 = tpu.memref_squeeze %dma_wait3A_136 : memref<1x128xi32, #tpu.memory_space<vmem>> -> memref<128xi32, #tpu.memory_space<vmem>>
      %dma_wait3A_138 = arith.constant 0 : i32
      %dma_wait3A_139 = arith.constant 0 : i32
      %dma_wait3A_140 = tpu.memref_slice %arg10[%dma_wait3A_138, %dma_wait3A_139] : memref<10240x64xf32, #tpu.memory_space<vmem_shared>> -> memref<10240x64xf32, #tpu.memory_space<vmem_shared>>
      tpu.wait_indirect_dma semaphore(%arg12 : memref<!tpu.dma_semaphore, #tpu.memory_space<semaphore_mem>>) src(%dma_wait3A_140 : memref<10240x64xf32, #tpu.memory_space<vmem_shared>>) dst(%dma_wait3A_134 : memref<128x64xf32, #tpu.memory_space<vmem>>)
      %run_scoped3A_141 = arith.constant 1 : i32
      "tpu.region"() ({
        %run_scoped3A_169 = tpu.sem_alloc : memref<!tpu.dma_semaphore, #tpu.memory_space<semaphore_mem>>
        %dma_start3A_170 = arith.constant 0 : i32
        %dma_start3A_171 = arith.constant 0 : i32
        %dma_start3A_172 = tpu.memref_slice %arg8[%run_scoped3A_141, %dma_start3A_170, %dma_start3A_171] : memref<3x128x64xf32, #tpu.memory_space<vmem>> -> memref<1x128x64xf32, #tpu.memory_space<vmem>>
        %dma_start3A_173 = tpu.memref_squeeze %dma_start3A_172 : memref<1x128x64xf32, #tpu.memory_space<vmem>> -> memref<128x64xf32, #tpu.memory_space<vmem>>
        %dma_start3A_174 = arith.constant 0 : i32
        %dma_start3A_175 = tpu.memref_slice %arg7[%add3A_116, %dma_start3A_174] : memref<80x128xi32, #tpu.memory_space<vmem>> -> memref<1x128xi32, #tpu.memory_space<vmem>>
        %dma_start3A_176 = tpu.memref_squeeze %dma_start3A_175 : memref<1x128xi32, #tpu.memory_space<vmem>> -> memref<128xi32, #tpu.memory_space<vmem>>
        %dma_start3A_177 = arith.constant 0 : i32
        %dma_start3A_178 = arith.constant 0 : i32
        %dma_start3A_179 = tpu.memref_slice %arg9[%dma_start3A_177, %dma_start3A_178] : memref<10240x64xf32, #tpu.memory_space<vmem_shared>> -> memref<10240x64xf32, #tpu.memory_space<vmem_shared>>
        tpu.enqueue_indirect_dma source(%dma_start3A_173 : memref<128x64xf32, #tpu.memory_space<vmem>>) target(%dma_start3A_179 : memref<10240x64xf32, #tpu.memory_space<vmem_shared>>) offsets(%dma_start3A_176 : memref<128xi32, #tpu.memory_space<vmem>>) semaphore(%run_scoped3A_169 : memref<!tpu.dma_semaphore, #tpu.memory_space<semaphore_mem>>) {add = true}
        %dma_wait3A_180 = arith.constant 0 : i32
        %dma_wait3A_181 = arith.constant 0 : i32
        %dma_wait3A_182 = tpu.memref_slice %arg8[%run_scoped3A_141, %dma_wait3A_180, %dma_wait3A_181] : memref<3x128x64xf32, #tpu.memory_space<vmem>> -> memref<1x128x64xf32, #tpu.memory_space<vmem>>
        %dma_wait3A_183 = tpu.memref_squeeze %dma_wait3A_182 : memref<1x128x64xf32, #tpu.memory_space<vmem>> -> memref<128x64xf32, #tpu.memory_space<vmem>>
        %dma_wait3A_184 = arith.constant 0 : i32
        %dma_wait3A_185 = tpu.memref_slice %arg7[%add3A_116, %dma_wait3A_184] : memref<80x128xi32, #tpu.memory_space<vmem>> -> memref<1x128xi32, #tpu.memory_space<vmem>>
        %dma_wait3A_186 = tpu.memref_squeeze %dma_wait3A_185 : memref<1x128xi32, #tpu.memory_space<vmem>> -> memref<128xi32, #tpu.memory_space<vmem>>
        %dma_wait3A_187 = arith.constant 0 : i32
        %dma_wait3A_188 = arith.constant 0 : i32
        %dma_wait3A_189 = tpu.memref_slice %arg9[%dma_wait3A_187, %dma_wait3A_188] : memref<10240x64xf32, #tpu.memory_space<vmem_shared>> -> memref<10240x64xf32, #tpu.memory_space<vmem_shared>>
        tpu.wait_indirect_dma semaphore(%run_scoped3A_169 : memref<!tpu.dma_semaphore, #tpu.memory_space<semaphore_mem>>) src(%dma_wait3A_183 : memref<128x64xf32, #tpu.memory_space<vmem>>) dst(%dma_wait3A_189 : memref<10240x64xf32, #tpu.memory_space<vmem_shared>>)
        tpu.yield
      }) : () -> ()
      %add3A_142 = arith.constant 2 : i32
      %add3A_143 = arith.addi %add3A_87, %add3A_142 : i32
      %add3A_144 = arith.constant 2 : i32
      %add3A_145 = arith.addi %add3A_143, %add3A_144 : i32
      %dma_start3A_146 = arith.constant 1 : i32
      %dma_start3A_147 = arith.constant 0 : i32
      %dma_start3A_148 = arith.constant 0 : i32
      %dma_start3A_149 = tpu.memref_slice %arg8[%dma_start3A_146, %dma_start3A_147, %dma_start3A_148] : memref<3x128x64xf32, #tpu.memory_space<vmem>> -> memref<1x128x64xf32, #tpu.memory_space<vmem>>
      %dma_start3A_150 = tpu.memref_squeeze %dma_start3A_149 : memref<1x128x64xf32, #tpu.memory_space<vmem>> -> memref<128x64xf32, #tpu.memory_space<vmem>>
      %dma_start3A_151 = arith.constant 0 : i32
      %dma_start3A_152 = tpu.memref_slice %arg6[%add3A_145, %dma_start3A_151] : memref<80x128xi32, #tpu.memory_space<vmem>> -> memref<1x128xi32, #tpu.memory_space<vmem>>
      %dma_start3A_153 = tpu.memref_squeeze %dma_start3A_152 : memref<1x128xi32, #tpu.memory_space<vmem>> -> memref<128xi32, #tpu.memory_space<vmem>>
      %dma_start3A_154 = arith.constant 0 : i32
      %dma_start3A_155 = arith.constant 0 : i32
      %dma_start3A_156 = tpu.memref_slice %arg10[%dma_start3A_154, %dma_start3A_155] : memref<10240x64xf32, #tpu.memory_space<vmem_shared>> -> memref<10240x64xf32, #tpu.memory_space<vmem_shared>>
      tpu.enqueue_indirect_dma source(%dma_start3A_156 : memref<10240x64xf32, #tpu.memory_space<vmem_shared>>) target(%dma_start3A_150 : memref<128x64xf32, #tpu.memory_space<vmem>>) offsets(%dma_start3A_153 : memref<128xi32, #tpu.memory_space<vmem>>) semaphore(%arg12 : memref<!tpu.dma_semaphore, #tpu.memory_space<semaphore_mem>>)
      %dma_wait3A_157 = arith.constant 2 : i32
      %dma_wait3A_158 = arith.constant 0 : i32
      %dma_wait3A_159 = arith.constant 0 : i32
      %dma_wait3A_160 = tpu.memref_slice %arg8[%dma_wait3A_157, %dma_wait3A_158, %dma_wait3A_159] : memref<3x128x64xf32, #tpu.memory_space<vmem>> -> memref<1x128x64xf32, #tpu.memory_space<vmem>>
      %dma_wait3A_161 = tpu.memref_squeeze %dma_wait3A_160 : memref<1x128x64xf32, #tpu.memory_space<vmem>> -> memref<128x64xf32, #tpu.memory_space<vmem>>
      %dma_wait3A_162 = arith.constant 0 : i32
      %dma_wait3A_163 = tpu.memref_slice %arg6[%add3A_143, %dma_wait3A_162] : memref<80x128xi32, #tpu.memory_space<vmem>> -> memref<1x128xi32, #tpu.memory_space<vmem>>
      %dma_wait3A_164 = tpu.memref_squeeze %dma_wait3A_163 : memref<1x128xi32, #tpu.memory_space<vmem>> -> memref<128xi32, #tpu.memory_space<vmem>>
      %dma_wait3A_165 = arith.constant 0 : i32
      %dma_wait3A_166 = arith.constant 0 : i32
      %dma_wait3A_167 = tpu.memref_slice %arg10[%dma_wait3A_165, %dma_wait3A_166] : memref<10240x64xf32, #tpu.memory_space<vmem_shared>> -> memref<10240x64xf32, #tpu.memory_space<vmem_shared>>
      tpu.wait_indirect_dma semaphore(%arg13 : memref<!tpu.dma_semaphore, #tpu.memory_space<semaphore_mem>>) src(%dma_wait3A_167 : memref<10240x64xf32, #tpu.memory_space<vmem_shared>>) dst(%dma_wait3A_161 : memref<128x64xf32, #tpu.memory_space<vmem>>)
      %run_scoped3A_168 = arith.constant 2 : i32
      "tpu.region"() ({
        %run_scoped3A_169 = tpu.sem_alloc : memref<!tpu.dma_semaphore, #tpu.memory_space<semaphore_mem>>
        %dma_start3A_170 = arith.constant 0 : i32
        %dma_start3A_171 = arith.constant 0 : i32
        %dma_start3A_172 = tpu.memref_slice %arg8[%run_scoped3A_168, %dma_start3A_170, %dma_start3A_171] : memref<3x128x64xf32, #tpu.memory_space<vmem>> -> memref<1x128x64xf32, #tpu.memory_space<vmem>>
        %dma_start3A_173 = tpu.memref_squeeze %dma_start3A_172 : memref<1x128x64xf32, #tpu.memory_space<vmem>> -> memref<128x64xf32, #tpu.memory_space<vmem>>
        %dma_start3A_174 = arith.constant 0 : i32
        %dma_start3A_175 = tpu.memref_slice %arg7[%add3A_143, %dma_start3A_174] : memref<80x128xi32, #tpu.memory_space<vmem>> -> memref<1x128xi32, #tpu.memory_space<vmem>>
        %dma_start3A_176 = tpu.memref_squeeze %dma_start3A_175 : memref<1x128xi32, #tpu.memory_space<vmem>> -> memref<128xi32, #tpu.memory_space<vmem>>
        %dma_start3A_177 = arith.constant 0 : i32
        %dma_start3A_178 = arith.constant 0 : i32
        %dma_start3A_179 = tpu.memref_slice %arg9[%dma_start3A_177, %dma_start3A_178] : memref<10240x64xf32, #tpu.memory_space<vmem_shared>> -> memref<10240x64xf32, #tpu.memory_space<vmem_shared>>
        tpu.enqueue_indirect_dma source(%dma_start3A_173 : memref<128x64xf32, #tpu.memory_space<vmem>>) target(%dma_start3A_179 : memref<10240x64xf32, #tpu.memory_space<vmem_shared>>) offsets(%dma_start3A_176 : memref<128xi32, #tpu.memory_space<vmem>>) semaphore(%run_scoped3A_169 : memref<!tpu.dma_semaphore, #tpu.memory_space<semaphore_mem>>) {add = true}
        %dma_wait3A_180 = arith.constant 0 : i32
        %dma_wait3A_181 = arith.constant 0 : i32
        %dma_wait3A_182 = tpu.memref_slice %arg8[%run_scoped3A_168, %dma_wait3A_180, %dma_wait3A_181] : memref<3x128x64xf32, #tpu.memory_space<vmem>> -> memref<1x128x64xf32, #tpu.memory_space<vmem>>
        %dma_wait3A_183 = tpu.memref_squeeze %dma_wait3A_182 : memref<1x128x64xf32, #tpu.memory_space<vmem>> -> memref<128x64xf32, #tpu.memory_space<vmem>>
        %dma_wait3A_184 = arith.constant 0 : i32
        %dma_wait3A_185 = tpu.memref_slice %arg7[%add3A_143, %dma_wait3A_184] : memref<80x128xi32, #tpu.memory_space<vmem>> -> memref<1x128xi32, #tpu.memory_space<vmem>>
        %dma_wait3A_186 = tpu.memref_squeeze %dma_wait3A_185 : memref<1x128xi32, #tpu.memory_space<vmem>> -> memref<128xi32, #tpu.memory_space<vmem>>
        %dma_wait3A_187 = arith.constant 0 : i32
        %dma_wait3A_188 = arith.constant 0 : i32
        %dma_wait3A_189 = tpu.memref_slice %arg9[%dma_wait3A_187, %dma_wait3A_188] : memref<10240x64xf32, #tpu.memory_space<vmem_shared>> -> memref<10240x64xf32, #tpu.memory_space<vmem_shared>>
        tpu.wait_indirect_dma semaphore(%run_scoped3A_169 : memref<!tpu.dma_semaphore, #tpu.memory_space<semaphore_mem>>) src(%dma_wait3A_183 : memref<128x64xf32, #tpu.memory_space<vmem>>) dst(%dma_wait3A_189 : memref<10240x64xf32, #tpu.memory_space<vmem_shared>>)
        tpu.yield
      }) : () -> ()
    }
    %scan3A_52 = arith.constant 26 : i32
    %dma_wait3A = arith.constant 78 : i32
    %dma_wait3A_53 = arith.constant 0 : i32
    %dma_wait3A_54 = arith.constant 0 : i32
    %dma_wait3A_55 = arith.constant 0 : i32
    %dma_wait3A_56 = tpu.memref_slice %arg8[%dma_wait3A_53, %dma_wait3A_54, %dma_wait3A_55] : memref<3x128x64xf32, #tpu.memory_space<vmem>> -> memref<1x128x64xf32, #tpu.memory_space<vmem>>
    %dma_wait3A_57 = tpu.memref_squeeze %dma_wait3A_56 : memref<1x128x64xf32, #tpu.memory_space<vmem>> -> memref<128x64xf32, #tpu.memory_space<vmem>>
    %dma_wait3A_58 = arith.constant 0 : i32
    %dma_wait3A_59 = tpu.memref_slice %arg6[%dma_wait3A, %dma_wait3A_58] : memref<80x128xi32, #tpu.memory_space<vmem>> -> memref<1x128xi32, #tpu.memory_space<vmem>>
    %dma_wait3A_60 = tpu.memref_squeeze %dma_wait3A_59 : memref<1x128xi32, #tpu.memory_space<vmem>> -> memref<128xi32, #tpu.memory_space<vmem>>
    %dma_wait3A_61 = arith.constant 0 : i32
    %dma_wait3A_62 = arith.constant 0 : i32
    %dma_wait3A_63 = tpu.memref_slice %arg10[%dma_wait3A_61, %dma_wait3A_62] : memref<10240x64xf32, #tpu.memory_space<vmem_shared>> -> memref<10240x64xf32, #tpu.memory_space<vmem_shared>>
    tpu.wait_indirect_dma semaphore(%arg11 : memref<!tpu.dma_semaphore, #tpu.memory_space<semaphore_mem>>) src(%dma_wait3A_63 : memref<10240x64xf32, #tpu.memory_space<vmem_shared>>) dst(%dma_wait3A_57 : memref<128x64xf32, #tpu.memory_space<vmem>>)
    %run_scoped3A_64 = arith.constant 0 : i32
    %run_scoped3A_65 = arith.constant 78 : i32
    "tpu.region"() ({
      %run_scoped3A_83 = tpu.sem_alloc : memref<!tpu.dma_semaphore, #tpu.memory_space<semaphore_mem>>
      %dma_start3A_84 = arith.constant 0 : i32
      %dma_start3A_85 = arith.constant 0 : i32
      %dma_start3A_86 = tpu.memref_slice %arg8[%run_scoped3A_64, %dma_start3A_84, %dma_start3A_85] : memref<3x128x64xf32, #tpu.memory_space<vmem>> -> memref<1x128x64xf32, #tpu.memory_space<vmem>>
      %dma_start3A_87 = tpu.memref_squeeze %dma_start3A_86 : memref<1x128x64xf32, #tpu.memory_space<vmem>> -> memref<128x64xf32, #tpu.memory_space<vmem>>
      %dma_start3A_88 = arith.constant 0 : i32
      %dma_start3A_89 = tpu.memref_slice %arg7[%run_scoped3A_65, %dma_start3A_88] : memref<80x128xi32, #tpu.memory_space<vmem>> -> memref<1x128xi32, #tpu.memory_space<vmem>>
      %dma_start3A_90 = tpu.memref_squeeze %dma_start3A_89 : memref<1x128xi32, #tpu.memory_space<vmem>> -> memref<128xi32, #tpu.memory_space<vmem>>
      %dma_start3A_91 = arith.constant 0 : i32
      %dma_start3A_92 = arith.constant 0 : i32
      %dma_start3A_93 = tpu.memref_slice %arg9[%dma_start3A_91, %dma_start3A_92] : memref<10240x64xf32, #tpu.memory_space<vmem_shared>> -> memref<10240x64xf32, #tpu.memory_space<vmem_shared>>
      tpu.enqueue_indirect_dma source(%dma_start3A_87 : memref<128x64xf32, #tpu.memory_space<vmem>>) target(%dma_start3A_93 : memref<10240x64xf32, #tpu.memory_space<vmem_shared>>) offsets(%dma_start3A_90 : memref<128xi32, #tpu.memory_space<vmem>>) semaphore(%run_scoped3A_83 : memref<!tpu.dma_semaphore, #tpu.memory_space<semaphore_mem>>) {add = true}
      %dma_wait3A_94 = arith.constant 0 : i32
      %dma_wait3A_95 = arith.constant 0 : i32
      %dma_wait3A_96 = tpu.memref_slice %arg8[%run_scoped3A_64, %dma_wait3A_94, %dma_wait3A_95] : memref<3x128x64xf32, #tpu.memory_space<vmem>> -> memref<1x128x64xf32, #tpu.memory_space<vmem>>
      %dma_wait3A_97 = tpu.memref_squeeze %dma_wait3A_96 : memref<1x128x64xf32, #tpu.memory_space<vmem>> -> memref<128x64xf32, #tpu.memory_space<vmem>>
      %dma_wait3A_98 = arith.constant 0 : i32
      %dma_wait3A_99 = tpu.memref_slice %arg7[%run_scoped3A_65, %dma_wait3A_98] : memref<80x128xi32, #tpu.memory_space<vmem>> -> memref<1x128xi32, #tpu.memory_space<vmem>>
      %dma_wait3A_100 = tpu.memref_squeeze %dma_wait3A_99 : memref<1x128xi32, #tpu.memory_space<vmem>> -> memref<128xi32, #tpu.memory_space<vmem>>
      %dma_wait3A_101 = arith.constant 0 : i32
      %dma_wait3A_102 = arith.constant 0 : i32
      %dma_wait3A_103 = tpu.memref_slice %arg9[%dma_wait3A_101, %dma_wait3A_102] : memref<10240x64xf32, #tpu.memory_space<vmem_shared>> -> memref<10240x64xf32, #tpu.memory_space<vmem_shared>>
      tpu.wait_indirect_dma semaphore(%run_scoped3A_83 : memref<!tpu.dma_semaphore, #tpu.memory_space<semaphore_mem>>) src(%dma_wait3A_97 : memref<128x64xf32, #tpu.memory_space<vmem>>) dst(%dma_wait3A_103 : memref<10240x64xf32, #tpu.memory_space<vmem_shared>>)
      tpu.yield
    }) : () -> ()
    %dma_wait3A_66 = arith.constant 79 : i32
    %dma_wait3A_67 = arith.constant 1 : i32
    %dma_wait3A_68 = arith.constant 0 : i32
    %dma_wait3A_69 = arith.constant 0 : i32
    %dma_wait3A_70 = tpu.memref_slice %arg8[%dma_wait3A_67, %dma_wait3A_68, %dma_wait3A_69] : memref<3x128x64xf32, #tpu.memory_space<vmem>> -> memref<1x128x64xf32, #tpu.memory_space<vmem>>
    %dma_wait3A_71 = tpu.memref_squeeze %dma_wait3A_70 : memref<1x128x64xf32, #tpu.memory_space<vmem>> -> memref<128x64xf32, #tpu.memory_space<vmem>>
    %dma_wait3A_72 = arith.constant 0 : i32
    %dma_wait3A_73 = tpu.memref_slice %arg6[%dma_wait3A_66, %dma_wait3A_72] : memref<80x128xi32, #tpu.memory_space<vmem>> -> memref<1x128xi32, #tpu.memory_space<vmem>>
    %dma_wait3A_74 = tpu.memref_squeeze %dma_wait3A_73 : memref<1x128xi32, #tpu.memory_space<vmem>> -> memref<128xi32, #tpu.memory_space<vmem>>
    %dma_wait3A_75 = arith.constant 0 : i32
    %dma_wait3A_76 = arith.constant 0 : i32
    %dma_wait3A_77 = tpu.memref_slice %arg10[%dma_wait3A_75, %dma_wait3A_76] : memref<10240x64xf32, #tpu.memory_space<vmem_shared>> -> memref<10240x64xf32, #tpu.memory_space<vmem_shared>>
    tpu.wait_indirect_dma semaphore(%arg12 : memref<!tpu.dma_semaphore, #tpu.memory_space<semaphore_mem>>) src(%dma_wait3A_77 : memref<10240x64xf32, #tpu.memory_space<vmem_shared>>) dst(%dma_wait3A_71 : memref<128x64xf32, #tpu.memory_space<vmem>>)
    %run_scoped3A_78 = arith.constant 1 : i32
    %run_scoped3A_79 = arith.constant 79 : i32
    "tpu.region"() ({
      %run_scoped3A_83 = tpu.sem_alloc : memref<!tpu.dma_semaphore, #tpu.memory_space<semaphore_mem>>
      %dma_start3A_84 = arith.constant 0 : i32
      %dma_start3A_85 = arith.constant 0 : i32
      %dma_start3A_86 = tpu.memref_slice %arg8[%run_scoped3A_78, %dma_start3A_84, %dma_start3A_85] : memref<3x128x64xf32, #tpu.memory_space<vmem>> -> memref<1x128x64xf32, #tpu.memory_space<vmem>>
      %dma_start3A_87 = tpu.memref_squeeze %dma_start3A_86 : memref<1x128x64xf32, #tpu.memory_space<vmem>> -> memref<128x64xf32, #tpu.memory_space<vmem>>
      %dma_start3A_88 = arith.constant 0 : i32
      %dma_start3A_89 = tpu.memref_slice %arg7[%run_scoped3A_79, %dma_start3A_88] : memref<80x128xi32, #tpu.memory_space<vmem>> -> memref<1x128xi32, #tpu.memory_space<vmem>>
      %dma_start3A_90 = tpu.memref_squeeze %dma_start3A_89 : memref<1x128xi32, #tpu.memory_space<vmem>> -> memref<128xi32, #tpu.memory_space<vmem>>
      %dma_start3A_91 = arith.constant 0 : i32
      %dma_start3A_92 = arith.constant 0 : i32
      %dma_start3A_93 = tpu.memref_slice %arg9[%dma_start3A_91, %dma_start3A_92] : memref<10240x64xf32, #tpu.memory_space<vmem_shared>> -> memref<10240x64xf32, #tpu.memory_space<vmem_shared>>
      tpu.enqueue_indirect_dma source(%dma_start3A_87 : memref<128x64xf32, #tpu.memory_space<vmem>>) target(%dma_start3A_93 : memref<10240x64xf32, #tpu.memory_space<vmem_shared>>) offsets(%dma_start3A_90 : memref<128xi32, #tpu.memory_space<vmem>>) semaphore(%run_scoped3A_83 : memref<!tpu.dma_semaphore, #tpu.memory_space<semaphore_mem>>) {add = true}
      %dma_wait3A_94 = arith.constant 0 : i32
      %dma_wait3A_95 = arith.constant 0 : i32
      %dma_wait3A_96 = tpu.memref_slice %arg8[%run_scoped3A_78, %dma_wait3A_94, %dma_wait3A_95] : memref<3x128x64xf32, #tpu.memory_space<vmem>> -> memref<1x128x64xf32, #tpu.memory_space<vmem>>
      %dma_wait3A_97 = tpu.memref_squeeze %dma_wait3A_96 : memref<1x128x64xf32, #tpu.memory_space<vmem>> -> memref<128x64xf32, #tpu.memory_space<vmem>>
      %dma_wait3A_98 = arith.constant 0 : i32
      %dma_wait3A_99 = tpu.memref_slice %arg7[%run_scoped3A_79, %dma_wait3A_98] : memref<80x128xi32, #tpu.memory_space<vmem>> -> memref<1x128xi32, #tpu.memory_space<vmem>>
      %dma_wait3A_100 = tpu.memref_squeeze %dma_wait3A_99 : memref<1x128xi32, #tpu.memory_space<vmem>> -> memref<128xi32, #tpu.memory_space<vmem>>
      %dma_wait3A_101 = arith.constant 0 : i32
      %dma_wait3A_102 = arith.constant 0 : i32
      %dma_wait3A_103 = tpu.memref_slice %arg9[%dma_wait3A_101, %dma_wait3A_102] : memref<10240x64xf32, #tpu.memory_space<vmem_shared>> -> memref<10240x64xf32, #tpu.memory_space<vmem_shared>>
      tpu.wait_indirect_dma semaphore(%run_scoped3A_83 : memref<!tpu.dma_semaphore, #tpu.memory_space<semaphore_mem>>) src(%dma_wait3A_97 : memref<128x64xf32, #tpu.memory_space<vmem>>) dst(%dma_wait3A_103 : memref<10240x64xf32, #tpu.memory_space<vmem_shared>>)
      tpu.yield
    }) : () -> ()
    %barrier3A_80 = arith.constant 0 : index
    tpu.barrier barrier_id(%barrier3A_80)
    %mul3A_81 = arith.constant 64 : i32
    %mul3A_82 = arith.muli %arg0, %mul3A_81 : i32
    "tpu.region"() ({
      %run_scoped3A_83 = tpu.sem_alloc : memref<!tpu.dma_semaphore, #tpu.memory_space<semaphore_mem>>
      %dma_start3A_84 = tpu.memref_slice %arg5[%mul3A_10, %mul3A_82] : memref<10240x128xf32, #tpu.memory_space<hbm>> -> memref<640x64xf32, #tpu.memory_space<hbm>>
      %dma_start3A_85 = arith.constant 0 : i32
      %dma_start3A_86 = tpu.memref_slice %arg9[%mul3A_10, %dma_start3A_85] : memref<10240x64xf32, #tpu.memory_space<vmem_shared>> -> memref<640x64xf32, #tpu.memory_space<vmem_shared>>
      tpu.enqueue_dma source(%dma_start3A_86 : memref<640x64xf32, #tpu.memory_space<vmem_shared>>) target(%dma_start3A_84 : memref<640x64xf32, #tpu.memory_space<hbm>>) target_semaphore(%run_scoped3A_83 : memref<!tpu.dma_semaphore, #tpu.memory_space<semaphore_mem>>)
      %dma_wait3A_87 = tpu.memref_slice %arg5[%mul3A_10, %mul3A_82] : memref<10240x128xf32, #tpu.memory_space<hbm>> -> memref<640x64xf32, #tpu.memory_space<hbm>>
      %dma_wait3A_88 = arith.constant 0 : i32
      %dma_wait3A_89 = tpu.memref_slice %arg9[%mul3A_10, %dma_wait3A_88] : memref<10240x64xf32, #tpu.memory_space<vmem_shared>> -> memref<640x64xf32, #tpu.memory_space<vmem_shared>>
      tpu.wait_dma2 semaphore(%run_scoped3A_83 : memref<!tpu.dma_semaphore, #tpu.memory_space<semaphore_mem>>) src(%dma_wait3A_89 : memref<640x64xf32, #tpu.memory_space<vmem_shared>>) dst(%dma_wait3A_87 : memref<640x64xf32, #tpu.memory_space<hbm>>)
      tpu.yield
    }) : () -> ()
    return
  }
}

module attributes {stable_mosaic.version = 14 : i64} {
  func.func @body(%arg0: memref<10000x128xf32, #tpu.memory_space<vmem>>, %arg1: memref<128x64xf32, #tpu.memory_space<vmem>>, %arg2: memref<128x64xf32, #tpu.memory_space<vmem>>, %arg3: memref<10000x128xf32, #tpu.memory_space<vmem>>, %arg4: memref<10000x64xf32, #tpu.memory_space<vmem>>) attributes {dimension_semantics = [], scalar_prefetch = 0 : i64, scratch_operands = 0 : i64, tpu.core_type = #tpu.core_type<tc>} {
    %get3A = arith.constant 0 : index
    %get3A_0 = arith.constant 0 : index
    %get3A_1 = vector.load %arg0[%get3A, %get3A_0] : memref<10000x128xf32, #tpu.memory_space<vmem>>, vector<10000x128xf32>
    %get3A_2 = arith.constant 0 : index
    %get3A_3 = arith.constant 0 : index
    %get3A_4 = vector.load %arg1[%get3A_2, %get3A_3] : memref<128x64xf32, #tpu.memory_space<vmem>>, vector<128x64xf32>
    %dot_general3A = arith.constant dense<0.000000e+00> : vector<10000x64xf32>
    %dot_general3A_5 = tpu.matmul %get3A_1, %get3A_4, %dot_general3A {dimension_numbers = #tpu.dot_dimension_numbers<[1], [0], [0], [1], [0, 0, 1, 1], [], []>, transpose_lhs_hint = false} : vector<10000x128xf32>, vector<128x64xf32>, vector<10000x64xf32> -> vector<10000x64xf32>
    %swap3A = arith.constant 0 : index
    %swap3A_6 = arith.constant 0 : index
    %swap3A_7 = vector.load %arg3[%swap3A, %swap3A_6] : memref<10000x128xf32, #tpu.memory_space<vmem>>, vector<10000x64xf32>
    tpu.vector_store %arg3[%swap3A, %swap3A_6], %dot_general3A_5 {strides = array<i32>} : memref<10000x128xf32, #tpu.memory_space<vmem>>, vector<10000x64xf32>,
    %get3A_8 = arith.constant 0 : index
    %get3A_9 = arith.constant 0 : index
    %get3A_10 = vector.load %arg2[%get3A_8, %get3A_9] : memref<128x64xf32, #tpu.memory_space<vmem>>, vector<128x64xf32>
    %dot_general3A_11 = arith.constant dense<0.000000e+00> : vector<10000x64xf32>
    %dot_general3A_12 = tpu.matmul %get3A_1, %get3A_10, %dot_general3A_11 {dimension_numbers = #tpu.dot_dimension_numbers<[1], [0], [0], [1], [0, 0, 1, 1], [], []>, transpose_lhs_hint = false} : vector<10000x128xf32>, vector<128x64xf32>, vector<10000x64xf32> -> vector<10000x64xf32>
    %swap3A_13 = arith.constant 0 : index
    %swap3A_14 = arith.constant 0 : index
    %swap3A_15 = vector.load %arg4[%swap3A_13, %swap3A_14] : memref<10000x64xf32, #tpu.memory_space<vmem>>, vector<10000x64xf32>
    tpu.vector_store %arg4[%swap3A_13, %swap3A_14], %dot_general3A_12 {strides = array<i32>} : memref<10000x64xf32, #tpu.memory_space<vmem>>, vector<10000x64xf32>,
    return
  }
}

module attributes {stable_mosaic.version = 14 : i64} {
  func.func @body(%arg0: memref<10240x128xf32, #tpu.memory_space<vmem>>, %arg1: memref<10240x128xf32, #tpu.memory_space<vmem>>, %arg2: memref<10000x64xf32, #tpu.memory_space<vmem>>, %arg3: memref<1x64xf32, #tpu.memory_space<vmem>>, %arg4: memref<1x64xf32, #tpu.memory_space<vmem>>, %arg5: memref<1x64xf32, #tpu.memory_space<vmem>>, %arg6: memref<64x32xf32, #tpu.memory_space<vmem>>, %arg7: memref<64x32xf32, #tpu.memory_space<vmem>>, %arg8: memref<10000x128xf32, #tpu.memory_space<vmem>>, %arg9: memref<10000x32xf32, #tpu.memory_space<vmem>>, %arg10: memref<10000x32xf32, #tpu.memory_space<vmem>>) attributes {dimension_semantics = [], scalar_prefetch = 0 : i64, scratch_operands = 0 : i64, tpu.core_type = #tpu.core_type<tc>} {
    %get3A = arith.constant 0 : index
    %get3A_0 = arith.constant 0 : index
    %get3A_1 = vector.load %arg0[%get3A, %get3A_0] : memref<10240x128xf32, #tpu.memory_space<vmem>>, vector<10000x64xf32>
    %get3A_2 = arith.constant 0 : index
    %get3A_3 = arith.constant 64 : index
    %get3A_4 = vector.load %arg0[%get3A_2, %get3A_3] : memref<10240x128xf32, #tpu.memory_space<vmem>>, vector<10000x64xf32>
    %add3A = arith.addf %get3A_1, %get3A_4 : vector<10000x64xf32>
    %get3A_5 = arith.constant 0 : index
    %get3A_6 = arith.constant 0 : index
    %get3A_7 = vector.load %arg1[%get3A_5, %get3A_6] : memref<10240x128xf32, #tpu.memory_space<vmem>>, vector<10000x1xf32>
    %get3A_8 = arith.constant 0 : index
    %get3A_9 = arith.constant 16 : index
    %get3A_10 = vector.load %arg1[%get3A_8, %get3A_9] : memref<10240x128xf32, #tpu.memory_space<vmem>>, vector<10000x1xf32>
    %add3A_11 = arith.addf %get3A_7, %get3A_10 : vector<10000x1xf32>
    %max3A = arith.constant 1.000000e+00 : f32
    %max3A_12 = vector.broadcast %max3A : f32 to vector<10000x1xf32>
    %max3A_13 = arith.maximumf %add3A_11, %max3A_12 : vector<10000x1xf32>
    %div3A = arith.constant 1.000000e+00 : f32
    %div3A_14 = vector.broadcast %div3A : f32 to vector<10000x1xf32>
    %div3A_15 = arith.divf %div3A_14, %max3A_13 : vector<10000x1xf32>
    %mul3A = vector.broadcast %div3A_15 : vector<10000x1xf32> to vector<10000x64xf32>
    %mul3A_16 = arith.mulf %add3A, %mul3A : vector<10000x64xf32>
    %get3A_17 = arith.constant 0 : index
    %get3A_18 = arith.constant 0 : index
    %get3A_19 = vector.load %arg4[%get3A_17, %get3A_18] : memref<1x64xf32, #tpu.memory_space<vmem>>, vector<1x64xf32>
    %sqrt3A = arith.constant 1.000010e+00 : f32
    %sqrt3A_20 = math.sqrt %sqrt3A : f32
    %div3A_21 = arith.constant 1.000000e+00 : f32
    %div3A_22 = arith.divf %div3A_21, %sqrt3A_20 : f32
    %mul3A_23 = vector.broadcast %div3A_22 : f32 to vector<1x64xf32>
    %mul3A_24 = arith.mulf %get3A_19, %mul3A_23 : vector<1x64xf32>
    %get3A_25 = arith.constant 0 : index
    %get3A_26 = arith.constant 0 : index
    %get3A_27 = vector.load %arg2[%get3A_25, %get3A_26] : memref<10000x64xf32, #tpu.memory_space<vmem>>, vector<10000x64xf32>
    %add3A_28 = arith.addf %mul3A_16, %get3A_27 : vector<10000x64xf32>
    %get3A_29 = arith.constant 0 : index
    %get3A_30 = arith.constant 0 : index
    %get3A_31 = vector.load %arg3[%get3A_29, %get3A_30] : memref<1x64xf32, #tpu.memory_space<vmem>>, vector<1x64xf32>
    %add3A_32 = vector.broadcast %get3A_31 : vector<1x64xf32> to vector<10000x64xf32>
    %add3A_33 = arith.addf %add3A_28, %add3A_32 : vector<10000x64xf32>
    %mul3A_34 = vector.broadcast %mul3A_24 : vector<1x64xf32> to vector<10000x64xf32>
    %mul3A_35 = arith.mulf %add3A_33, %mul3A_34 : vector<10000x64xf32>
    %get3A_36 = arith.constant 0 : index
    %get3A_37 = arith.constant 0 : index
    %get3A_38 = vector.load %arg5[%get3A_36, %get3A_37] : memref<1x64xf32, #tpu.memory_space<vmem>>, vector<1x64xf32>
    %add3A_39 = vector.broadcast %get3A_38 : vector<1x64xf32> to vector<10000x64xf32>
    %add3A_40 = arith.addf %mul3A_35, %add3A_39 : vector<10000x64xf32>
    %max3A_41 = arith.constant 0.000000e+00 : f32
    %max3A_42 = vector.broadcast %max3A_41 : f32 to vector<10000x64xf32>
    %max3A_43 = arith.maximumf %add3A_40, %max3A_42 : vector<10000x64xf32>
    %get3A_44 = arith.constant 0 : index
    %get3A_45 = arith.constant 0 : index
    %get3A_46 = vector.load %arg6[%get3A_44, %get3A_45] : memref<64x32xf32, #tpu.memory_space<vmem>>, vector<64x32xf32>
    %dot_general3A = arith.constant dense<0.000000e+00> : vector<10000x32xf32>
    %dot_general3A_47 = tpu.matmul %max3A_43, %get3A_46, %dot_general3A {dimension_numbers = #tpu.dot_dimension_numbers<[1], [0], [0], [1], [0, 0, 1, 1], [], []>, transpose_lhs_hint = false} : vector<10000x64xf32>, vector<64x32xf32>, vector<10000x32xf32> -> vector<10000x32xf32>
    %swap3A = arith.constant 0 : index
    %swap3A_48 = arith.constant 0 : index
    %swap3A_49 = vector.load %arg8[%swap3A, %swap3A_48] : memref<10000x128xf32, #tpu.memory_space<vmem>>, vector<10000x32xf32>
    tpu.vector_store %arg8[%swap3A, %swap3A_48], %dot_general3A_47 {strides = array<i32>} : memref<10000x128xf32, #tpu.memory_space<vmem>>, vector<10000x32xf32>,
    %get3A_50 = arith.constant 0 : index
    %get3A_51 = arith.constant 0 : index
    %get3A_52 = vector.load %arg7[%get3A_50, %get3A_51] : memref<64x32xf32, #tpu.memory_space<vmem>>, vector<64x32xf32>
    %dot_general3A_53 = arith.constant dense<0.000000e+00> : vector<10000x32xf32>
    %dot_general3A_54 = tpu.matmul %max3A_43, %get3A_52, %dot_general3A_53 {dimension_numbers = #tpu.dot_dimension_numbers<[1], [0], [0], [1], [0, 0, 1, 1], [], []>, transpose_lhs_hint = false} : vector<10000x64xf32>, vector<64x32xf32>, vector<10000x32xf32> -> vector<10000x32xf32>
    %swap3A_55 = arith.constant 0 : index
    %swap3A_56 = arith.constant 0 : index
    %swap3A_57 = vector.load %arg9[%swap3A_55, %swap3A_56] : memref<10000x32xf32, #tpu.memory_space<vmem>>, vector<10000x32xf32>
    tpu.vector_store %arg9[%swap3A_55, %swap3A_56], %dot_general3A_54 {strides = array<i32>} : memref<10000x32xf32, #tpu.memory_space<vmem>>, vector<10000x32xf32>,
    %broadcast_in_dim3A = vector.shape_cast %div3A_15 : vector<10000x1xf32> to vector<10000x1xf32>
    %broadcast_in_dim3A_58 = vector.broadcast %broadcast_in_dim3A : vector<10000x1xf32> to vector<10000x32xf32>
    %swap3A_59 = arith.constant 0 : index
    %swap3A_60 = arith.constant 0 : index
    %swap3A_61 = vector.load %arg10[%swap3A_59, %swap3A_60] : memref<10000x32xf32, #tpu.memory_space<vmem>>, vector<10000x32xf32>
    tpu.vector_store %arg10[%swap3A_59, %swap3A_60], %broadcast_in_dim3A_58 {strides = array<i32>} : memref<10000x32xf32, #tpu.memory_space<vmem>>, vector<10000x32xf32>,
    return
  }
}

module attributes {stable_mosaic.version = 14 : i64} {
  func.func @body(%arg0: memref<10240x128xf32, #tpu.memory_space<vmem>>, %arg1: memref<10000x32xf32, #tpu.memory_space<vmem>>, %arg2: memref<10000x32xf32, #tpu.memory_space<vmem>>, %arg3: memref<1x32xf32, #tpu.memory_space<vmem>>, %arg4: memref<10000x32xf32, #tpu.memory_space<vmem>>) attributes {dimension_semantics = [], scalar_prefetch = 0 : i64, scratch_operands = 0 : i64, tpu.core_type = #tpu.core_type<tc>} {
    %get3A = arith.constant 0 : index
    %get3A_0 = arith.constant 0 : index
    %get3A_1 = vector.load %arg0[%get3A, %get3A_0] : memref<10240x128xf32, #tpu.memory_space<vmem>>, vector<10000x32xf32>
    %get3A_2 = arith.constant 0 : index
    %get3A_3 = arith.constant 32 : index
    %get3A_4 = vector.load %arg0[%get3A_2, %get3A_3] : memref<10240x128xf32, #tpu.memory_space<vmem>>, vector<10000x32xf32>
    %add3A = arith.addf %get3A_1, %get3A_4 : vector<10000x32xf32>
    %get3A_5 = arith.constant 0 : index
    %get3A_6 = arith.constant 0 : index
    %get3A_7 = vector.load %arg1[%get3A_5, %get3A_6] : memref<10000x32xf32, #tpu.memory_space<vmem>>, vector<10000x32xf32>
    %mul3A = arith.mulf %add3A, %get3A_7 : vector<10000x32xf32>
    %get3A_8 = arith.constant 0 : index
    %get3A_9 = arith.constant 0 : index
    %get3A_10 = vector.load %arg2[%get3A_8, %get3A_9] : memref<10000x32xf32, #tpu.memory_space<vmem>>, vector<10000x32xf32>
    %add3A_11 = arith.addf %mul3A, %get3A_10 : vector<10000x32xf32>
    %get3A_12 = arith.constant 0 : index
    %get3A_13 = arith.constant 0 : index
    %get3A_14 = vector.load %arg3[%get3A_12, %get3A_13] : memref<1x32xf32, #tpu.memory_space<vmem>>, vector<1x32xf32>
    %add3A_15 = vector.broadcast %get3A_14 : vector<1x32xf32> to vector<10000x32xf32>
    %add3A_16 = arith.addf %add3A_11, %add3A_15 : vector<10000x32xf32>
    %swap3A = arith.constant 0 : index
    %swap3A_17 = arith.constant 0 : index
    %swap3A_18 = vector.load %arg4[%swap3A, %swap3A_17] : memref<10000x32xf32, #tpu.memory_space<vmem>>, vector<10000x32xf32>
    tpu.vector_store %arg4[%swap3A, %swap3A_17], %add3A_16 {strides = array<i32>} : memref<10000x32xf32, #tpu.memory_space<vmem>>, vector<10000x32xf32>,
    return
  }
}

</mosaic_0001>

<sc_bundles>
// kernel: kernel.11.cloned.1.call-start
scs
__scs_entry_jumppad:
0x0: {  	(pc) =	sbr.rel $0x88, $3  }
0x1: {  	(tag) =	ssettag $0x0;
	lr =	simm.s32 $0x1  }
0x2: {  	[smem:$0x3F97] =	sst lr;
	_ =	strace $0xD0000000  }
0x3: {  	_ = 	snop  }
0x4: {  	_ = 	snop  }
0x5: {  	_ = 	snop  }
0x6: {  	_ = 	snop  }
0x7: {  	_ = 	snop  }
__scs_overlays_trampoline_lowered:
0x8: {  	[smem:$0x3FA6] =	sst s0  }
0x9: {  	[smem:$0x3FA7] =	sst s1  }
0xa: {  	[smem:$0x3FA8] =	sst s2  }
0xb: {  	[smem:$0x3FA9] =	sst s3  }
0xc: {  	[smem:$0x3FAA] =	sst s4  }
0xd: {  	[smem:$0x3FAB] =	sst s5  }
0xe: {  	[smem:$0x3FAC] =	sst s6  }
0xf: {  	[smem:$0x3FAD] =	sst s7  }
0x10: {  	[smem:$0x3FAE] =	sst s8  }
0x11: {  	[smem:$0x3FAF] =	sst s9;
	s0 =	simm.s32 @!p0 $0x0  }
0x12: {  	s1 =	sld [smem:$0x3F95];
	s0 =	simm.s32 @p0 $0x1  }
0x13: {  	[smem:$0x3FB0] =	sst s0;
	s0 =	simm.s32 @!p1 $0x0  }
0x14: {  	s2 =	sld [smem:$0x3F94];
	s0 =	simm.s32 @p1 $0x1  }
0x15: {  	[smem:$0x3FB1] =	sst s0;
	s0 =	simm.s32 @!p2 $0x0  }
0x16: {  	s3 =	sld [smem:$0x3FDB];
	s0 =	simm.s32 @p2 $0x1  }
0x17: {  	s4 =	simm.s32 $0x1BF5;
	[smem:$0x3FB3] =	sst s0  }
0x18: {  	s0 =	sld [smem:$0x3F96];
	_ =	swait.ge [sflag:s4], $0x0  }
0x19: {  	s7 =	sld [smem:$0x3F97]  }
0x1a: {  	s8 =	sadd.s32 $0xFFFFE003, lr  }
0x1b: {  	s9 =	sadd.s32 $0xFFFFFEF7, lr;
	s5 =	simm.s32 $0xFFFFFFFF;
	p2 =	slt.u32 s8, $0xFFFFF086  }
0x1c: {  	p1 =	slt.u32 s9, $0xF7A;
	s5 =	simm.s32 @!p2 $0x0  }
0x1d: {  	s5 =	simm.s32 @p1 $0x1;
	p0 =	seq.s32 s7, s2  }
0x1e: {  	s7 =	smul.u32 @!p0 $0xF7A, s2;
	p2 =	seq.s32 @!p0 s5, $0x0  }
0x1f: {  	s9 =	smul.u32 $0xF7A, s1;
	s8 =	simm.s32 @!p0 $0x1BF5;
	p2 =	por !p2, p0  }
0x20: {  	[sflag:s8] =	ssyncset.s32 @!p0 $0xFFFFF086;
	s6 =	sadd.s32 @!p0 s3, s7;
	s7 =	simm.s32 @!p0 $0x108  }
0x21: {  	s3 =	sadd.s32 s3, s9;
	s6 =	sadd.s32 @!p0 $0x88, s6;
	s7 =	simm.s32 @p2 $0x1082  }
0x22: {  	[simem:s7], [sflag:s8] =	dma.local @!p0 [hbm:s6], $0xF7A  }
0x23: {  	s9 =	sor.u32 $0xD0000000, s2;
	s6 =	simm.s32 $0x108;
	_ =	swait.ge @!p0 [sflag:s8], $0x0  }
0x24: {  	s3 =	sadd.s32 $0x88, s3;
	s6 =	simm.s32 @!p1 $0x1082;
	[sflag:s4] =	ssyncset.s32 $0xFFFFF086  }
0x25: {  	[simem:s6], [sflag:s4] =	dma.local [hbm:s3], $0xF7A  }
0x26: {  	[smem:$0x3F97] =	sst s1;
	(tag) =	ssettag s2;
	_ =	strace s9  }
0x27: {  	s1 =	sld [smem:$0x3FA7]  }
0x28: {  	s2 =	sld [smem:$0x3FA8]  }
0x29: {  	s4 =	sld [smem:$0x3FAA]  }
0x2a: {  	p0 =	seq.s32 s5, $0x0;
	s5 =	sld [smem:$0x3FAB]  }
0x2b: {  	s6 =	sld [smem:$0x3FAC]  }
0x2c: {  	s7 =	sld [smem:$0x3FAD]  }
0x2d: {  	s3 =	simm.s32 $0x108;
	s8 =	sld [smem:$0x3FAE]  }
0x2e: {  	s3 =	simm.s32 @!p0 $0x1082;
	s9 =	sld [smem:$0x3FAF]  }
0x2f: {  	lr =	sadd.s32 s0, s3;
	s0 =	sld [smem:$0x3FA6]  }
0x30: {  	s3 =	sld [smem:$0x3FA9]  }
0x31: {  	[smem:$0x3FB2] =	sst s10  }
0x32: {  	s10 =	sld [smem:$0x3FB0];
	_ =	sdelay $0x3  }
0x33: {  	p0 =	seq.s32 s10, $0x1;
	s10 =	sld [smem:$0x3FB2];
	_ =	sdelay $0x3  }
0x34: {  	[smem:$0x3FB2] =	sst s10  }
0x35: {  	s10 =	sld [smem:$0x3FB1];
	_ =	sdelay $0x3  }
0x36: {  	p1 =	seq.s32 s10, $0x1;
	s10 =	sld [smem:$0x3FB2];
	_ =	sdelay $0x3  }
0x37: {  	[smem:$0x3FB2] =	sst s10  }
0x38: {  	s10 =	sld [smem:$0x3FB3]  }
0x39: {  	_ = 	snop;
	(pc) =	sbr.ind lr, $3  }
0x3a: {  	_ = 	snop  }
0x3b: {  	_ = 	snop  }
0x3c: {  	p2 =	seq.s32 s10, $0x1;
	s10 =	sld [smem:$0x3FB2]  }
0x3d: {  	_ =	shalt  }
0x3e: {  	_ =	shalt  }
0x3f: {  	_ =	shalt  }
0x40: {  	_ =	shalt  }
0x41: {  	_ =	shalt  }
0x42: {  	_ =	shalt  }
0x43: {  	_ =	shalt  }
0x44: {  	_ =	shalt  }
0x45: {  	_ =	shalt  }
0x46: {  	_ =	shalt  }
0x47: {  	_ =	shalt  }
0x48: {  	_ =	shalt  }
0x49: {  	_ =	shalt  }
0x4a: {  	_ =	shalt  }
0x4b: {  	_ =	shalt  }
0x4c: {  	_ =	shalt  }
0x4d: {  	_ =	shalt  }
0x4e: {  	_ =	shalt  }
0x4f: {  	_ =	shalt  }
0x50: {  	_ =	shalt  }
0x51: {  	_ =	shalt  }
0x52: {  	_ =	shalt  }
0x53: {  	_ =	shalt  }
0x54: {  	_ =	shalt  }
0x55: {  	_ =	shalt  }
0x56: {  	_ =	shalt  }
0x57: {  	_ =	shalt  }
0x58: {  	_ =	shalt  }
0x59: {  	_ =	shalt  }
0x5a: {  	_ =	shalt  }
0x5b: {  	_ =	shalt  }
0x5c: {  	_ =	shalt  }
0x5d: {  	_ =	shalt  }
0x5e: {  	_ =	shalt  }
0x5f: {  	_ =	shalt  }
0x60: {  	_ =	shalt  }
0x61: {  	_ =	shalt  }
0x62: {  	_ =	shalt  }
0x63: {  	_ =	shalt  }
0x64: {  	_ =	shalt  }
0x65: {  	_ =	shalt  }
0x66: {  	_ =	shalt  }
0x67: {  	_ =	shalt  }
0x68: {  	_ =	shalt  }
0x69: {  	_ =	shalt  }
0x6a: {  	_ =	shalt  }
0x6b: {  	_ =	shalt  }
0x6c: {  	_ =	shalt  }
0x6d: {  	_ =	shalt  }
0x6e: {  	_ =	shalt  }
0x6f: {  	_ =	shalt  }
0x70: {  	_ =	shalt  }
0x71: {  	_ =	shalt  }
0x72: {  	_ =	shalt  }
0x73: {  	_ =	shalt  }
0x74: {  	_ =	shalt  }
0x75: {  	_ =	shalt  }
0x76: {  	_ =	shalt  }
0x77: {  	_ =	shalt  }
0x78: {  	_ =	shalt  }
0x79: {  	_ =	shalt  }
0x7a: {  	_ =	shalt  }
0x7b: {  	_ =	shalt  }
0x7c: {  	_ =	shalt  }
0x7d: {  	_ =	shalt  }
0x7e: {  	_ =	shalt  }
0x7f: {  	_ =	shalt  }
0x80: {  	_ =	shalt  }
0x81: {  	_ =	shalt  }
0x82: {  	_ =	shalt  }
0x83: {  	_ =	shalt  }
0x84: {  	_ =	shalt  }
0x85: {  	_ =	shalt  }
0x86: {  	_ =	shalt  }
0x87: {  	_ =	shalt  }
.Lfunc_end0:
.L_simem_size_0:
called_computation.1_lowered:
.L_overlay_start_0:
0x88: {  	s2 =	sld [smem:$0x3FD9]  }
0x89: {  	s3 =	sld [smem:$0x3FFE];
	_ =	sdelay $0x1  }
0x8a: {  	s1 =	srdreg.scid  }
0x8b: {  	s0 =	sand.u32 $0x1, s1  }
0x8c: {  	s17 =	sshll.u32 s0, $0xA;
	s2 =	sadd.s32 s3, s2  }
0x8d: {  	s2 =	sadd.s32 s2, s17  }
0x8e: {  	[smem:$0x3FBE] =	sst s2  }
0x8f: {  	_ = 	snop  }
0x90: {  	(tm) =	ssettm $0x1  }
0x91: {  	s18 =	sld [smem:$0x3FFB];
	_ =	sdelay $0x3  }
0x92: {  	_ =	strace s18  }
0x93: {  	s2 =	sld [smem:$0x3FFC];
	_ =	sdelay $0x3  }
0x94: {  	_ =	strace s2  }
0x95: {  	s2 =	sld [smem:$0x3FFD];
	_ =	sdelay $0x3  }
0x96: {  	_ =	strace s2  }
0x97: {  	_ =	strace $0x8FFFFFFF  }
0x98: {  	s19 =	sld [smem:$0x3FDB];
	_ =	sdelay $0x1  }
0x99: {  	s20 =	simm.s32 $_scs_section_size  }
0x9a: {  	s4 =	simm.s32 $_size__tile_overlayer_lowered;
	s5 =	simm.s32 $_tile_overlayer_lowered  }
0x9b: {  	s6 =	simm.s32 $0x1BFF;
	s21 =	sshll.u32 s5, $0x1;
	s3 =	sadd.s32 s20, s19  }
0x9c: {  	s22 =	simm.s32 $0x0;
	s4 =	sshll.u32 s4, $0x1;
	s5 =	sadd.s32 s21, s3  }
0x9d: {  	[timem:s22], [sflag:s6] =	dma.local [hbm:s5], s4  }
0x9e: {  	_ =	swait.ge [sflag:s6], s4  }
0x9f: {  	s4 =	ssub.s32 $0x0, s4;
	[sflag:s6] =	ssyncset.done $0x0  }
0xa0: {  	[sflag:s6] =	ssyncadd.s32 s4;
	_ =	sdelay $0x1  }
0xa1: {  	s23 =	simm.s32 $0x1B8B  }
0xa2: {  	_ =	swait.ge [sflag:s23], $0x1  }
0xa3: {  	[sflag:s23] =	ssyncset.done $0x0  }
0xa4: {  	[sflag:s23] =	ssyncadd.s32 $0xFFFFFFFF  }
0xa5: {  	s4 =	sld [smem:$0x0]  }
0xa6: {  	s5 =	sand.u32 $0xFFFFFFFE, s1  }
0xa7: {  	p0 =	sne.s32 s1, s5  }
0xa8: {  	s5 =	sshll.u32 @p0 s5, $0xE  }
0xa9: {  	s5 =	sadd.s32 @p0 $0x11B8D, s5;
	s6 =	sshll.u32 @p0 s4, $0x11  }
0xaa: {  	s5 =	sor.u32 @p0 s6, s5  }
0xab: {  	[sflag:s5] =	ssyncadd.remote.s32 @p0 $0x1;
	_ =	sdelay $0x1  }
0xac: {  	s5 =	simm.s32 @p0 $0x1B8D  }
0xad: {  	_ =	swait.eq @p0 [sflag:s5], $0x1  }
0xae: {  	[sflag:s5] =	ssyncadd.s32 @p0 $0xFFFFFFFF  }
0xaf: {  	s6 =	sshll.u32 @!p0 s1, $0xE  }
0xb0: {  	s6 =	sor.u32 @!p0 $0x4000, s6;
	s5 =	simm.s32 @!p0 $0x1B8D  }
0xb1: {  	s4 =	sshll.u32 @!p0 s4, $0x11;
	s6 =	sadd.s32 @!p0 $0x11B8D, s6;
	_ =	swait.eq @!p0 [sflag:s5], $0x1  }
0xb2: {  	s4 =	sor.u32 @!p0 s4, s6;
	[sflag:s5] =	ssyncadd.s32 @!p0 $0xFFFFFFFF  }
0xb3: {  	s25 =	simm.s32 $0x1B8E;
	s24 =	sld [smem:$0x3FFE];
	[sflag:s4] =	ssyncadd.remote.s32 @!p0 $0x1  }
0xb4: {  	s26 =	simm.s32 $execute0_lowered;
	[smem:$0x3FD2] =	sst s25  }
0xb5: {  	s5 =	sshll.u32 s26, $0x1;
	_ =	strace $0x80000049;
	[dreg:$0x1] =	wrdreg $0xFFFFFFFF  }
0xb6: {  	s28 =	simm.s32 $_size_execute0_lowered;
	s3 =	sadd.s32 s3, s5;
	[dreg:$0x0] =	wrdreg $0x0  }
0xb7: {  	s5 =	sshll.u32 s28, $0x1;
	[dreg:$0x2] =	wrdreg s3  }
0xb8: {  	[dreg:$0x3] =	wrdreg s5  }
0xb9: {  	[dreg:$0x4] =	wrdreg $0xC0  }
0xba: {  	_ =	task [dreg:s22], $0x5FFFF  }
0xbb: {  	[dreg:$0x1] =	wrdreg $0xFFFFFFFF  }
0xbc: {  	[dreg:$0x0] =	wrdreg $0x60  }
0xbd: {  	[dreg:$0x2] =	wrdreg s24  }
0xbe: {  	[dreg:$0x3] =	wrdreg $0x150000  }
0xbf: {  	[dreg:$0x4] =	wrdreg $0xB0000  }
0xc0: {  	[dreg:$0x5] =	wrdreg $0xA  }
0xc1: {  	_ =	task.clear_ibuf [dreg:s22], $0x6FFFF;
	_ =	strace $0x90000049  }
0xc2: {  	s29 =	simm.s32 $0xA;
	_ =	strace $0x8000004B  }
0xc3: {  	_ =	swait.ge [sflag:s29], $0x1  }
0xc4: {  	[sflag:s29] =	ssyncadd.s32 $0xFFFFFFFF  }
0xc5: {  	_ =	strace $0x9000004B  }
0xc6: {  	_ =	sfence  }
0xc7: {  	s30 =	sld [smem:$0x0];
	_ =	sdelay $0x2  }
0xc8: {  	s31 =	sshll.u32 s1, $0xD;
	s1 =	sshrl.u32 s1, $0x2  }
0xc9: {  	s4 =	sand.u32 $0x4000, s31;
	s1 =	sadd.s32 s1, s30  }
0xca: {  	s0 =	sor.u32 s4, s0;
	s1 =	sshll.u32 s1, $0x11  }
0xcb: {  	s0 =	sor.u32 s1, s0  }
0xcc: {  	s0 =	sadd.s32 $0x8F2B, s0  }
0xcd: {  	[sflag:s0] =	ssyncadd.remote.s32 $0x1  }
0xce: {  	_ =	sfence.sel $0xFFFF  }
0xcf: {  	[dreg:$0x0] =	wrdreg $0xFFFFFFFF;
	(pc) =	sbr.abs _section_cstart, $3  }
0xd0: {  	[dreg:$0x1] =	wrdreg $0xFFFFFFFF  }
0xd1: {  	_ =	task.clear_ibuf [dreg:s22], $0x2FFFF;
	_ =	strace $0x9FFFFFFF  }
0xd2: {  	(tm) =	ssettm $0x7FFFFFFF  }
0xd3: {  	_ =	shalt  }
tec
execute0_lowered:
.L_overlay_start_1:
0x0: {  	(tag) =	ssettag $0x1  }
0x1: {  	s0 =	rddreg [dreg:$0x0]  }
0x2: {  	s1 =	rddreg [dreg:$0x1]  }
0x3: {  	s3 =	rddreg [dreg:$0x2];
	s4 =	simm.s32 $0x0  }
0x4: {  	s16 =	stileid.u32;
	s2 =	srdreg.scid;
	s15 =	simm.s32 $0x4  }
0x5: {  	s19 =	simm.s32 $0x1;
	s20 =	simm.s32 $0x8;
	s21 =	simm.s32 $0x10  }
0x6: {  	s22 =	simm.s32 $0x9000;
	s23 =	simm.s32 $0x80;
	s5 =	smul.u32 $0x2710, s16  }
0x7: {  	s28 =	simm.s32 $0x3;
	s31 =	simm.s32 $0x0;
	s7 =	smul.u32 $0x14000, s16  }
0x8: {  	[smem:$0x7FF] =	sst s4;
	s2 =	sand.u32 $0x1, s2;
	s26 =	smul.u32 $0x27100, s16  }
0x9: {  	s6 =	sshll.u32 s16, $0x1;
	s10 =	smul.u32 $0x28000, s16;
	s30 =	sshll.u32 s16, $0x6  }
0xa: {  	_ =	strace $0x8000004A;
	s6 =	sor.u32 s2, s6;
	s25 =	sshll.u32 s2, $0x6  }
0xb: {  	s2 =	ssub.s32 $0x2, s2;
	s17 =	sor.u32 $0x1C04, s30;
	s8 =	sadd.s32 s5, s0  }
0xc: {  	s24 =	smul.u32 $0x500, s6;
	s6 =	sor.u32 s25, s7;
	s9 =	sshrl.u32 s2, $0x1  }
0xd: {  	s7 =	sshrl.u32 s26, $0x2;
	s29 =	sshrl.u32 s10, $0x2;
	s25 =	simm.s32 $0x7000  }
0xe: {  	s26 =	simm.s32 $0x2;
	s6 =	sshrl.u32 s6, $0x3;
	s2 =	ssub.s32 s2, s9  }
0xf: {  	s18 =	sadd.s32 s7, s1;
	s7 =	sadd.s32 s29, s3;
	s8 =	sadd.s32 $0x3E600, s8  }
0x10: {  	s11 =	sadd.s32 s24, s0;
	s0 =	sadd.s32 s6, s0;
	s9 =	sadd.s32 $0x2000, s7  }
0x11: {  	s10 =	sadd.s32 $0x4000, s7;
	s12 =	sadd.s32 $0x8000, s7;
	s14 =	smax.u32 s2, $0x1  }
0x12: {  	s18 =	sshrl.u32 s18, $0x3;
	s24 =	simm.s32 $0x5000;
	s5 =	sadd.s32 $0x34600, s11  }
0x13: {  	v0 =	vimm.f32 $0.0e+00;
	s6 =	sadd.s32 $0x2600, s11;
	s11 =	sadd.s32 $0x6000, s7;
	s13 =	sadd.s32 $0x65800, s0  }
.LBB2_1:
0x14: {  	[tilespmem:s4], [sflag:$0x4] =	stream.linear.gather [hbm4b:s5+s4], $0x2800, $0x38;
	[tilespmem:$0x1F000] =	vst v63  }
0x15: {  	_ =	swait.ge [sflag:s15], $0x2800  }
0x16: {  	[sflag:s15] =	ssyncset.done $0x0  }
0x17: {  	s0 =	simm.s32 $0x2800;
	[sflag:s15] =	ssyncadd.s32 $0xFFFFD800  }
0x18: {  	[tilespmem:s0], [sflag:$0x4] =	stream.linear.gather [hbm4b:s6+s4], $0x2800, $0x38;
	[tilespmem:$0x1F000] =	vst v63  }
0x19: {  	_ =	swait.ge [sflag:s15], $0x2800  }
0x1a: {  	[sflag:s15] =	ssyncset.done $0x0  }
0x1b: {  	[sflag:s15] =	ssyncadd.s32 $0xFFFFD800  }
0x1c: {  	[spmem:s18@s20], [sflag:s17] =	dma.strided [hbm:s8@s21], $0x1388, s19, $0x8   }
0x1d: {  	_ =	swait.ge [sflag:s15], $0x1388  }
0x1e: {  	[sflag:s15] =	ssyncset.done $0x0  }
0x1f: {  	s2 =	simm.s32 $0x100;
	s0 =	simm.s32 $0x0;
	[sflag:s15] =	ssyncadd.s32 $0xFFFFEC78  }
.LBB2_2:
0x20: {  	p0 =	sne.s32 s2, $0x7F00;
	[tilespmem:s0+$0x9030] =	vst v0;
	s16 =	smov.u32 s2;
	s2 =	sadd.s32 $0x100, s2  }
.Ltmp0:
0x21: {  	[tilespmem:s0+$0x9020] =	vst v0;
	(pc) =	sbr.rel @p0 .LBB2_2-.Ltmp0, $3  }
0x22: {  	[tilespmem:s0+$0x9000] =	vst v0  }
0x23: {  	[tilespmem:s0+$0x9010] =	vst v0;
	_ =	sdelay $0x1  }
0x24: {  	s0 =	sshra.s32 s16, $0x2  }
0x25: {  	[tilespmem:s0+$0x9030] =	vst v0  }
0x26: {  	[tilespmem:s0+$0x9020] =	vst v0  }
0x27: {  	[tilespmem:s0+$0x9000] =	vst v0  }
0x28: {  	[tilespmem:s0+$0x9010] =	vst v0  }
0x29: {  	[spmem:s7] =	stream.linear.scatter [tilespmem:s22], [sflag:$0x4], $0x2000, $0x38;
	[tilespmem:$0x1F000] =	vst v63  }
0x2a: {  	_ =	swait.ge [sflag:s15], $0x2000  }
0x2b: {  	[sflag:s15] =	ssyncset.done $0x0  }
0x2c: {  	[sflag:s15] =	ssyncadd.s32 $0xFFFFE000  }
0x2d: {  	[spmem:s9] =	stream.linear.scatter [tilespmem:s22], [sflag:$0x4], $0x2000, $0x38;
	[tilespmem:$0x1F000] =	vst v63  }
0x2e: {  	_ =	swait.ge [sflag:s15], $0x2000  }
0x2f: {  	[sflag:s15] =	ssyncset.done $0x0  }
0x30: {  	[sflag:s15] =	ssyncadd.s32 $0xFFFFE000  }
0x31: {  	[spmem:s10] =	stream.linear.scatter [tilespmem:s22], [sflag:$0x4], $0x2000, $0x38;
	[tilespmem:$0x1F000] =	vst v63  }
0x32: {  	_ =	swait.ge [sflag:s15], $0x2000  }
0x33: {  	[sflag:s15] =	ssyncset.done $0x0  }
0x34: {  	[sflag:s15] =	ssyncadd.s32 $0xFFFFE000  }
0x35: {  	[spmem:s11] =	stream.linear.scatter [tilespmem:s22], [sflag:$0x4], $0x2000, $0x38;
	[tilespmem:$0x1F000] =	vst v63  }
0x36: {  	_ =	swait.ge [sflag:s15], $0x2000  }
0x37: {  	[sflag:s15] =	ssyncset.done $0x0  }
0x38: {  	[sflag:s15] =	ssyncadd.s32 $0xFFFFE000  }
0x39: {  	[spmem:s12] =	stream.linear.scatter [tilespmem:s22], [sflag:$0x4], $0x2000, $0x38;
	[tilespmem:$0x1F000] =	vst v63  }
0x3a: {  	_ =	swait.ge [sflag:s15], $0x2000  }
0x3b: {  	[sflag:s15] =	ssyncset.done $0x0  }
0x3c: {  	[sflag:s15] =	ssyncadd.s32 $0xFFFFE000  }
0x3d: {  	s16 =	simm.s32 $0x0;
	[bflag:$0x0] =	sbarrier.arrive $0xFFFF  }
0x3e: {  	[tilespmem:s24], [sflag:$0x1] =	stream.indirect.gather [spmem:s1], $0x40, s16, s23, $0xb8;
	[tilespmem:$0x1F000] =	vst v63  }
0x3f: {  	_ = 	snop  }
0x40: {  	[tilespmem:s25], [sflag:$0x2] =	stream.indirect.gather [spmem:s1], $0x40, s23, s23, $0xb8;
	[tilespmem:$0x1F000] =	vst v63  }
0x41: {  	s29 =	simm.s32 $0x100  }
0x42: {  	[tilespmem:s22], [sflag:$0x3] =	stream.indirect.gather [spmem:s1], $0x40, s29, s23, $0xb8;
	[tilespmem:$0x1F000] =	vst v63  }
0x43: {  	_ =	swait.ge [sflag:s19], $0x2000  }
0x44: {  	[sflag:s19] =	ssyncset.done $0x0  }
0x45: {  	s30 =	simm.s32 $0x2800;
	[sflag:s19] =	ssyncadd.s32 $0xFFFFE000  }
0x46: {  	[spmem:s3] =	stream.indirect.scatter.add.f32 [tilespmem:s24], [sflag:$0x4], $0x40, s30, s23, $0xb8;
	[tilespmem:$0x1F000] =	vst v63  }
0x47: {  	_ =	swait.ge [sflag:s15], $0x2000  }
0x48: {  	[sflag:s15] =	ssyncset.done $0x0  }
0x49: {  	s2 =	simm.s32 $0x180;
	[sflag:s15] =	ssyncadd.s32 $0xFFFFE000  }
0x4a: {  	[tilespmem:s24], [sflag:$0x1] =	stream.indirect.gather [spmem:s1], $0x40, s2, s23, $0xb8;
	[tilespmem:$0x1F000] =	vst v63  }
0x4b: {  	_ =	swait.ge [sflag:s26], $0x2000  }
0x4c: {  	[sflag:s26] =	ssyncset.done $0x0  }
0x4d: {  	s16 =	simm.s32 $0x2880;
	[sflag:s26] =	ssyncadd.s32 $0xFFFFE000  }
0x4e: {  	[spmem:s3] =	stream.indirect.scatter.add.f32 [tilespmem:s25], [sflag:$0x4], $0x40, s16, s23, $0xb8;
	[tilespmem:$0x1F000] =	vst v63  }
0x4f: {  	_ =	swait.ge [sflag:s15], $0x2000  }
0x50: {  	[sflag:s15] =	ssyncset.done $0x0  }
0x51: {  	s29 =	simm.s32 $0x200;
	[sflag:s15] =	ssyncadd.s32 $0xFFFFE000  }
0x52: {  	[tilespmem:s25], [sflag:$0x2] =	stream.indirect.gather [spmem:s1], $0x40, s29, s23, $0xb8;
	[tilespmem:$0x1F000] =	vst v63  }
0x53: {  	_ =	swait.ge [sflag:s28], $0x2000  }
0x54: {  	[sflag:s28] =	ssyncset.done $0x0  }
0x55: {  	s30 =	simm.s32 $0x2900;
	[sflag:s28] =	ssyncadd.s32 $0xFFFFE000  }
0x56: {  	[spmem:s3] =	stream.indirect.scatter.add.f32 [tilespmem:s22], [sflag:$0x4], $0x40, s30, s23, $0xb8;
	[tilespmem:$0x1F000] =	vst v63  }
0x57: {  	_ =	swait.ge [sflag:s15], $0x2000  }
0x58: {  	s0 =	simm.s32 $0x180;
	s2 =	simm.s32 $0xC00;
	[sflag:s15] =	ssyncset.done $0x0  }
.LBB2_4:
0x59: {  	s16 =	sadd.s32 $0x100, s0  }
0x5a: {  	[sflag:s15] =	ssyncadd.s32 $0xFFFFE000;
	s29 =	smov.u32 s2;
	s30 =	sadd.s32 $0x600, s2  }
0x5b: {  	[tilespmem:s22], [sflag:$0x3] =	stream.indirect.gather [spmem:s1], $0x40, s16, s23, $0xb8;
	[tilespmem:$0x1F000] =	vst v63  }
0x5c: {  	p0 =	sne.s32 s2, $0x9600;
	_ =	swait.ge [sflag:s19], $0x2000  }
0x5d: {  	[sflag:s19] =	ssyncset.done $0x0  }
0x5e: {  	s2 =	sadd.s32 $0x2800, s0;
	[sflag:s19] =	ssyncadd.s32 $0xFFFFE000  }
0x5f: {  	[spmem:s3] =	stream.indirect.scatter.add.f32 [tilespmem:s24], [sflag:$0x4], $0x40, s2, s23, $0xb8;
	[tilespmem:$0x1F000] =	vst v63  }
0x60: {  	_ =	swait.ge [sflag:s15], $0x2000  }
0x61: {  	[sflag:s15] =	ssyncset.done $0x0  }
0x62: {  	s2 =	sadd.s32 $0x180, s0;
	[sflag:s15] =	ssyncadd.s32 $0xFFFFE000  }
0x63: {  	[tilespmem:s24], [sflag:$0x1] =	stream.indirect.gather [spmem:s1], $0x40, s2, s23, $0xb8;
	[tilespmem:$0x1F000] =	vst v63  }
0x64: {  	_ =	swait.ge [sflag:s26], $0x2000  }
0x65: {  	[sflag:s26] =	ssyncset.done $0x0  }
0x66: {  	s2 =	sadd.s32 $0x2880, s0;
	[sflag:s26] =	ssyncadd.s32 $0xFFFFE000  }
0x67: {  	[spmem:s3] =	stream.indirect.scatter.add.f32 [tilespmem:s25], [sflag:$0x4], $0x40, s2, s23, $0xb8;
	[tilespmem:$0x1F000] =	vst v63  }
0x68: {  	_ =	swait.ge [sflag:s15], $0x2000  }
0x69: {  	[sflag:s15] =	ssyncset.done $0x0  }
0x6a: {  	s2 =	sadd.s32 $0x200, s0;
	[sflag:s15] =	ssyncadd.s32 $0xFFFFE000  }
0x6b: {  	[tilespmem:s25], [sflag:$0x2] =	stream.indirect.gather [spmem:s1], $0x40, s2, s23, $0xb8;
	[tilespmem:$0x1F000] =	vst v63  }
0x6c: {  	_ =	swait.ge [sflag:s28], $0x2000  }
.Ltmp1:
0x6d: {  	[sflag:s28] =	ssyncset.done $0x0;
	(pc) =	sbr.rel @p0 .LBB2_4-.Ltmp1, $4  }
0x6e: {  	s0 =	sadd.s32 $0x2900, s0;
	[sflag:s28] =	ssyncadd.s32 $0xFFFFE000  }
0x6f: {  	[spmem:s3] =	stream.indirect.scatter.add.f32 [tilespmem:s22], [sflag:$0x4], $0x40, s0, s23, $0xb8;
	[tilespmem:$0x1F000] =	vst v63  }
0x70: {  	_ =	swait.ge [sflag:s15], $0x2000  }
0x71: {  	s2 =	smov.u32 s30;
	s0 =	sshra.s32 s29, $0x2;
	[sflag:s15] =	ssyncset.done $0x0  }
0x72: {  	s2 =	sadd.s32 $0x100, s0;
	[sflag:s15] =	ssyncadd.s32 $0xFFFFE000  }
0x73: {  	[tilespmem:s22], [sflag:$0x3] =	stream.indirect.gather [spmem:s1], $0x40, s2, s23, $0xb8;
	[tilespmem:$0x1F000] =	vst v63  }
0x74: {  	_ =	swait.ge [sflag:s19], $0x2000  }
0x75: {  	[sflag:s19] =	ssyncset.done $0x0  }
0x76: {  	s30 =	sadd.s32 $0x2800, s0;
	[sflag:s19] =	ssyncadd.s32 $0xFFFFE000  }
0x77: {  	[spmem:s3] =	stream.indirect.scatter.add.f32 [tilespmem:s24], [sflag:$0x4], $0x40, s30, s23, $0xb8;
	[tilespmem:$0x1F000] =	vst v63  }
0x78: {  	_ =	swait.ge [sflag:s15], $0x2000  }
0x79: {  	[sflag:s15] =	ssyncset.done $0x0  }
0x7a: {  	s16 =	sadd.s32 $0x180, s0;
	[sflag:s15] =	ssyncadd.s32 $0xFFFFE000  }
0x7b: {  	[tilespmem:s24], [sflag:$0x1] =	stream.indirect.gather [spmem:s1], $0x40, s16, s23, $0xb8;
	[tilespmem:$0x1F000] =	vst v63  }
0x7c: {  	_ =	swait.ge [sflag:s26], $0x2000  }
0x7d: {  	[sflag:s26] =	ssyncset.done $0x0  }
0x7e: {  	s29 =	sadd.s32 $0x2880, s0;
	[sflag:s26] =	ssyncadd.s32 $0xFFFFE000  }
0x7f: {  	[spmem:s3] =	stream.indirect.scatter.add.f32 [tilespmem:s25], [sflag:$0x4], $0x40, s29, s23, $0xb8;
	[tilespmem:$0x1F000] =	vst v63  }
0x80: {  	_ =	swait.ge [sflag:s15], $0x2000  }
0x81: {  	[sflag:s15] =	ssyncset.done $0x0  }
0x82: {  	s30 =	sadd.s32 $0x200, s0;
	[sflag:s15] =	ssyncadd.s32 $0xFFFFE000  }
0x83: {  	[tilespmem:s25], [sflag:$0x2] =	stream.indirect.gather [spmem:s1], $0x40, s30, s23, $0xb8;
	[tilespmem:$0x1F000] =	vst v63  }
0x84: {  	_ =	swait.ge [sflag:s28], $0x2000  }
0x85: {  	[sflag:s28] =	ssyncset.done $0x0  }
0x86: {  	s2 =	sadd.s32 $0x2900, s0;
	[sflag:s28] =	ssyncadd.s32 $0xFFFFE000  }
0x87: {  	[spmem:s3] =	stream.indirect.scatter.add.f32 [tilespmem:s22], [sflag:$0x4], $0x40, s2, s23, $0xb8;
	[tilespmem:$0x1F000] =	vst v63  }
0x88: {  	_ =	swait.ge [sflag:s15], $0x2000  }
0x89: {  	[sflag:s15] =	ssyncset.done $0x0  }
0x8a: {  	[sflag:s15] =	ssyncadd.s32 $0xFFFFE000  }
0x8b: {  	_ =	swait.ge [sflag:s19], $0x2000  }
0x8c: {  	[sflag:s19] =	ssyncset.done $0x0  }
0x8d: {  	s16 =	simm.s32 $0x4F00;
	[sflag:s19] =	ssyncadd.s32 $0xFFFFE000  }
0x8e: {  	[spmem:s3] =	stream.indirect.scatter.add.f32 [tilespmem:s24], [sflag:$0x4], $0x40, s16, s23, $0xb8;
	[tilespmem:$0x1F000] =	vst v63  }
0x8f: {  	_ =	swait.ge [sflag:s15], $0x2000  }
0x90: {  	[sflag:s15] =	ssyncset.done $0x0  }
0x91: {  	[sflag:s15] =	ssyncadd.s32 $0xFFFFE000  }
0x92: {  	_ =	swait.ge [sflag:s26], $0x2000  }
0x93: {  	[sflag:s26] =	ssyncset.done $0x0  }
0x94: {  	s29 =	simm.s32 $0x4F80;
	[sflag:s26] =	ssyncadd.s32 $0xFFFFE000  }
0x95: {  	[spmem:s3] =	stream.indirect.scatter.add.f32 [tilespmem:s25], [sflag:$0x4], $0x40, s29, s23, $0xb8;
	[tilespmem:$0x1F000] =	vst v63  }
0x96: {  	_ =	swait.ge [sflag:s15], $0x2000  }
0x97: {  	s31 =	sadd.s32 $0x1, s31;
	[sflag:s15] =	ssyncset.done $0x0  }
0x98: {  	p0 =	sne.s32 s31, s14;
	[sflag:s15] =	ssyncadd.s32 $0xFFFFE000  }
.Ltmp2:
0x99: {  	s30 =	sshrl.u32 s7, $0x3;
	[bflag:$0x0] =	sbarrier.arrive $0xFFFF;
	(pc) =	sbr.rel @p0 .LBB2_1-.Ltmp2, $4  }
0x9a: {  	[hbm:s13@s21], [sflag:s17] =	dma.strided [spmem:s30@s20], $0x1400, s19, $0x8   }
0x9b: {  	_ =	swait.ge [sflag:s15], $0x1400  }
0x9c: {  	[sflag:s15] =	ssyncset.done $0x0  }
0x9d: {  	[sflag:s15] =	ssyncadd.s32 $0xFFFFEC00  }
0x9e: {  	_ =	sfence.sel $0x180000  }
0x9f: {  	[bflag:$0x0] =	sbarrier.arrive $0xFFFF  }
0xa0: {  	_ =	strace $0x9000004A  }
0xa1: {  	s0 =	stileid.u32;
	[bflag:$0x2] =	sbarrier.arrive $0xFFFF  }
0xa2: {  	p0 =	sne.s32 s0, $0x0;
	s0 =	rddreg [dreg:$0x3]  }
0xa3: {  	s0 =	sadd.s32 @!p0 $0x100000, s0  }
0xa4: {  	[sflag:s0] =	ssyncadd.tile.s32 @!p0 $0x1;
	_ =	shalt  }
.Lfunc_end2:
_tile_overlayer_lowered:
.L_overlay_start_2:
0xa5: {  	(tag) =	ssettag $0x2  }
0xa6: {  	s0 =	rddreg [dreg:$0x0];
	s2 =	stileid.u32  }
0xa7: {  	s1 =	rddreg [dreg:$0x1];
	p0 =	sne.s32 s2, $0x0  }
0xa8: {  	s3 =	rddreg [dreg:$0x2];
	[bflag:$0x3] =	sbarrier.arrive $0xFFFF;
	s2 =	simm.s32 @!p0 $0x1C04  }
0xa9: {  	[timem:s3], [sflag:s2] =	dma.local @!p0 [hbm:s0], s1  }
0xaa: {  	s0 =	simm.s32 @!p0 $0x4  }
0xab: {  	_ =	swait.ge @!p0 [sflag:s0], s1  }
0xac: {  	s1 =	ssub.s32 @!p0 $0x0, s1;
	[sflag:s0] =	ssyncset.done @!p0 $0x0  }
0xad: {  	[sflag:s0] =	ssyncadd.s32 @!p0 s1  }
0xae: {  	[bflag:$0x3] =	sbarrier.arrive $0xFFFF  }
0xaf: {  	_ =	shalt  }

// kernel: kernel.14.cloned.1.call-start
scs
__scs_entry_jumppad:
0x0: {  	(pc) =	sbr.rel $0x88, $3  }
0x1: {  	(tag) =	ssettag $0x0;
	lr =	simm.s32 $0x1  }
0x2: {  	[smem:$0x3F97] =	sst lr;
	_ =	strace $0xD0000000  }
0x3: {  	_ = 	snop  }
0x4: {  	_ = 	snop  }
0x5: {  	_ = 	snop  }
0x6: {  	_ = 	snop  }
0x7: {  	_ = 	snop  }
__scs_overlays_trampoline_lowered:
0x8: {  	[smem:$0x3FA6] =	sst s0  }
0x9: {  	[smem:$0x3FA7] =	sst s1  }
0xa: {  	[smem:$0x3FA8] =	sst s2  }
0xb: {  	[smem:$0x3FA9] =	sst s3  }
0xc: {  	[smem:$0x3FAA] =	sst s4  }
0xd: {  	[smem:$0x3FAB] =	sst s5  }
0xe: {  	[smem:$0x3FAC] =	sst s6  }
0xf: {  	[smem:$0x3FAD] =	sst s7  }
0x10: {  	[smem:$0x3FAE] =	sst s8  }
0x11: {  	[smem:$0x3FAF] =	sst s9;
	s0 =	simm.s32 @!p0 $0x0  }
0x12: {  	s1 =	sld [smem:$0x3F95];
	s0 =	simm.s32 @p0 $0x1  }
0x13: {  	[smem:$0x3FB0] =	sst s0;
	s0 =	simm.s32 @!p1 $0x0  }
0x14: {  	s2 =	sld [smem:$0x3F94];
	s0 =	simm.s32 @p1 $0x1  }
0x15: {  	[smem:$0x3FB1] =	sst s0;
	s0 =	simm.s32 @!p2 $0x0  }
0x16: {  	s3 =	sld [smem:$0x3FDB];
	s0 =	simm.s32 @p2 $0x1  }
0x17: {  	s4 =	simm.s32 $0x1BF5;
	[smem:$0x3FB3] =	sst s0  }
0x18: {  	s0 =	sld [smem:$0x3F96];
	_ =	swait.ge [sflag:s4], $0x0  }
0x19: {  	s7 =	sld [smem:$0x3F97]  }
0x1a: {  	s8 =	sadd.s32 $0xFFFFE003, lr  }
0x1b: {  	s9 =	sadd.s32 $0xFFFFFEF7, lr;
	s5 =	simm.s32 $0xFFFFFFFF;
	p2 =	slt.u32 s8, $0xFFFFF086  }
0x1c: {  	p1 =	slt.u32 s9, $0xF7A;
	s5 =	simm.s32 @!p2 $0x0  }
0x1d: {  	s5 =	simm.s32 @p1 $0x1;
	p0 =	seq.s32 s7, s2  }
0x1e: {  	s7 =	smul.u32 @!p0 $0xF7A, s2;
	p2 =	seq.s32 @!p0 s5, $0x0  }
0x1f: {  	s9 =	smul.u32 $0xF7A, s1;
	s8 =	simm.s32 @!p0 $0x1BF5;
	p2 =	por !p2, p0  }
0x20: {  	[sflag:s8] =	ssyncset.s32 @!p0 $0xFFFFF086;
	s6 =	sadd.s32 @!p0 s3, s7;
	s7 =	simm.s32 @!p0 $0x108  }
0x21: {  	s3 =	sadd.s32 s3, s9;
	s6 =	sadd.s32 @!p0 $0x88, s6;
	s7 =	simm.s32 @p2 $0x1082  }
0x22: {  	[simem:s7], [sflag:s8] =	dma.local @!p0 [hbm:s6], $0xF7A  }
0x23: {  	s9 =	sor.u32 $0xD0000000, s2;
	s6 =	simm.s32 $0x108;
	_ =	swait.ge @!p0 [sflag:s8], $0x0  }
0x24: {  	s3 =	sadd.s32 $0x88, s3;
	s6 =	simm.s32 @!p1 $0x1082;
	[sflag:s4] =	ssyncset.s32 $0xFFFFF086  }
0x25: {  	[simem:s6], [sflag:s4] =	dma.local [hbm:s3], $0xF7A  }
0x26: {  	[smem:$0x3F97] =	sst s1;
	(tag) =	ssettag s2;
	_ =	strace s9  }
0x27: {  	s1 =	sld [smem:$0x3FA7]  }
0x28: {  	s2 =	sld [smem:$0x3FA8]  }
0x29: {  	s4 =	sld [smem:$0x3FAA]  }
0x2a: {  	p0 =	seq.s32 s5, $0x0;
	s5 =	sld [smem:$0x3FAB]  }
0x2b: {  	s6 =	sld [smem:$0x3FAC]  }
0x2c: {  	s7 =	sld [smem:$0x3FAD]  }
0x2d: {  	s3 =	simm.s32 $0x108;
	s8 =	sld [smem:$0x3FAE]  }
0x2e: {  	s3 =	simm.s32 @!p0 $0x1082;
	s9 =	sld [smem:$0x3FAF]  }
0x2f: {  	lr =	sadd.s32 s0, s3;
	s0 =	sld [smem:$0x3FA6]  }
0x30: {  	s3 =	sld [smem:$0x3FA9]  }
0x31: {  	[smem:$0x3FB2] =	sst s10  }
0x32: {  	s10 =	sld [smem:$0x3FB0];
	_ =	sdelay $0x3  }
0x33: {  	p0 =	seq.s32 s10, $0x1;
	s10 =	sld [smem:$0x3FB2];
	_ =	sdelay $0x3  }
0x34: {  	[smem:$0x3FB2] =	sst s10  }
0x35: {  	s10 =	sld [smem:$0x3FB1];
	_ =	sdelay $0x3  }
0x36: {  	p1 =	seq.s32 s10, $0x1;
	s10 =	sld [smem:$0x3FB2];
	_ =	sdelay $0x3  }
0x37: {  	[smem:$0x3FB2] =	sst s10  }
0x38: {  	s10 =	sld [smem:$0x3FB3]  }
0x39: {  	_ = 	snop;
	(pc) =	sbr.ind lr, $3  }
0x3a: {  	_ = 	snop  }
0x3b: {  	_ = 	snop  }
0x3c: {  	p2 =	seq.s32 s10, $0x1;
	s10 =	sld [smem:$0x3FB2]  }
0x3d: {  	_ =	shalt  }
0x3e: {  	_ =	shalt  }
0x3f: {  	_ =	shalt  }
0x40: {  	_ =	shalt  }
0x41: {  	_ =	shalt  }
0x42: {  	_ =	shalt  }
0x43: {  	_ =	shalt  }
0x44: {  	_ =	shalt  }
0x45: {  	_ =	shalt  }
0x46: {  	_ =	shalt  }
0x47: {  	_ =	shalt  }
0x48: {  	_ =	shalt  }
0x49: {  	_ =	shalt  }
0x4a: {  	_ =	shalt  }
0x4b: {  	_ =	shalt  }
0x4c: {  	_ =	shalt  }
0x4d: {  	_ =	shalt  }
0x4e: {  	_ =	shalt  }
0x4f: {  	_ =	shalt  }
0x50: {  	_ =	shalt  }
0x51: {  	_ =	shalt  }
0x52: {  	_ =	shalt  }
0x53: {  	_ =	shalt  }
0x54: {  	_ =	shalt  }
0x55: {  	_ =	shalt  }
0x56: {  	_ =	shalt  }
0x57: {  	_ =	shalt  }
0x58: {  	_ =	shalt  }
0x59: {  	_ =	shalt  }
0x5a: {  	_ =	shalt  }
0x5b: {  	_ =	shalt  }
0x5c: {  	_ =	shalt  }
0x5d: {  	_ =	shalt  }
0x5e: {  	_ =	shalt  }
0x5f: {  	_ =	shalt  }
0x60: {  	_ =	shalt  }
0x61: {  	_ =	shalt  }
0x62: {  	_ =	shalt  }
0x63: {  	_ =	shalt  }
0x64: {  	_ =	shalt  }
0x65: {  	_ =	shalt  }
0x66: {  	_ =	shalt  }
0x67: {  	_ =	shalt  }
0x68: {  	_ =	shalt  }
0x69: {  	_ =	shalt  }
0x6a: {  	_ =	shalt  }
0x6b: {  	_ =	shalt  }
0x6c: {  	_ =	shalt  }
0x6d: {  	_ =	shalt  }
0x6e: {  	_ =	shalt  }
0x6f: {  	_ =	shalt  }
0x70: {  	_ =	shalt  }
0x71: {  	_ =	shalt  }
0x72: {  	_ =	shalt  }
0x73: {  	_ =	shalt  }
0x74: {  	_ =	shalt  }
0x75: {  	_ =	shalt  }
0x76: {  	_ =	shalt  }
0x77: {  	_ =	shalt  }
0x78: {  	_ =	shalt  }
0x79: {  	_ =	shalt  }
0x7a: {  	_ =	shalt  }
0x7b: {  	_ =	shalt  }
0x7c: {  	_ =	shalt  }
0x7d: {  	_ =	shalt  }
0x7e: {  	_ =	shalt  }
0x7f: {  	_ =	shalt  }
0x80: {  	_ =	shalt  }
0x81: {  	_ =	shalt  }
0x82: {  	_ =	shalt  }
0x83: {  	_ =	shalt  }
0x84: {  	_ =	shalt  }
0x85: {  	_ =	shalt  }
0x86: {  	_ =	shalt  }
0x87: {  	_ =	shalt  }
.Lfunc_end0:
.L_simem_size_0:
called_computation.2_lowered:
.L_overlay_start_0:
0x88: {  	s2 =	sld [smem:$0x3FD9]  }
0x89: {  	s3 =	sld [smem:$0x3FFE];
	_ =	sdelay $0x1  }
0x8a: {  	s1 =	srdreg.scid  }
0x8b: {  	s0 =	sand.u32 $0x1, s1  }
0x8c: {  	s16 =	sshll.u32 s0, $0xA;
	s2 =	sadd.s32 s3, s2  }
0x8d: {  	s2 =	sadd.s32 s2, s16  }
0x8e: {  	[smem:$0x3FBE] =	sst s2  }
0x8f: {  	_ = 	snop  }
0x90: {  	(tm) =	ssettm $0x1  }
0x91: {  	s17 =	sld [smem:$0x3FFB];
	_ =	sdelay $0x3  }
0x92: {  	_ =	strace s17  }
0x93: {  	s2 =	sld [smem:$0x3FFC];
	_ =	sdelay $0x3  }
0x94: {  	_ =	strace s2  }
0x95: {  	s2 =	sld [smem:$0x3FFD];
	_ =	sdelay $0x3  }
0x96: {  	_ =	strace s2  }
0x97: {  	_ =	strace $0x8FFFFFFF  }
0x98: {  	s18 =	sld [smem:$0x3FDB];
	_ =	sdelay $0x1  }
0x99: {  	s19 =	simm.s32 $_scs_section_size  }
0x9a: {  	s4 =	simm.s32 $_size__tile_overlayer_lowered;
	s5 =	simm.s32 $_tile_overlayer_lowered  }
0x9b: {  	s22 =	simm.s32 $0x1BFF;
	s21 =	sshll.u32 s5, $0x1;
	s2 =	sadd.s32 s19, s18  }
0x9c: {  	s6 =	simm.s32 $0x0;
	s20 =	sshll.u32 s4, $0x1;
	s4 =	sadd.s32 s21, s2  }
0x9d: {  	[timem:s6], [sflag:s22] =	dma.local [hbm:s4], s20  }
0x9e: {  	_ =	swait.ge [sflag:s22], s20  }
0x9f: {  	s3 =	ssub.s32 $0x0, s20;
	[sflag:s22] =	ssyncset.done $0x0  }
0xa0: {  	[sflag:s22] =	ssyncadd.s32 s3;
	_ =	sdelay $0x1  }
0xa1: {  	s23 =	simm.s32 $0x1B8B  }
0xa2: {  	_ =	swait.ge [sflag:s23], $0x1  }
0xa3: {  	[sflag:s23] =	ssyncset.done $0x0  }
0xa4: {  	s25 =	simm.s32 $0x1B8E;
	s24 =	sld [smem:$0x3FFE];
	[sflag:s23] =	ssyncadd.s32 $0xFFFFFFFF  }
0xa5: {  	s26 =	simm.s32 $execute0_lowered;
	[smem:$0x3FD2] =	sst s25  }
0xa6: {  	s4 =	sshll.u32 s26, $0x1;
	_ =	strace $0x8000004C;
	[dreg:$0x1] =	wrdreg $0xFFFFFFFF  }
0xa7: {  	s28 =	simm.s32 $_size_execute0_lowered;
	s2 =	sadd.s32 s2, s4;
	[dreg:$0x0] =	wrdreg $0x0  }
0xa8: {  	s4 =	sshll.u32 s28, $0x1;
	[dreg:$0x2] =	wrdreg s2  }
0xa9: {  	[dreg:$0x3] =	wrdreg s4  }
0xaa: {  	[dreg:$0x4] =	wrdreg $0xC0  }
0xab: {  	_ =	task [dreg:s6], $0x5FFFF  }
0xac: {  	[dreg:$0x1] =	wrdreg $0xFFFFFFFF  }
0xad: {  	[dreg:$0x0] =	wrdreg $0x60  }
0xae: {  	[dreg:$0x2] =	wrdreg s24  }
0xaf: {  	[dreg:$0x3] =	wrdreg $0xD0000  }
0xb0: {  	[dreg:$0x4] =	wrdreg $0x80000  }
0xb1: {  	[dreg:$0x5] =	wrdreg $0x9  }
0xb2: {  	_ =	task.clear_ibuf [dreg:s6], $0x6FFFF;
	_ =	strace $0x9000004C  }
0xb3: {  	s29 =	simm.s32 $0x9;
	_ =	strace $0x8000004E  }
0xb4: {  	_ =	swait.ge [sflag:s29], $0x1  }
0xb5: {  	[sflag:s29] =	ssyncadd.s32 $0xFFFFFFFF  }
0xb6: {  	_ =	strace $0x9000004E  }
0xb7: {  	_ =	sfence  }
0xb8: {  	s30 =	sld [smem:$0x0];
	_ =	sdelay $0x2  }
0xb9: {  	s31 =	sshll.u32 s1, $0xD;
	s1 =	sshrl.u32 s1, $0x2  }
0xba: {  	s3 =	sand.u32 $0x4000, s31;
	s1 =	sadd.s32 s1, s30  }
0xbb: {  	s0 =	sor.u32 s3, s0;
	s1 =	sshll.u32 s1, $0x11  }
0xbc: {  	s0 =	sor.u32 s1, s0  }
0xbd: {  	s0 =	sadd.s32 $0x8F2B, s0  }
0xbe: {  	[sflag:s0] =	ssyncadd.remote.s32 $0x1  }
0xbf: {  	_ =	sfence.sel $0xFFFF  }
0xc0: {  	[dreg:$0x0] =	wrdreg $0xFFFFFFFF;
	(pc) =	sbr.abs _section_cstart, $3  }
0xc1: {  	[dreg:$0x1] =	wrdreg $0xFFFFFFFF  }
0xc2: {  	_ =	task.clear_ibuf [dreg:s6], $0x2FFFF;
	_ =	strace $0x9FFFFFFF  }
0xc3: {  	(tm) =	ssettm $0x7FFFFFFF  }
tec
execute0_lowered:
.L_overlay_start_1:
0x0: {  	(tag) =	ssettag $0x1  }
0x1: {  	s0 =	rddreg [dreg:$0x0]  }
0x2: {  	s2 =	rddreg [dreg:$0x1]  }
0x3: {  	s3 =	rddreg [dreg:$0x2]  }
0x4: {  	s1 =	stileid.u32;
	s4 =	srdreg.scid;
	s15 =	simm.s32 $0x4  }
0x5: {  	s19 =	simm.s32 $0x1;
	s20 =	simm.s32 $0x10;
	s21 =	simm.s32 $0x7000  }
0x6: {  	s22 =	simm.s32 $0x80;
	s23 =	simm.s32 $0x5000;
	s24 =	simm.s32 $0x6000  }
0x7: {  	s29 =	simm.s32 $0x4F80;
	s30 =	simm.s32 $0x0;
	s5 =	smul.u32 $0x2710, s1  }
0x8: {  	s6 =	sand.u32 $0x1, s4;
	s7 =	sshll.u32 s1, $0x1;
	s8 =	smul.u32 $0x14000, s1  }
0x9: {  	s4 =	simm.s32 $0x0;
	s28 =	smul.u32 $0x13880, s1;
	s31 =	sshll.u32 s1, $0x6  }
0xa: {  	s7 =	sor.u32 s6, s7;
	[smem:$0x7FF] =	sst s4;
	s9 =	sshll.u32 s6, $0x5  }
0xb: {  	s6 =	ssub.s32 $0x2, s6;
	s17 =	sor.u32 $0x1C04, s31;
	s7 =	smul.u32 $0x500, s7  }
0xc: {  	_ =	strace $0x8000004D;
	s10 =	sadd.s32 s5, s0;
	s25 =	sor.u32 s9, s8  }
0xd: {  	s26 =	sshrl.u32 s6, $0x1;
	s8 =	sshrl.u32 s8, $0x2;
	s9 =	sshrl.u32 s28, $0x2  }
0xe: {  	s5 =	sshrl.u32 s25, $0x3;
	s14 =	ssub.s32 s6, s26;
	s18 =	sadd.s32 s9, s2  }
0xf: {  	s25 =	simm.s32 $0x2;
	s26 =	simm.s32 $0x3;
	s7 =	sadd.s32 s7, s0  }
0x10: {  	s0 =	sadd.s32 s5, s0;
	s14 =	smax.u32 s14, $0x1;
	s18 =	sshrl.u32 s18, $0x3  }
0x11: {  	s5 =	sadd.s32 $0x34600, s7;
	s6 =	sadd.s32 $0x2600, s7;
	s7 =	sadd.s32 s8, s3  }
0x12: {  	s8 =	sadd.s32 $0xC600, s10;
	s13 =	sadd.s32 $0x3E600, s0;
	s9 =	sadd.s32 $0x1000, s7  }
0x13: {  	v0 =	vimm.f32 $0.0e+00;
	s10 =	sadd.s32 $0x2000, s7;
	s11 =	sadd.s32 $0x3000, s7;
	s12 =	sadd.s32 $0x4000, s7  }
.LBB2_1:
0x14: {  	[tilespmem:s4], [sflag:$0x4] =	stream.linear.gather [hbm4b:s5+s4], $0x2800, $0x38;
	[tilespmem:$0x12000] =	vst v63  }
0x15: {  	_ =	swait.ge [sflag:s15], $0x2800  }
0x16: {  	[sflag:s15] =	ssyncset.done $0x0  }
0x17: {  	s0 =	simm.s32 $0x2800;
	[sflag:s15] =	ssyncadd.s32 $0xFFFFD800  }
0x18: {  	[tilespmem:s0], [sflag:$0x4] =	stream.linear.gather [hbm4b:s6+s4], $0x2800, $0x38;
	[tilespmem:$0x12000] =	vst v63  }
0x19: {  	_ =	swait.ge [sflag:s15], $0x2800  }
0x1a: {  	[sflag:s15] =	ssyncset.done $0x0  }
0x1b: {  	[sflag:s15] =	ssyncadd.s32 $0xFFFFD800  }
0x1c: {  	[spmem:s18@s15], [sflag:s17] =	dma.strided [hbm:s8@s20], $0x9C4, s19, $0x4   }
0x1d: {  	_ =	swait.ge [sflag:s15], $0x9C4  }
0x1e: {  	[sflag:s15] =	ssyncset.done $0x0  }
0x1f: {  	s31 =	simm.s32 $0x80;
	s0 =	simm.s32 $0x0;
	[sflag:s15] =	ssyncadd.s32 $0xFFFFF63C  }
.LBB2_2:
0x20: {  	p0 =	sne.s32 s31, $0x3F80;
	[tilespmem:s0+$0x7000] =	vst v0;
	s1 =	smov.u32 s31;
	s31 =	sadd.s32 $0x80, s31  }
.Ltmp0:
0x21: {  	[tilespmem:s0+$0x7010] =	vst v0;
	(pc) =	sbr.rel @p0 .LBB2_2-.Ltmp0, $2  }
0x22: {  	_ =	sdelay $0x2  }
0x23: {  	s0 =	sshra.s32 s1, $0x2  }
0x24: {  	[tilespmem:s0+$0x7000] =	vst v0  }
0x25: {  	[tilespmem:s0+$0x7010] =	vst v0  }
0x26: {  	[spmem:s7] =	stream.linear.scatter [tilespmem:s21], [sflag:$0x4], $0x1000, $0x38;
	[tilespmem:$0x12000] =	vst v63  }
0x27: {  	_ =	swait.ge [sflag:s15], $0x1000  }
0x28: {  	[sflag:s15] =	ssyncset.done $0x0  }
0x29: {  	[sflag:s15] =	ssyncadd.s32 $0xFFFFF000  }
0x2a: {  	[spmem:s9] =	stream.linear.scatter [tilespmem:s21], [sflag:$0x4], $0x1000, $0x38;
	[tilespmem:$0x12000] =	vst v63  }
0x2b: {  	_ =	swait.ge [sflag:s15], $0x1000  }
0x2c: {  	[sflag:s15] =	ssyncset.done $0x0  }
0x2d: {  	[sflag:s15] =	ssyncadd.s32 $0xFFFFF000  }
0x2e: {  	[spmem:s10] =	stream.linear.scatter [tilespmem:s21], [sflag:$0x4], $0x1000, $0x38;
	[tilespmem:$0x12000] =	vst v63  }
0x2f: {  	_ =	swait.ge [sflag:s15], $0x1000  }
0x30: {  	[sflag:s15] =	ssyncset.done $0x0  }
0x31: {  	[sflag:s15] =	ssyncadd.s32 $0xFFFFF000  }
0x32: {  	[spmem:s11] =	stream.linear.scatter [tilespmem:s21], [sflag:$0x4], $0x1000, $0x38;
	[tilespmem:$0x12000] =	vst v63  }
0x33: {  	_ =	swait.ge [sflag:s15], $0x1000  }
0x34: {  	[sflag:s15] =	ssyncset.done $0x0  }
0x35: {  	[sflag:s15] =	ssyncadd.s32 $0xFFFFF000  }
0x36: {  	[spmem:s12] =	stream.linear.scatter [tilespmem:s21], [sflag:$0x4], $0x1000, $0x38;
	[tilespmem:$0x12000] =	vst v63  }
0x37: {  	_ =	swait.ge [sflag:s15], $0x1000  }
0x38: {  	[sflag:s15] =	ssyncset.done $0x0  }
0x39: {  	[sflag:s15] =	ssyncadd.s32 $0xFFFFF000  }
0x3a: {  	s28 =	simm.s32 $0x0;
	[bflag:$0x0] =	sbarrier.arrive $0xFFFF  }
0x3b: {  	[tilespmem:s23], [sflag:$0x1] =	stream.indirect.gather [spmem:s2], $0x20, s28, s22, $0xb8;
	[tilespmem:$0x12000] =	vst v63  }
0x3c: {  	_ = 	snop  }
0x3d: {  	[tilespmem:s24], [sflag:$0x2] =	stream.indirect.gather [spmem:s2], $0x20, s22, s22, $0xb8;
	[tilespmem:$0x12000] =	vst v63  }
0x3e: {  	s1 =	simm.s32 $0x100  }
0x3f: {  	[tilespmem:s21], [sflag:$0x3] =	stream.indirect.gather [spmem:s2], $0x20, s1, s22, $0xb8;
	[tilespmem:$0x12000] =	vst v63  }
0x40: {  	_ =	swait.ge [sflag:s19], $0x1000  }
0x41: {  	[sflag:s19] =	ssyncset.done $0x0  }
0x42: {  	s16 =	simm.s32 $0x2800;
	[sflag:s19] =	ssyncadd.s32 $0xFFFFF000  }
0x43: {  	[spmem:s3] =	stream.indirect.scatter.add.f32 [tilespmem:s23], [sflag:$0x4], $0x20, s16, s22, $0xb8;
	[tilespmem:$0x12000] =	vst v63  }
0x44: {  	_ =	swait.ge [sflag:s15], $0x1000  }
0x45: {  	[sflag:s15] =	ssyncset.done $0x0  }
0x46: {  	s28 =	simm.s32 $0x180;
	[sflag:s15] =	ssyncadd.s32 $0xFFFFF000  }
0x47: {  	[tilespmem:s23], [sflag:$0x1] =	stream.indirect.gather [spmem:s2], $0x20, s28, s22, $0xb8;
	[tilespmem:$0x12000] =	vst v63  }
0x48: {  	_ =	swait.ge [sflag:s25], $0x1000  }
0x49: {  	[sflag:s25] =	ssyncset.done $0x0  }
0x4a: {  	s1 =	simm.s32 $0x2880;
	[sflag:s25] =	ssyncadd.s32 $0xFFFFF000  }
0x4b: {  	[spmem:s3] =	stream.indirect.scatter.add.f32 [tilespmem:s24], [sflag:$0x4], $0x20, s1, s22, $0xb8;
	[tilespmem:$0x12000] =	vst v63  }
0x4c: {  	_ =	swait.ge [sflag:s15], $0x1000  }
0x4d: {  	[sflag:s15] =	ssyncset.done $0x0  }
0x4e: {  	s16 =	simm.s32 $0x200;
	[sflag:s15] =	ssyncadd.s32 $0xFFFFF000  }
0x4f: {  	[tilespmem:s24], [sflag:$0x2] =	stream.indirect.gather [spmem:s2], $0x20, s16, s22, $0xb8;
	[tilespmem:$0x12000] =	vst v63  }
0x50: {  	_ =	swait.ge [sflag:s26], $0x1000  }
0x51: {  	[sflag:s26] =	ssyncset.done $0x0  }
0x52: {  	s28 =	simm.s32 $0x2900;
	[sflag:s26] =	ssyncadd.s32 $0xFFFFF000  }
0x53: {  	[spmem:s3] =	stream.indirect.scatter.add.f32 [tilespmem:s21], [sflag:$0x4], $0x20, s28, s22, $0xb8;
	[tilespmem:$0x12000] =	vst v63  }
0x54: {  	_ =	swait.ge [sflag:s15], $0x1000  }
0x55: {  	s0 =	simm.s32 $0xC00;
	s31 =	simm.s32 $0x180;
	[sflag:s15] =	ssyncset.done $0x0  }
.LBB2_4:
0x56: {  	s1 =	sadd.s32 $0x100, s31  }
0x57: {  	[sflag:s15] =	ssyncadd.s32 $0xFFFFF000;
	s16 =	smov.u32 s0;
	s28 =	sadd.s32 $0x600, s0  }
0x58: {  	[tilespmem:s21], [sflag:$0x3] =	stream.indirect.gather [spmem:s2], $0x20, s1, s22, $0xb8;
	[tilespmem:$0x12000] =	vst v63  }
0x59: {  	p0 =	sne.s32 s0, $0x9600;
	_ =	swait.ge [sflag:s19], $0x1000  }
0x5a: {  	[sflag:s19] =	ssyncset.done $0x0  }
0x5b: {  	s0 =	sadd.s32 $0x2800, s31;
	[sflag:s19] =	ssyncadd.s32 $0xFFFFF000  }
0x5c: {  	[spmem:s3] =	stream.indirect.scatter.add.f32 [tilespmem:s23], [sflag:$0x4], $0x20, s0, s22, $0xb8;
	[tilespmem:$0x12000] =	vst v63  }
0x5d: {  	_ =	swait.ge [sflag:s15], $0x1000  }
0x5e: {  	[sflag:s15] =	ssyncset.done $0x0  }
0x5f: {  	s0 =	sadd.s32 $0x180, s31;
	[sflag:s15] =	ssyncadd.s32 $0xFFFFF000  }
0x60: {  	[tilespmem:s23], [sflag:$0x1] =	stream.indirect.gather [spmem:s2], $0x20, s0, s22, $0xb8;
	[tilespmem:$0x12000] =	vst v63  }
0x61: {  	_ =	swait.ge [sflag:s25], $0x1000  }
0x62: {  	[sflag:s25] =	ssyncset.done $0x0  }
0x63: {  	s0 =	sadd.s32 $0x2880, s31;
	[sflag:s25] =	ssyncadd.s32 $0xFFFFF000  }
0x64: {  	[spmem:s3] =	stream.indirect.scatter.add.f32 [tilespmem:s24], [sflag:$0x4], $0x20, s0, s22, $0xb8;
	[tilespmem:$0x12000] =	vst v63  }
0x65: {  	_ =	swait.ge [sflag:s15], $0x1000  }
0x66: {  	[sflag:s15] =	ssyncset.done $0x0  }
0x67: {  	s0 =	sadd.s32 $0x200, s31;
	[sflag:s15] =	ssyncadd.s32 $0xFFFFF000  }
0x68: {  	[tilespmem:s24], [sflag:$0x2] =	stream.indirect.gather [spmem:s2], $0x20, s0, s22, $0xb8;
	[tilespmem:$0x12000] =	vst v63  }
0x69: {  	_ =	swait.ge [sflag:s26], $0x1000  }
.Ltmp1:
0x6a: {  	[sflag:s26] =	ssyncset.done $0x0;
	(pc) =	sbr.rel @p0 .LBB2_4-.Ltmp1, $4  }
0x6b: {  	s0 =	sadd.s32 $0x2900, s31;
	[sflag:s26] =	ssyncadd.s32 $0xFFFFF000  }
0x6c: {  	[spmem:s3] =	stream.indirect.scatter.add.f32 [tilespmem:s21], [sflag:$0x4], $0x20, s0, s22, $0xb8;
	[tilespmem:$0x12000] =	vst v63  }
0x6d: {  	_ =	swait.ge [sflag:s15], $0x1000  }
0x6e: {  	s31 =	sshra.s32 s16, $0x2;
	s0 =	smov.u32 s28;
	[sflag:s15] =	ssyncset.done $0x0  }
0x6f: {  	s0 =	sadd.s32 $0x100, s31;
	[sflag:s15] =	ssyncadd.s32 $0xFFFFF000  }
0x70: {  	[tilespmem:s21], [sflag:$0x3] =	stream.indirect.gather [spmem:s2], $0x20, s0, s22, $0xb8;
	[tilespmem:$0x12000] =	vst v63  }
0x71: {  	_ =	swait.ge [sflag:s19], $0x1000  }
0x72: {  	[sflag:s19] =	ssyncset.done $0x0  }
0x73: {  	s1 =	sadd.s32 $0x2800, s31;
	[sflag:s19] =	ssyncadd.s32 $0xFFFFF000  }
0x74: {  	[spmem:s3] =	stream.indirect.scatter.add.f32 [tilespmem:s23], [sflag:$0x4], $0x20, s1, s22, $0xb8;
	[tilespmem:$0x12000] =	vst v63  }
0x75: {  	_ =	swait.ge [sflag:s15], $0x1000  }
0x76: {  	[sflag:s15] =	ssyncset.done $0x0  }
0x77: {  	s16 =	sadd.s32 $0x180, s31;
	[sflag:s15] =	ssyncadd.s32 $0xFFFFF000  }
0x78: {  	[tilespmem:s23], [sflag:$0x1] =	stream.indirect.gather [spmem:s2], $0x20, s16, s22, $0xb8;
	[tilespmem:$0x12000] =	vst v63  }
0x79: {  	_ =	swait.ge [sflag:s25], $0x1000  }
0x7a: {  	[sflag:s25] =	ssyncset.done $0x0  }
0x7b: {  	s28 =	sadd.s32 $0x2880, s31;
	[sflag:s25] =	ssyncadd.s32 $0xFFFFF000  }
0x7c: {  	[spmem:s3] =	stream.indirect.scatter.add.f32 [tilespmem:s24], [sflag:$0x4], $0x20, s28, s22, $0xb8;
	[tilespmem:$0x12000] =	vst v63  }
0x7d: {  	_ =	swait.ge [sflag:s15], $0x1000  }
0x7e: {  	[sflag:s15] =	ssyncset.done $0x0  }
0x7f: {  	s1 =	sadd.s32 $0x200, s31;
	[sflag:s15] =	ssyncadd.s32 $0xFFFFF000  }
0x80: {  	[tilespmem:s24], [sflag:$0x2] =	stream.indirect.gather [spmem:s2], $0x20, s1, s22, $0xb8;
	[tilespmem:$0x12000] =	vst v63  }
0x81: {  	_ =	swait.ge [sflag:s26], $0x1000  }
0x82: {  	[sflag:s26] =	ssyncset.done $0x0  }
0x83: {  	s16 =	sadd.s32 $0x2900, s31;
	[sflag:s26] =	ssyncadd.s32 $0xFFFFF000  }
0x84: {  	[spmem:s3] =	stream.indirect.scatter.add.f32 [tilespmem:s21], [sflag:$0x4], $0x20, s16, s22, $0xb8;
	[tilespmem:$0x12000] =	vst v63  }
0x85: {  	_ =	swait.ge [sflag:s15], $0x1000  }
0x86: {  	[sflag:s15] =	ssyncset.done $0x0  }
0x87: {  	[sflag:s15] =	ssyncadd.s32 $0xFFFFF000  }
0x88: {  	_ =	swait.ge [sflag:s19], $0x1000  }
0x89: {  	[sflag:s19] =	ssyncset.done $0x0  }
0x8a: {  	s28 =	simm.s32 $0x4F00;
	[sflag:s19] =	ssyncadd.s32 $0xFFFFF000  }
0x8b: {  	[spmem:s3] =	stream.indirect.scatter.add.f32 [tilespmem:s23], [sflag:$0x4], $0x20, s28, s22, $0xb8;
	[tilespmem:$0x12000] =	vst v63  }
0x8c: {  	_ =	swait.ge [sflag:s15], $0x1000  }
0x8d: {  	[sflag:s15] =	ssyncset.done $0x0  }
0x8e: {  	[sflag:s15] =	ssyncadd.s32 $0xFFFFF000  }
0x8f: {  	_ =	swait.ge [sflag:s25], $0x1000  }
0x90: {  	[sflag:s25] =	ssyncset.done $0x0  }
0x91: {  	[sflag:s25] =	ssyncadd.s32 $0xFFFFF000  }
0x92: {  	[spmem:s3] =	stream.indirect.scatter.add.f32 [tilespmem:s24], [sflag:$0x4], $0x20, s29, s22, $0xb8;
	[tilespmem:$0x12000] =	vst v63  }
0x93: {  	_ =	swait.ge [sflag:s15], $0x1000  }
0x94: {  	s30 =	sadd.s32 $0x1, s30;
	[sflag:s15] =	ssyncset.done $0x0  }
0x95: {  	p0 =	sne.s32 s30, s14;
	[sflag:s15] =	ssyncadd.s32 $0xFFFFF000  }
.Ltmp2:
0x96: {  	s31 =	sshrl.u32 s7, $0x3;
	[bflag:$0x0] =	sbarrier.arrive $0xFFFF;
	(pc) =	sbr.rel @p0 .LBB2_1-.Ltmp2, $4  }
0x97: {  	[hbm:s13@s20], [sflag:s17] =	dma.strided [spmem:s31@s15], $0xA00, s19, $0x4   }
0x98: {  	_ =	swait.ge [sflag:s15], $0xA00  }
0x99: {  	[sflag:s15] =	ssyncset.done $0x0  }
0x9a: {  	[sflag:s15] =	ssyncadd.s32 $0xFFFFF600  }
0x9b: {  	_ =	sfence.sel $0x180000  }
0x9c: {  	[bflag:$0x0] =	sbarrier.arrive $0xFFFF  }
0x9d: {  	_ =	strace $0x9000004D  }
0x9e: {  	s0 =	stileid.u32;
	[bflag:$0x2] =	sbarrier.arrive $0xFFFF  }
0x9f: {  	p0 =	sne.s32 s0, $0x0;
	s0 =	rddreg [dreg:$0x3]  }
0xa0: {  	s0 =	sadd.s32 @!p0 $0x100000, s0  }
0xa1: {  	[sflag:s0] =	ssyncadd.tile.s32 @!p0 $0x1;
	_ =	shalt  }
.Lfunc_end2:
_tile_overlayer_lowered:
.L_overlay_start_2:
0xa2: {  	(tag) =	ssettag $0x2  }
0xa3: {  	s0 =	rddreg [dreg:$0x0];
	s2 =	stileid.u32  }
0xa4: {  	s1 =	rddreg [dreg:$0x1];
	p0 =	sne.s32 s2, $0x0  }
0xa5: {  	s3 =	rddreg [dreg:$0x2];
	[bflag:$0x3] =	sbarrier.arrive $0xFFFF;
	s2 =	simm.s32 @!p0 $0x1C04  }
0xa6: {  	[timem:s3], [sflag:s2] =	dma.local @!p0 [hbm:s0], s1  }
0xa7: {  	s0 =	simm.s32 @!p0 $0x4  }
0xa8: {  	_ =	swait.ge @!p0 [sflag:s0], s1  }
0xa9: {  	s1 =	ssub.s32 @!p0 $0x0, s1;
	[sflag:s0] =	ssyncset.done @!p0 $0x0  }
0xaa: {  	[sflag:s0] =	ssyncadd.s32 @!p0 s1  }
0xab: {  	[bflag:$0x3] =	sbarrier.arrive $0xFFFF  }
0xac: {  	_ =	shalt  }

// kernel: kernel.8.cloned.1.call-start
scs
__scs_entry_jumppad:
0x0: {  	(pc) =	sbr.rel $0x88, $3  }
0x1: {  	(tag) =	ssettag $0x0;
	lr =	simm.s32 $0x1  }
0x2: {  	[smem:$0x3F97] =	sst lr;
	_ =	strace $0xD0000000  }
0x3: {  	_ = 	snop  }
0x4: {  	_ = 	snop  }
0x5: {  	_ = 	snop  }
0x6: {  	_ = 	snop  }
0x7: {  	_ = 	snop  }
__scs_overlays_trampoline_lowered:
0x8: {  	[smem:$0x3FA6] =	sst s0  }
0x9: {  	[smem:$0x3FA7] =	sst s1  }
0xa: {  	[smem:$0x3FA8] =	sst s2  }
0xb: {  	[smem:$0x3FA9] =	sst s3  }
0xc: {  	[smem:$0x3FAA] =	sst s4  }
0xd: {  	[smem:$0x3FAB] =	sst s5  }
0xe: {  	[smem:$0x3FAC] =	sst s6  }
0xf: {  	[smem:$0x3FAD] =	sst s7  }
0x10: {  	[smem:$0x3FAE] =	sst s8  }
0x11: {  	[smem:$0x3FAF] =	sst s9;
	s0 =	simm.s32 @!p0 $0x0  }
0x12: {  	s1 =	sld [smem:$0x3F95];
	s0 =	simm.s32 @p0 $0x1  }
0x13: {  	[smem:$0x3FB0] =	sst s0;
	s0 =	simm.s32 @!p1 $0x0  }
0x14: {  	s2 =	sld [smem:$0x3F94];
	s0 =	simm.s32 @p1 $0x1  }
0x15: {  	[smem:$0x3FB1] =	sst s0;
	s0 =	simm.s32 @!p2 $0x0  }
0x16: {  	s3 =	sld [smem:$0x3FDB];
	s0 =	simm.s32 @p2 $0x1  }
0x17: {  	s4 =	simm.s32 $0x1BF5;
	[smem:$0x3FB3] =	sst s0  }
0x18: {  	s0 =	sld [smem:$0x3F96];
	_ =	swait.ge [sflag:s4], $0x0  }
0x19: {  	s7 =	sld [smem:$0x3F97]  }
0x1a: {  	s8 =	sadd.s32 $0xFFFFE003, lr  }
0x1b: {  	s9 =	sadd.s32 $0xFFFFFEF7, lr;
	s5 =	simm.s32 $0xFFFFFFFF;
	p2 =	slt.u32 s8, $0xFFFFF086  }
0x1c: {  	p1 =	slt.u32 s9, $0xF7A;
	s5 =	simm.s32 @!p2 $0x0  }
0x1d: {  	s5 =	simm.s32 @p1 $0x1;
	p0 =	seq.s32 s7, s2  }
0x1e: {  	s7 =	smul.u32 @!p0 $0xF7A, s2;
	p2 =	seq.s32 @!p0 s5, $0x0  }
0x1f: {  	s9 =	smul.u32 $0xF7A, s1;
	s8 =	simm.s32 @!p0 $0x1BF5;
	p2 =	por !p2, p0  }
0x20: {  	[sflag:s8] =	ssyncset.s32 @!p0 $0xFFFFF086;
	s6 =	sadd.s32 @!p0 s3, s7;
	s7 =	simm.s32 @!p0 $0x108  }
0x21: {  	s3 =	sadd.s32 s3, s9;
	s6 =	sadd.s32 @!p0 $0x88, s6;
	s7 =	simm.s32 @p2 $0x1082  }
0x22: {  	[simem:s7], [sflag:s8] =	dma.local @!p0 [hbm:s6], $0xF7A  }
0x23: {  	s9 =	sor.u32 $0xD0000000, s2;
	s6 =	simm.s32 $0x108;
	_ =	swait.ge @!p0 [sflag:s8], $0x0  }
0x24: {  	s3 =	sadd.s32 $0x88, s3;
	s6 =	simm.s32 @!p1 $0x1082;
	[sflag:s4] =	ssyncset.s32 $0xFFFFF086  }
0x25: {  	[simem:s6], [sflag:s4] =	dma.local [hbm:s3], $0xF7A  }
0x26: {  	[smem:$0x3F97] =	sst s1;
	(tag) =	ssettag s2;
	_ =	strace s9  }
0x27: {  	s1 =	sld [smem:$0x3FA7]  }
0x28: {  	s2 =	sld [smem:$0x3FA8]  }
0x29: {  	s4 =	sld [smem:$0x3FAA]  }
0x2a: {  	p0 =	seq.s32 s5, $0x0;
	s5 =	sld [smem:$0x3FAB]  }
0x2b: {  	s6 =	sld [smem:$0x3FAC]  }
0x2c: {  	s7 =	sld [smem:$0x3FAD]  }
0x2d: {  	s3 =	simm.s32 $0x108;
	s8 =	sld [smem:$0x3FAE]  }
0x2e: {  	s3 =	simm.s32 @!p0 $0x1082;
	s9 =	sld [smem:$0x3FAF]  }
0x2f: {  	lr =	sadd.s32 s0, s3;
	s0 =	sld [smem:$0x3FA6]  }
0x30: {  	s3 =	sld [smem:$0x3FA9]  }
0x31: {  	[smem:$0x3FB2] =	sst s10  }
0x32: {  	s10 =	sld [smem:$0x3FB0];
	_ =	sdelay $0x3  }
0x33: {  	p0 =	seq.s32 s10, $0x1;
	s10 =	sld [smem:$0x3FB2];
	_ =	sdelay $0x3  }
0x34: {  	[smem:$0x3FB2] =	sst s10  }
0x35: {  	s10 =	sld [smem:$0x3FB1];
	_ =	sdelay $0x3  }
0x36: {  	p1 =	seq.s32 s10, $0x1;
	s10 =	sld [smem:$0x3FB2];
	_ =	sdelay $0x3  }
0x37: {  	[smem:$0x3FB2] =	sst s10  }
0x38: {  	s10 =	sld [smem:$0x3FB3]  }
0x39: {  	_ = 	snop;
	(pc) =	sbr.ind lr, $3  }
0x3a: {  	_ = 	snop  }
0x3b: {  	_ = 	snop  }
0x3c: {  	p2 =	seq.s32 s10, $0x1;
	s10 =	sld [smem:$0x3FB2]  }
0x3d: {  	_ =	shalt  }
0x3e: {  	_ =	shalt  }
0x3f: {  	_ =	shalt  }
0x40: {  	_ =	shalt  }
0x41: {  	_ =	shalt  }
0x42: {  	_ =	shalt  }
0x43: {  	_ =	shalt  }
0x44: {  	_ =	shalt  }
0x45: {  	_ =	shalt  }
0x46: {  	_ =	shalt  }
0x47: {  	_ =	shalt  }
0x48: {  	_ =	shalt  }
0x49: {  	_ =	shalt  }
0x4a: {  	_ =	shalt  }
0x4b: {  	_ =	shalt  }
0x4c: {  	_ =	shalt  }
0x4d: {  	_ =	shalt  }
0x4e: {  	_ =	shalt  }
0x4f: {  	_ =	shalt  }
0x50: {  	_ =	shalt  }
0x51: {  	_ =	shalt  }
0x52: {  	_ =	shalt  }
0x53: {  	_ =	shalt  }
0x54: {  	_ =	shalt  }
0x55: {  	_ =	shalt  }
0x56: {  	_ =	shalt  }
0x57: {  	_ =	shalt  }
0x58: {  	_ =	shalt  }
0x59: {  	_ =	shalt  }
0x5a: {  	_ =	shalt  }
0x5b: {  	_ =	shalt  }
0x5c: {  	_ =	shalt  }
0x5d: {  	_ =	shalt  }
0x5e: {  	_ =	shalt  }
0x5f: {  	_ =	shalt  }
0x60: {  	_ =	shalt  }
0x61: {  	_ =	shalt  }
0x62: {  	_ =	shalt  }
0x63: {  	_ =	shalt  }
0x64: {  	_ =	shalt  }
0x65: {  	_ =	shalt  }
0x66: {  	_ =	shalt  }
0x67: {  	_ =	shalt  }
0x68: {  	_ =	shalt  }
0x69: {  	_ =	shalt  }
0x6a: {  	_ =	shalt  }
0x6b: {  	_ =	shalt  }
0x6c: {  	_ =	shalt  }
0x6d: {  	_ =	shalt  }
0x6e: {  	_ =	shalt  }
0x6f: {  	_ =	shalt  }
0x70: {  	_ =	shalt  }
0x71: {  	_ =	shalt  }
0x72: {  	_ =	shalt  }
0x73: {  	_ =	shalt  }
0x74: {  	_ =	shalt  }
0x75: {  	_ =	shalt  }
0x76: {  	_ =	shalt  }
0x77: {  	_ =	shalt  }
0x78: {  	_ =	shalt  }
0x79: {  	_ =	shalt  }
0x7a: {  	_ =	shalt  }
0x7b: {  	_ =	shalt  }
0x7c: {  	_ =	shalt  }
0x7d: {  	_ =	shalt  }
0x7e: {  	_ =	shalt  }
0x7f: {  	_ =	shalt  }
0x80: {  	_ =	shalt  }
0x81: {  	_ =	shalt  }
0x82: {  	_ =	shalt  }
0x83: {  	_ =	shalt  }
0x84: {  	_ =	shalt  }
0x85: {  	_ =	shalt  }
0x86: {  	_ =	shalt  }
0x87: {  	_ =	shalt  }
.Lfunc_end0:
.L_simem_size_0:
called_computation_lowered:
.L_overlay_start_0:
0x88: {  	s2 =	sld [smem:$0x3FD9]  }
0x89: {  	s3 =	sld [smem:$0x3FFE];
	_ =	sdelay $0x1  }
0x8a: {  	s1 =	srdreg.scid  }
0x8b: {  	s0 =	sand.u32 $0x1, s1  }
0x8c: {  	s16 =	sshll.u32 s0, $0xA;
	s2 =	sadd.s32 s3, s2  }
0x8d: {  	s2 =	sadd.s32 s2, s16  }
0x8e: {  	[smem:$0x3FBE] =	sst s2  }
0x8f: {  	_ = 	snop  }
0x90: {  	(tm) =	ssettm $0x1  }
0x91: {  	s17 =	sld [smem:$0x3FFB];
	_ =	sdelay $0x3  }
0x92: {  	_ =	strace s17  }
0x93: {  	s2 =	sld [smem:$0x3FFC];
	_ =	sdelay $0x3  }
0x94: {  	_ =	strace s2  }
0x95: {  	s2 =	sld [smem:$0x3FFD];
	_ =	sdelay $0x3  }
0x96: {  	_ =	strace s2  }
0x97: {  	_ =	strace $0x8FFFFFFF  }
0x98: {  	s18 =	sld [smem:$0x3FDB];
	_ =	sdelay $0x1  }
0x99: {  	s19 =	simm.s32 $_scs_section_size  }
0x9a: {  	s4 =	simm.s32 $_size__tile_overlayer_lowered;
	s5 =	simm.s32 $_tile_overlayer_lowered  }
0x9b: {  	s22 =	simm.s32 $0x1BFF;
	s21 =	sshll.u32 s5, $0x1;
	s2 =	sadd.s32 s19, s18  }
0x9c: {  	s6 =	simm.s32 $0x0;
	s20 =	sshll.u32 s4, $0x1;
	s4 =	sadd.s32 s21, s2  }
0x9d: {  	[timem:s6], [sflag:s22] =	dma.local [hbm:s4], s20  }
0x9e: {  	_ =	swait.ge [sflag:s22], s20  }
0x9f: {  	s3 =	ssub.s32 $0x0, s20;
	[sflag:s22] =	ssyncset.done $0x0  }
0xa0: {  	[sflag:s22] =	ssyncadd.s32 s3;
	_ =	sdelay $0x1  }
0xa1: {  	s23 =	simm.s32 $0x1B8B  }
0xa2: {  	_ =	swait.ge [sflag:s23], $0x1  }
0xa3: {  	[sflag:s23] =	ssyncset.done $0x0  }
0xa4: {  	s25 =	simm.s32 $0x1B8E;
	s24 =	sld [smem:$0x3FFE];
	[sflag:s23] =	ssyncadd.s32 $0xFFFFFFFF  }
0xa5: {  	s26 =	simm.s32 $execute0_lowered;
	[smem:$0x3FD2] =	sst s25  }
0xa6: {  	s4 =	sshll.u32 s26, $0x1;
	_ =	strace $0x80000046;
	[dreg:$0x1] =	wrdreg $0xFFFFFFFF  }
0xa7: {  	s28 =	simm.s32 $_size_execute0_lowered;
	s2 =	sadd.s32 s2, s4;
	[dreg:$0x0] =	wrdreg $0x0  }
0xa8: {  	s4 =	sshll.u32 s28, $0x1;
	[dreg:$0x2] =	wrdreg s2  }
0xa9: {  	[dreg:$0x3] =	wrdreg s4  }
0xaa: {  	[dreg:$0x4] =	wrdreg $0xC0  }
0xab: {  	_ =	task [dreg:s6], $0x5FFFF  }
0xac: {  	[dreg:$0x1] =	wrdreg $0xFFFFFFFF  }
0xad: {  	[dreg:$0x0] =	wrdreg $0x60  }
0xae: {  	[dreg:$0x2] =	wrdreg s24  }
0xaf: {  	[dreg:$0x3] =	wrdreg $0x38000  }
0xb0: {  	[dreg:$0x4] =	wrdreg $0x9  }
0xb1: {  	_ =	task.clear_ibuf [dreg:s6], $0x5FFFF;
	_ =	strace $0x90000046  }
0xb2: {  	s29 =	simm.s32 $0x9;
	_ =	strace $0x80000048  }
0xb3: {  	_ =	swait.ge [sflag:s29], $0x1  }
0xb4: {  	[sflag:s29] =	ssyncadd.s32 $0xFFFFFFFF  }
0xb5: {  	_ =	strace $0x90000048  }
0xb6: {  	_ =	sfence  }
0xb7: {  	s30 =	sld [smem:$0x0];
	_ =	sdelay $0x2  }
0xb8: {  	s31 =	sshll.u32 s1, $0xD;
	s1 =	sshrl.u32 s1, $0x2  }
0xb9: {  	s3 =	sand.u32 $0x4000, s31;
	s1 =	sadd.s32 s1, s30  }
0xba: {  	s0 =	sor.u32 s3, s0;
	s1 =	sshll.u32 s1, $0x11  }
0xbb: {  	s0 =	sor.u32 s1, s0  }
0xbc: {  	s0 =	sadd.s32 $0x8F2B, s0  }
0xbd: {  	[sflag:s0] =	ssyncadd.remote.s32 $0x1  }
0xbe: {  	_ =	sfence.sel $0xFFFF  }
0xbf: {  	[dreg:$0x0] =	wrdreg $0xFFFFFFFF;
	(pc) =	sbr.abs _section_cstart, $3  }
0xc0: {  	[dreg:$0x1] =	wrdreg $0xFFFFFFFF  }
0xc1: {  	_ =	task.clear_ibuf [dreg:s6], $0x2FFFF;
	_ =	strace $0x9FFFFFFF  }
0xc2: {  	(tm) =	ssettm $0x7FFFFFFF  }
0xc3: {  	_ =	shalt  }
tec
execute0_lowered:
.L_overlay_start_1:
0x0: {  	(tag) =	ssettag $0x1  }
0x1: {  	s1 =	srdreg.scid;
	s5 =	rddreg [dreg:$0x0]  }
0x2: {  	s0 =	stileid.u32;
	s2 =	rddreg [dreg:$0x1];
	s3 =	simm.s32 $0x0  }
0x3: {  	s12 =	simm.s32 $0x2;
	s13 =	simm.s32 $0x3000;
	s14 =	simm.s32 $0x80  }
0x4: {  	s15 =	simm.s32 $0x2800;
	s16 =	simm.s32 $0x1;
	s19 =	simm.s32 $0x10  }
0x5: {  	s20 =	simm.s32 $0x0;
	s4 =	sand.u32 $0x1, s1;
	s7 =	smul.u32 $0x14000, s0  }
0x6: {  	s28 =	sshll.u32 s0, $0x1;
	[smem:$0x7FF] =	sst s3;
	s9 =	smul.u32 $0xA000, s0  }
0x7: {  	s17 =	sshll.u32 s0, $0x6;
	s1 =	sor.u32 s4, s28;
	s8 =	sshll.u32 s4, $0x4  }
0x8: {  	s29 =	ssub.s32 $0x2, s4;
	s17 =	sor.u32 $0x1C02, s17;
	s6 =	smul.u32 $0x500, s1  }
0x9: {  	s1 =	rddreg [dreg:$0x2];
	_ =	strace $0x80000047;
	s7 =	sor.u32 s8, s7  }
0xa: {  	s30 =	sshrl.u32 s9, $0x2;
	s31 =	sshrl.u32 s29, $0x1;
	s7 =	sshrl.u32 s7, $0x3  }
0xb: {  	s4 =	sadd.s32 s30, s2;
	s11 =	ssub.s32 s29, s31;
	s6 =	sadd.s32 s6, s5  }
0xc: {  	s10 =	sadd.s32 s7, s5;
	s7 =	sadd.s32 $0x1000, s4;
	s8 =	sadd.s32 $0x1800, s4  }
0xd: {  	s9 =	sadd.s32 $0x2000, s4;
	s11 =	smax.u32 s11, $0x1;
	s18 =	sshrl.u32 s4, $0x3  }
0xe: {  	v0 =	vimm.f32 $0.0e+00;
	v1 =	vimm.f32 $1.000000000e+00;
	s5 =	sadd.s32 $0x2600, s6;
	s6 =	sadd.s32 $0x800, s4;
	s10 =	sadd.s32 $0xC600, s10  }
.LBB2_1:
0xf: {  	[tilespmem:s3], [sflag:$0x2] =	stream.linear.gather [hbm4b:s5+s3], $0x2800, $0x38;
	[tilespmem:$0x6000] =	vst v63  }
0x10: {  	_ =	swait.ge [sflag:s12], $0x2800  }
0x11: {  	[sflag:s12] =	ssyncset.done $0x0  }
0x12: {  	s21 =	simm.s32 $0x40;
	s22 =	simm.s32 $0x0;
	[sflag:s12] =	ssyncadd.s32 $0xFFFFD800  }
.LBB2_2:
0x13: {  	p0 =	sne.s32 s21, $0x1FC0;
	[tilespmem:s22+$0x3000] =	vst v0;
	s23 =	smov.u32 s21;
	s21 =	sadd.s32 $0x40, s21  }
.Ltmp0:
0x14: {  	[tilespmem:s22+$0x2800] =	vst v1;
	(pc) =	sbr.rel @p0 .LBB2_2-.Ltmp0, $2  }
0x15: {  	_ =	sdelay $0x2  }
0x16: {  	s22 =	sshra.s32 s23, $0x2  }
0x17: {  	[tilespmem:s22+$0x3000] =	vst v0  }
0x18: {  	[tilespmem:s22+$0x2800] =	vst v1  }
0x19: {  	[spmem:s4] =	stream.linear.scatter [tilespmem:s13], [sflag:$0x2], $0x800, $0x38;
	[tilespmem:$0x6000] =	vst v63  }
0x1a: {  	_ =	swait.ge [sflag:s12], $0x800  }
0x1b: {  	[sflag:s12] =	ssyncset.done $0x0  }
0x1c: {  	[sflag:s12] =	ssyncadd.s32 $0xFFFFF800  }
0x1d: {  	[spmem:s6] =	stream.linear.scatter [tilespmem:s13], [sflag:$0x2], $0x800, $0x38;
	[tilespmem:$0x6000] =	vst v63  }
0x1e: {  	_ =	swait.ge [sflag:s12], $0x800  }
0x1f: {  	[sflag:s12] =	ssyncset.done $0x0  }
0x20: {  	[sflag:s12] =	ssyncadd.s32 $0xFFFFF800  }
0x21: {  	[spmem:s7] =	stream.linear.scatter [tilespmem:s13], [sflag:$0x2], $0x800, $0x38;
	[tilespmem:$0x6000] =	vst v63  }
0x22: {  	_ =	swait.ge [sflag:s12], $0x800  }
0x23: {  	[sflag:s12] =	ssyncset.done $0x0  }
0x24: {  	[sflag:s12] =	ssyncadd.s32 $0xFFFFF800  }
0x25: {  	[spmem:s8] =	stream.linear.scatter [tilespmem:s13], [sflag:$0x2], $0x800, $0x38;
	[tilespmem:$0x6000] =	vst v63  }
0x26: {  	_ =	swait.ge [sflag:s12], $0x800  }
0x27: {  	[sflag:s12] =	ssyncset.done $0x0  }
0x28: {  	[sflag:s12] =	ssyncadd.s32 $0xFFFFF800  }
0x29: {  	[spmem:s9] =	stream.linear.scatter [tilespmem:s13], [sflag:$0x2], $0x800, $0x38;
	[tilespmem:$0x6000] =	vst v63  }
0x2a: {  	_ =	swait.ge [sflag:s12], $0x800  }
0x2b: {  	[sflag:s12] =	ssyncset.done $0x0  }
0x2c: {  	[sflag:s12] =	ssyncadd.s32 $0xFFFFF800  }
0x2d: {  	s21 =	simm.s32 $0x0;
	[bflag:$0x0] =	sbarrier.arrive $0xFFFF  }
.LBB2_4:
0x2e: {  	p0 =	sne.s32 s21, $0x9E00  }
.Ltmp1:
0x2f: {  	_ = 	snop;
	(pc) =	sbr.rel @p0 .LBB2_4-.Ltmp1, $3  }
0x30: {  	_ =	sdelay $0x1  }
0x31: {  	s22 =	sshra.s32 s21, $0x2;
	s21 =	sadd.s32 $0x200, s21  }
0x32: {  	[spmem:s2] =	stream.indirect.scatter.add.f32 [tilespmem:s15], [sflag:$0x1], $0x10, s22, s14, $0xb8;
	[tilespmem:$0x6000] =	vst v63  }
0x33: {  	_ =	swait.ge [sflag:s16], $0x800  }
0x34: {  	s21 =	simm.s32 $0x4F;
	[sflag:s16] =	ssyncset.done $0x0  }
.LBB2_6:
0x35: {  	p0 =	sne.s32 s21, $0x1;
	s21 =	sadd.s32 $0xFFFFFFFF, s21;
	[sflag:s16] =	ssyncadd.s32 $0xFFFFF800  }
.Ltmp2:
0x36: {  	(pc) =	sbr.rel @p0 .LBB2_6-.Ltmp2, $3  }
0x37: {  	_ =	sdelay $0x1  }
0x38: {  	_ =	swait.ge [sflag:s16], $0x800  }
0x39: {  	[sflag:s16] =	ssyncset.done $0x0  }
0x3a: {  	s20 =	sadd.s32 $0x1, s20  }
0x3b: {  	[sflag:s16] =	ssyncadd.s32 $0xFFFFF800;
	p0 =	sne.s32 s20, s11  }
.Ltmp3:
0x3c: {  	[bflag:$0x0] =	sbarrier.arrive $0xFFFF;
	(pc) =	sbr.rel @p0 .LBB2_1-.Ltmp3, $4  }
0x3d: {  	[hbm:s10@s19], [sflag:s17] =	dma.strided [spmem:s18@s12], $0x500, s16, $0x2   }
0x3e: {  	_ =	swait.ge [sflag:s12], $0x500  }
0x3f: {  	[sflag:s12] =	ssyncset.done $0x0  }
0x40: {  	[sflag:s12] =	ssyncadd.s32 $0xFFFFFB00  }
0x41: {  	_ =	sfence.sel $0x180000  }
0x42: {  	[bflag:$0x0] =	sbarrier.arrive $0xFFFF  }
0x43: {  	p0 =	sne.s32 s0, $0x0;
	_ =	strace $0x90000047  }
0x44: {  	s0 =	sadd.s32 @!p0 $0x100000, s1;
	[bflag:$0x2] =	sbarrier.arrive $0xFFFF  }
0x45: {  	[sflag:s0] =	ssyncadd.tile.s32 @!p0 $0x1;
	_ =	shalt  }
.Lfunc_end2:
_tile_overlayer_lowered:
.L_overlay_start_2:
0x46: {  	(tag) =	ssettag $0x2  }
0x47: {  	s0 =	rddreg [dreg:$0x0];
	s2 =	stileid.u32  }
0x48: {  	s1 =	rddreg [dreg:$0x1];
	p0 =	sne.s32 s2, $0x0  }
0x49: {  	s3 =	rddreg [dreg:$0x2];
	[bflag:$0x3] =	sbarrier.arrive $0xFFFF;
	s2 =	simm.s32 @!p0 $0x1C02  }
0x4a: {  	[timem:s3], [sflag:s2] =	dma.local @!p0 [hbm:s0], s1  }
0x4b: {  	s0 =	simm.s32 @!p0 $0x2  }
0x4c: {  	_ =	swait.ge @!p0 [sflag:s0], s1  }
0x4d: {  	s1 =	ssub.s32 @!p0 $0x0, s1;
	[sflag:s0] =	ssyncset.done @!p0 $0x0  }
0x4e: {  	[sflag:s0] =	ssyncadd.s32 @!p0 s1  }
0x4f: {  	[bflag:$0x3] =	sbarrier.arrive $0xFFFF  }
0x50: {  	_ =	shalt  }

</sc_bundles>
